<compile_context>
chip_gen: v7x
topology: tpu7x:2x2x1
jax: 0.10.2.dev20260603
libtpu: 0.0.44.dev20260713+nightly
codegen_flags: <defaults>
</compile_context>

<pallas_src>
import functools

import jax
import jax.numpy as jnp
from jax import lax
from jax.experimental import pallas as pl
from jax.experimental.pallas import tpu as pltpu
from jax.experimental.pallas import tpu_sc as plsc

_VOCAB = 100000
_EMBED = 128
_HIDDEN = 256
_NC = 2
_NS = 16
_NW = _NC * _NS
_CH = 128


def _mm_body(e_ref, w_ref, b_ref, o_ref):
    res = lax.dot_general(
        e_ref[...], w_ref[...], (((1,), (1,)), ((), ())),
        preferred_element_type=jnp.float32) + b_ref[...]
    o_ref[...] = res.reshape(o_ref.shape)


def _mm_body_alias(e_ref, w_ref, b_ref, a_ref, o_ref):
    del a_ref
    _mm_body(e_ref, w_ref, b_ref, o_ref)


def _project_rows_part(emb_part, W, b, prev_out, l0, nl, bsz, hist):
    bl = 2
    in_specs = [
        pl.BlockSpec((bl * bsz, _EMBED), lambda i: (i, 0)),
        pl.BlockSpec((_HIDDEN, _EMBED), lambda i: (0, 0)),
        pl.BlockSpec((1, _HIDDEN), lambda i: (0, 0)),
    ]
    args = [emb_part, W, b.reshape(1, _HIDDEN)]
    body = _mm_body
    aliases = {}
    if prev_out is not None:
        in_specs.append(pl.BlockSpec(memory_space=pl.ANY))
        args.append(prev_out)
        body = _mm_body_alias
        aliases = {3: 0}
    return pl.pallas_call(
        body,
        grid=(nl // bl,),
        in_specs=in_specs,
        out_specs=pl.BlockSpec((bl, bsz, _HIDDEN),
                               lambda i, lb=l0 // bl: (i + lb, 0, 0)),
        out_shape=jax.ShapeDtypeStruct((hist, bsz, _HIDDEN), jnp.float32),
        input_output_aliases=aliases,
    )(*args)


@functools.lru_cache(maxsize=None)
def _make_gather(nchunk, loff, width):
    bpw = nchunk * _CH
    n_rows = bpw * _NW
    mesh = plsc.VectorSubcoreMesh(core_axis_name="c", subcore_axis_name="s",
                                  num_cores=_NC, num_subcores=_NS)

    nh = nchunk // 2

    @functools.partial(
        pl.kernel,
        out_type=jax.ShapeDtypeStruct((n_rows, width), jnp.float32),
        mesh=mesh,
        scratch_types=[
            pltpu.VMEM((bpw,), jnp.int32),
            pltpu.VMEM((_CH, width), jnp.float32),
            pltpu.VMEM((_CH, width), jnp.float32),
            pltpu.SemaphoreType.DMA,
            pltpu.SemaphoreType.DMA,
        ],
    )
    def gather(idx_hbm, p_hbm, out_hbm, idx_v, rows0, rows1, sem0, sem1):
        wid = lax.axis_index("s") * _NC + lax.axis_index("c")
        base = wid * bpw
        pltpu.sync_copy(
            idx_hbm.at[pl.ds((loff + wid * nchunk) * _CH, bpw)], idx_v)

        def ichunk(c):
            return idx_v.at[pl.ds(c * _CH, _CH)]

        pltpu.async_copy(p_hbm.at[ichunk(0)], rows0, sem0)

        def body(h, carry):
            c0 = 2 * h
            pltpu.async_copy(p_hbm.at[ichunk(c0 + 1)], rows1, sem1)
            pltpu.make_async_copy(p_hbm.at[ichunk(c0)], rows0, sem0).wait()
            pltpu.sync_copy(rows0, out_hbm.at[pl.ds(base + c0 * _CH, _CH)])

            @pl.when(h + 1 < nh)
            def _():
                pltpu.async_copy(p_hbm.at[ichunk(c0 + 2)], rows0, sem0)

            pltpu.make_async_copy(p_hbm.at[ichunk(c0 + 1)], rows1, sem1).wait()
            pltpu.sync_copy(
                rows1, out_hbm.at[pl.ds(base + (c0 + 1) * _CH, _CH)])
            return carry

        lax.fori_loop(0, nh, body, 0)

    return gather


_GROUP_SIZES = (2, 4, 8, 12, 14, 10)


def kernel(indices, table, W, b):
    bsz, hist = indices.shape
    idx2 = indices.T.astype(jnp.int32).reshape(bsz * hist)
    embs = []
    l0 = 0
    for nl in _GROUP_SIZES:
        loff = l0 * (bsz // _CH)
        embs.append(_make_gather(nl * bsz // _NW // _CH, loff, _EMBED)(
            idx2, table))
        l0 += nl
    out_t = None
    l0 = 0
    for g, nl in enumerate(_GROUP_SIZES):
        out_t = _project_rows_part(embs[g], W, b, out_t, l0, nl, bsz, hist)
        l0 += nl
    return out_t.transpose(1, 0, 2)

# --- scband reference (transcript-rebuilt; emitter-appended) ---
"""Pipeline reference for scband-embedding-packed-6700148982047 (READ-ONLY COPY).

The authoritative reference and input builder live on the scoring server;
editing this copy changes nothing except your own understanding.
"""

import jax, jax.numpy as jnp
import numpy as np

VOCAB = 100000
EMBED_DIM = 128
HIDDEN = 256
BATCH = 4096
HIST = 50

def setup_inputs(seed: int = 0) -> dict:
    key = jax.random.key(seed)
    k1, k2, k3, k4 = jax.random.split(key, 4)
    indices = jax.random.randint(k1, (BATCH, HIST), 0, VOCAB, dtype=jnp.int64 if jax.config.jax_enable_x64 else jnp.int32)
    table = jax.random.normal(k2, (VOCAB, EMBED_DIM), dtype=jnp.float32)
    # torch.nn.Linear default init: U(-1/sqrt(fan_in), 1/sqrt(fan_in))
    bound = 1.0 / np.sqrt(EMBED_DIM)
    W = jax.random.uniform(k3, (HIDDEN, EMBED_DIM), minval=-bound, maxval=bound, dtype=jnp.float32)
    b = jax.random.uniform(k4, (HIDDEN,), minval=-bound, maxval=bound, dtype=jnp.float32)
    return {"indices": indices, "table": table, "W": W, "b": b}

def reference(indices, table, W, b):
    # embedding lookup (gather rows)
    emb = jnp.take(table, indices, axis=0)          # [B, L, EMBED_DIM]
    # linear projection: y = emb @ W^T + b
    out = jnp.einsum('blk,hk->blh', emb, W) + b     # [B, L, HIDDEN]
    return out

if __name__ == "__main__":
    import jax
    _d = setup_inputs()
    print(jax.jit(kernel)(*tuple(_d.values())))

</pallas_src>

<mosaic_0001>
#map = affine_map<(d0, d1) -> (0)>
#map1 = affine_map<(d0, d1) -> (0, 0)>
module attributes {stable_mosaic.version = 14 : i64} {
  func.func @gather(%arg0: i32, %arg1: i32, %arg2: memref<204800xi32, #tpu.memory_space<hbm>>, %arg3: memref<100000x128xf32, #tpu.memory_space<hbm>>, %arg4: memref<32768x128xf32, #tpu.memory_space<hbm>>, %arg5: memref<1024xi32, #tpu.memory_space<vmem>>, %arg6: memref<128x128xf32, #tpu.memory_space<vmem>>, %arg7: memref<128x128xf32, #tpu.memory_space<vmem>>, %arg8: memref<!tpu.dma_semaphore, #tpu.memory_space<semaphore_mem>>, %arg9: memref<!tpu.dma_semaphore, #tpu.memory_space<semaphore_mem>>) attributes {dimension_semantics = [#tpu.dimension_semantics<core_parallel>, #tpu.dimension_semantics<subcore_parallel>], iteration_bounds = array<i64: 2, 16>, scalar_prefetch = 0 : i64, scratch_operands = 5 : i64, tpu.core_type = #tpu.core_type<sc_vector_subcore>, window_params = [{transform_indices = #map}, {transform_indices = #map1}, {transform_indices = #map1}]} {
    %mul3A = arith.constant 2 : i32
    %mul3A_0 = arith.muli %arg1, %mul3A : i32
    %add3A = arith.addi %mul3A_0, %arg0 : i32
    %mul3A_1 = arith.constant 1024 : i32
    %mul3A_2 = arith.muli %add3A, %mul3A_1 : i32
    %mul3A_3 = arith.constant 8 : i32
    %mul3A_4 = arith.muli %add3A, %mul3A_3 : i32
    %add3A_5 = arith.constant 192 : i32
    %add3A_6 = arith.addi %add3A_5, %mul3A_4 : i32
    %mul3A_7 = arith.constant 128 : i32
    %mul3A_8 = arith.muli %add3A_6, %mul3A_7 : i32
    "tpu.region"() ({
      %run_scoped3A = tpu.sem_alloc : memref<!tpu.dma_semaphore, #tpu.memory_space<semaphore_mem>>
      %dma_start3A_18 = tpu.memref_slice %arg2[%mul3A_8] : memref<204800xi32, #tpu.memory_space<hbm>> -> memref<1024xi32, #tpu.memory_space<hbm>>
      %dma_start3A_19 = tpu.memref_slice %arg2[%mul3A_8] : memref<204800xi32, #tpu.memory_space<hbm>> -> memref<1024xi32, #tpu.memory_space<hbm>>
      tpu.enqueue_dma source(%dma_start3A_19 : memref<1024xi32, #tpu.memory_space<hbm>>) target(%arg5 : memref<1024xi32, #tpu.memory_space<vmem>>) target_semaphore(%run_scoped3A : memref<!tpu.dma_semaphore, #tpu.memory_space<semaphore_mem>>)
      %dma_wait3A = tpu.memref_slice %arg2[%mul3A_8] : memref<204800xi32, #tpu.memory_space<hbm>> -> memref<1024xi32, #tpu.memory_space<hbm>>
      %dma_wait3A_20 = tpu.memref_slice %arg2[%mul3A_8] : memref<204800xi32, #tpu.memory_space<hbm>> -> memref<1024xi32, #tpu.memory_space<hbm>>
      tpu.wait_dma2 semaphore(%run_scoped3A : memref<!tpu.dma_semaphore, #tpu.memory_space<semaphore_mem>>) src(%dma_wait3A_20 : memref<1024xi32, #tpu.memory_space<hbm>>) dst(%arg5 : memref<1024xi32, #tpu.memory_space<vmem>>)
      tpu.yield
    }) : () -> ()
    %dma_start3A = arith.constant 0 : i32
    %dma_start3A_9 = tpu.memref_slice %arg5[%dma_start3A] : memref<1024xi32, #tpu.memory_space<vmem>> -> memref<128xi32, #tpu.memory_space<vmem>>
    %dma_start3A_10 = arith.constant 0 : i32
    %dma_start3A_11 = arith.constant 0 : i32
    %dma_start3A_12 = tpu.memref_slice %arg3[%dma_start3A_10, %dma_start3A_11] : memref<100000x128xf32, #tpu.memory_space<hbm>> -> memref<100000x128xf32, #tpu.memory_space<hbm>>
    tpu.enqueue_indirect_dma source(%dma_start3A_12 : memref<100000x128xf32, #tpu.memory_space<hbm>>) target(%arg6 : memref<128x128xf32, #tpu.memory_space<vmem>>) offsets(%dma_start3A_9 : memref<128xi32, #tpu.memory_space<vmem>>) semaphore(%arg8 : memref<!tpu.dma_semaphore, #tpu.memory_space<semaphore_mem>>)
    %scan3A = arith.constant 0 : i32
    %scan3A_13 = arith.constant 0 : i32
    %scan3A_14 = arith.constant 4 : i32
    %scan3A_15 = arith.addi %scan3A_13, %scan3A_14 : i32
    %scan3A_16 = arith.constant 1 : i32
    scf.for %scan3A_18 = %scan3A_13 to %scan3A_15 step %scan3A_16  : i32 {
      %mul3A_19 = arith.constant 2 : i32
      %mul3A_20 = arith.muli %mul3A_19, %scan3A_18 : i32
      %add3A_21 = arith.constant 1 : i32
      %add3A_22 = arith.addi %mul3A_20, %add3A_21 : i32
      %mul3A_23 = arith.constant 128 : i32
      %mul3A_24 = arith.muli %add3A_22, %mul3A_23 : i32
      %dma_start3A_25 = tpu.memref_slice %arg5[%mul3A_24] : memref<1024xi32, #tpu.memory_space<vmem>> -> memref<128xi32, #tpu.memory_space<vmem>>
      %dma_start3A_26 = arith.constant 0 : i32
      %dma_start3A_27 = arith.constant 0 : i32
      %dma_start3A_28 = tpu.memref_slice %arg3[%dma_start3A_26, %dma_start3A_27] : memref<100000x128xf32, #tpu.memory_space<hbm>> -> memref<100000x128xf32, #tpu.memory_space<hbm>>
      tpu.enqueue_indirect_dma source(%dma_start3A_28 : memref<100000x128xf32, #tpu.memory_space<hbm>>) target(%arg7 : memref<128x128xf32, #tpu.memory_space<vmem>>) offsets(%dma_start3A_25 : memref<128xi32, #tpu.memory_space<vmem>>) semaphore(%arg9 : memref<!tpu.dma_semaphore, #tpu.memory_space<semaphore_mem>>)
      %mul3A_29 = arith.constant 128 : i32
      %mul3A_30 = arith.muli %mul3A_20, %mul3A_29 : i32
      %dma_wait3A = tpu.memref_slice %arg5[%mul3A_30] : memref<1024xi32, #tpu.memory_space<vmem>> -> memref<128xi32, #tpu.memory_space<vmem>>
      %dma_wait3A_31 = arith.constant 0 : i32
      %dma_wait3A_32 = arith.constant 0 : i32
      %dma_wait3A_33 = tpu.memref_slice %arg3[%dma_wait3A_31, %dma_wait3A_32] : memref<100000x128xf32, #tpu.memory_space<hbm>> -> memref<100000x128xf32, #tpu.memory_space<hbm>>
      tpu.wait_indirect_dma semaphore(%arg8 : memref<!tpu.dma_semaphore, #tpu.memory_space<semaphore_mem>>) src(%dma_wait3A_33 : memref<100000x128xf32, #tpu.memory_space<hbm>>) dst(%arg6 : memref<128x128xf32, #tpu.memory_space<vmem>>)
      %mul3A_34 = arith.constant 128 : i32
      %mul3A_35 = arith.muli %mul3A_20, %mul3A_34 : i32
      %add3A_36 = arith.addi %mul3A_2, %mul3A_35 : i32
      "tpu.region"() ({
        %run_scoped3A = tpu.sem_alloc : memref<!tpu.dma_semaphore, #tpu.memory_space<semaphore_mem>>
        %dma_start3A_54 = arith.constant 0 : i32
        %dma_start3A_55 = tpu.memref_slice %arg4[%add3A_36, %dma_start3A_54] : memref<32768x128xf32, #tpu.memory_space<hbm>> -> memref<128x128xf32, #tpu.memory_space<hbm>>
        %dma_start3A_56 = arith.constant 0 : i32
        %dma_start3A_57 = tpu.memref_slice %arg4[%add3A_36, %dma_start3A_56] : memref<32768x128xf32, #tpu.memory_space<hbm>> -> memref<128x128xf32, #tpu.memory_space<hbm>>
        tpu.enqueue_dma source(%arg6 : memref<128x128xf32, #tpu.memory_space<vmem>>) target(%dma_start3A_57 : memref<128x128xf32, #tpu.memory_space<hbm>>) target_semaphore(%run_scoped3A : memref<!tpu.dma_semaphore, #tpu.memory_space<semaphore_mem>>)
        %dma_wait3A_58 = arith.constant 0 : i32
        %dma_wait3A_59 = tpu.memref_slice %arg4[%add3A_36, %dma_wait3A_58] : memref<32768x128xf32, #tpu.memory_space<hbm>> -> memref<128x128xf32, #tpu.memory_space<hbm>>
        %dma_wait3A_60 = arith.constant 0 : i32
        %dma_wait3A_61 = tpu.memref_slice %arg4[%add3A_36, %dma_wait3A_60] : memref<32768x128xf32, #tpu.memory_space<hbm>> -> memref<128x128xf32, #tpu.memory_space<hbm>>
        tpu.wait_dma2 semaphore(%run_scoped3A : memref<!tpu.dma_semaphore, #tpu.memory_space<semaphore_mem>>) src(%arg6 : memref<128x128xf32, #tpu.memory_space<vmem>>) dst(%dma_wait3A_61 : memref<128x128xf32, #tpu.memory_space<hbm>>)
        tpu.yield
      }) : () -> ()
      %add3A_37 = arith.constant 1 : i32
      %add3A_38 = arith.addi %scan3A_18, %add3A_37 : i32
      %lt3A = arith.constant 4 : i32
      %lt3A_39 = arith.cmpi slt, %add3A_38, %lt3A : i32
      %convert_element_type3A = arith.extui %lt3A_39 : i1 to i32
      %cond3A = arith.constant 0 : i32
      %cond3A_40 = arith.cmpi ne, %convert_element_type3A, %cond3A : i32
      scf.if %cond3A_40 {
        %add3A_54 = arith.constant 2 : i32
        %add3A_55 = arith.addi %mul3A_20, %add3A_54 : i32
        %mul3A_56 = arith.constant 128 : i32
        %mul3A_57 = arith.muli %add3A_55, %mul3A_56 : i32
        %dma_start3A_58 = tpu.memref_slice %arg5[%mul3A_57] : memref<1024xi32, #tpu.memory_space<vmem>> -> memref<128xi32, #tpu.memory_space<vmem>>
        %dma_start3A_59 = arith.constant 0 : i32
        %dma_start3A_60 = arith.constant 0 : i32
        %dma_start3A_61 = tpu.memref_slice %arg3[%dma_start3A_59, %dma_start3A_60] : memref<100000x128xf32, #tpu.memory_space<hbm>> -> memref<100000x128xf32, #tpu.memory_space<hbm>>
        tpu.enqueue_indirect_dma source(%dma_start3A_61 : memref<100000x128xf32, #tpu.memory_space<hbm>>) target(%arg6 : memref<128x128xf32, #tpu.memory_space<vmem>>) offsets(%dma_start3A_58 : memref<128xi32, #tpu.memory_space<vmem>>) semaphore(%arg8 : memref<!tpu.dma_semaphore, #tpu.memory_space<semaphore_mem>>)
      } else {
      }
      %add3A_41 = arith.constant 1 : i32
      %add3A_42 = arith.addi %mul3A_20, %add3A_41 : i32
      %mul3A_43 = arith.constant 128 : i32
      %mul3A_44 = arith.muli %add3A_42, %mul3A_43 : i32
      %dma_wait3A_45 = tpu.memref_slice %arg5[%mul3A_44] : memref<1024xi32, #tpu.memory_space<vmem>> -> memref<128xi32, #tpu.memory_space<vmem>>
      %dma_wait3A_46 = arith.constant 0 : i32
      %dma_wait3A_47 = arith.constant 0 : i32
      %dma_wait3A_48 = tpu.memref_slice %arg3[%dma_wait3A_46, %dma_wait3A_47] : memref<100000x128xf32, #tpu.memory_space<hbm>> -> memref<100000x128xf32, #tpu.memory_space<hbm>>
      tpu.wait_indirect_dma semaphore(%arg9 : memref<!tpu.dma_semaphore, #tpu.memory_space<semaphore_mem>>) src(%dma_wait3A_48 : memref<100000x128xf32, #tpu.memory_space<hbm>>) dst(%arg7 : memref<128x128xf32, #tpu.memory_space<vmem>>)
      %add3A_49 = arith.constant 1 : i32
      %add3A_50 = arith.addi %mul3A_20, %add3A_49 : i32
      %mul3A_51 = arith.constant 128 : i32
      %mul3A_52 = arith.muli %add3A_50, %mul3A_51 : i32
      %add3A_53 = arith.addi %mul3A_2, %mul3A_52 : i32
      "tpu.region"() ({
        %run_scoped3A = tpu.sem_alloc : memref<!tpu.dma_semaphore, #tpu.memory_space<semaphore_mem>>
        %dma_start3A_54 = arith.constant 0 : i32
        %dma_start3A_55 = tpu.memref_slice %arg4[%add3A_53, %dma_start3A_54] : memref<32768x128xf32, #tpu.memory_space<hbm>> -> memref<128x128xf32, #tpu.memory_space<hbm>>
        %dma_start3A_56 = arith.constant 0 : i32
        %dma_start3A_57 = tpu.memref_slice %arg4[%add3A_53, %dma_start3A_56] : memref<32768x128xf32, #tpu.memory_space<hbm>> -> memref<128x128xf32, #tpu.memory_space<hbm>>
        tpu.enqueue_dma source(%arg7 : memref<128x128xf32, #tpu.memory_space<vmem>>) target(%dma_start3A_57 : memref<128x128xf32, #tpu.memory_space<hbm>>) target_semaphore(%run_scoped3A : memref<!tpu.dma_semaphore, #tpu.memory_space<semaphore_mem>>)
        %dma_wait3A_58 = arith.constant 0 : i32
        %dma_wait3A_59 = tpu.memref_slice %arg4[%add3A_53, %dma_wait3A_58] : memref<32768x128xf32, #tpu.memory_space<hbm>> -> memref<128x128xf32, #tpu.memory_space<hbm>>
        %dma_wait3A_60 = arith.constant 0 : i32
        %dma_wait3A_61 = tpu.memref_slice %arg4[%add3A_53, %dma_wait3A_60] : memref<32768x128xf32, #tpu.memory_space<hbm>> -> memref<128x128xf32, #tpu.memory_space<hbm>>
        tpu.wait_dma2 semaphore(%run_scoped3A : memref<!tpu.dma_semaphore, #tpu.memory_space<semaphore_mem>>) src(%arg7 : memref<128x128xf32, #tpu.memory_space<vmem>>) dst(%dma_wait3A_61 : memref<128x128xf32, #tpu.memory_space<hbm>>)
        tpu.yield
      }) : () -> ()
    }
    %scan3A_17 = arith.constant 4 : i32
    return
  }
}

#map = affine_map<(d0, d1) -> (0)>
#map1 = affine_map<(d0, d1) -> (0, 0)>
module attributes {stable_mosaic.version = 14 : i64} {
  func.func @gather(%arg0: i32, %arg1: i32, %arg2: memref<204800xi32, #tpu.memory_space<hbm>>, %arg3: memref<100000x128xf32, #tpu.memory_space<hbm>>, %arg4: memref<16384x128xf32, #tpu.memory_space<hbm>>, %arg5: memref<512xi32, #tpu.memory_space<vmem>>, %arg6: memref<128x128xf32, #tpu.memory_space<vmem>>, %arg7: memref<128x128xf32, #tpu.memory_space<vmem>>, %arg8: memref<!tpu.dma_semaphore, #tpu.memory_space<semaphore_mem>>, %arg9: memref<!tpu.dma_semaphore, #tpu.memory_space<semaphore_mem>>) attributes {dimension_semantics = [#tpu.dimension_semantics<core_parallel>, #tpu.dimension_semantics<subcore_parallel>], iteration_bounds = array<i64: 2, 16>, scalar_prefetch = 0 : i64, scratch_operands = 5 : i64, tpu.core_type = #tpu.core_type<sc_vector_subcore>, window_params = [{transform_indices = #map}, {transform_indices = #map1}, {transform_indices = #map1}]} {
    %mul3A = arith.constant 2 : i32
    %mul3A_0 = arith.muli %arg1, %mul3A : i32
    %add3A = arith.addi %mul3A_0, %arg0 : i32
    %mul3A_1 = arith.constant 512 : i32
    %mul3A_2 = arith.muli %add3A, %mul3A_1 : i32
    %mul3A_3 = arith.constant 4 : i32
    %mul3A_4 = arith.muli %add3A, %mul3A_3 : i32
    %add3A_5 = arith.constant 64 : i32
    %add3A_6 = arith.addi %add3A_5, %mul3A_4 : i32
    %mul3A_7 = arith.constant 128 : i32
    %mul3A_8 = arith.muli %add3A_6, %mul3A_7 : i32
    "tpu.region"() ({
      %run_scoped3A = tpu.sem_alloc : memref<!tpu.dma_semaphore, #tpu.memory_space<semaphore_mem>>
      %dma_start3A_18 = tpu.memref_slice %arg2[%mul3A_8] : memref<204800xi32, #tpu.memory_space<hbm>> -> memref<512xi32, #tpu.memory_space<hbm>>
      %dma_start3A_19 = tpu.memref_slice %arg2[%mul3A_8] : memref<204800xi32, #tpu.memory_space<hbm>> -> memref<512xi32, #tpu.memory_space<hbm>>
      tpu.enqueue_dma source(%dma_start3A_19 : memref<512xi32, #tpu.memory_space<hbm>>) target(%arg5 : memref<512xi32, #tpu.memory_space<vmem>>) target_semaphore(%run_scoped3A : memref<!tpu.dma_semaphore, #tpu.memory_space<semaphore_mem>>)
      %dma_wait3A = tpu.memref_slice %arg2[%mul3A_8] : memref<204800xi32, #tpu.memory_space<hbm>> -> memref<512xi32, #tpu.memory_space<hbm>>
      %dma_wait3A_20 = tpu.memref_slice %arg2[%mul3A_8] : memref<204800xi32, #tpu.memory_space<hbm>> -> memref<512xi32, #tpu.memory_space<hbm>>
      tpu.wait_dma2 semaphore(%run_scoped3A : memref<!tpu.dma_semaphore, #tpu.memory_space<semaphore_mem>>) src(%dma_wait3A_20 : memref<512xi32, #tpu.memory_space<hbm>>) dst(%arg5 : memref<512xi32, #tpu.memory_space<vmem>>)
      tpu.yield
    }) : () -> ()
    %dma_start3A = arith.constant 0 : i32
    %dma_start3A_9 = tpu.memref_slice %arg5[%dma_start3A] : memref<512xi32, #tpu.memory_space<vmem>> -> memref<128xi32, #tpu.memory_space<vmem>>
    %dma_start3A_10 = arith.constant 0 : i32
    %dma_start3A_11 = arith.constant 0 : i32
    %dma_start3A_12 = tpu.memref_slice %arg3[%dma_start3A_10, %dma_start3A_11] : memref<100000x128xf32, #tpu.memory_space<hbm>> -> memref<100000x128xf32, #tpu.memory_space<hbm>>
    tpu.enqueue_indirect_dma source(%dma_start3A_12 : memref<100000x128xf32, #tpu.memory_space<hbm>>) target(%arg6 : memref<128x128xf32, #tpu.memory_space<vmem>>) offsets(%dma_start3A_9 : memref<128xi32, #tpu.memory_space<vmem>>) semaphore(%arg8 : memref<!tpu.dma_semaphore, #tpu.memory_space<semaphore_mem>>)
    %scan3A = arith.constant 0 : i32
    %scan3A_13 = arith.constant 0 : i32
    %scan3A_14 = arith.constant 2 : i32
    %scan3A_15 = arith.addi %scan3A_13, %scan3A_14 : i32
    %scan3A_16 = arith.constant 1 : i32
    scf.for %scan3A_18 = %scan3A_13 to %scan3A_15 step %scan3A_16  : i32 {
      %mul3A_19 = arith.constant 2 : i32
      %mul3A_20 = arith.muli %mul3A_19, %scan3A_18 : i32
      %add3A_21 = arith.constant 1 : i32
      %add3A_22 = arith.addi %mul3A_20, %add3A_21 : i32
      %mul3A_23 = arith.constant 128 : i32
      %mul3A_24 = arith.muli %add3A_22, %mul3A_23 : i32
      %dma_start3A_25 = tpu.memref_slice %arg5[%mul3A_24] : memref<512xi32, #tpu.memory_space<vmem>> -> memref<128xi32, #tpu.memory_space<vmem>>
      %dma_start3A_26 = arith.constant 0 : i32
      %dma_start3A_27 = arith.constant 0 : i32
      %dma_start3A_28 = tpu.memref_slice %arg3[%dma_start3A_26, %dma_start3A_27] : memref<100000x128xf32, #tpu.memory_space<hbm>> -> memref<100000x128xf32, #tpu.memory_space<hbm>>
      tpu.enqueue_indirect_dma source(%dma_start3A_28 : memref<100000x128xf32, #tpu.memory_space<hbm>>) target(%arg7 : memref<128x128xf32, #tpu.memory_space<vmem>>) offsets(%dma_start3A_25 : memref<128xi32, #tpu.memory_space<vmem>>) semaphore(%arg9 : memref<!tpu.dma_semaphore, #tpu.memory_space<semaphore_mem>>)
      %mul3A_29 = arith.constant 128 : i32
      %mul3A_30 = arith.muli %mul3A_20, %mul3A_29 : i32
      %dma_wait3A = tpu.memref_slice %arg5[%mul3A_30] : memref<512xi32, #tpu.memory_space<vmem>> -> memref<128xi32, #tpu.memory_space<vmem>>
      %dma_wait3A_31 = arith.constant 0 : i32
      %dma_wait3A_32 = arith.constant 0 : i32
      %dma_wait3A_33 = tpu.memref_slice %arg3[%dma_wait3A_31, %dma_wait3A_32] : memref<100000x128xf32, #tpu.memory_space<hbm>> -> memref<100000x128xf32, #tpu.memory_space<hbm>>
      tpu.wait_indirect_dma semaphore(%arg8 : memref<!tpu.dma_semaphore, #tpu.memory_space<semaphore_mem>>) src(%dma_wait3A_33 : memref<100000x128xf32, #tpu.memory_space<hbm>>) dst(%arg6 : memref<128x128xf32, #tpu.memory_space<vmem>>)
      %mul3A_34 = arith.constant 128 : i32
      %mul3A_35 = arith.muli %mul3A_20, %mul3A_34 : i32
      %add3A_36 = arith.addi %mul3A_2, %mul3A_35 : i32
      "tpu.region"() ({
        %run_scoped3A = tpu.sem_alloc : memref<!tpu.dma_semaphore, #tpu.memory_space<semaphore_mem>>
        %dma_start3A_54 = arith.constant 0 : i32
        %dma_start3A_55 = tpu.memref_slice %arg4[%add3A_36, %dma_start3A_54] : memref<16384x128xf32, #tpu.memory_space<hbm>> -> memref<128x128xf32, #tpu.memory_space<hbm>>
        %dma_start3A_56 = arith.constant 0 : i32
        %dma_start3A_57 = tpu.memref_slice %arg4[%add3A_36, %dma_start3A_56] : memref<16384x128xf32, #tpu.memory_space<hbm>> -> memref<128x128xf32, #tpu.memory_space<hbm>>
        tpu.enqueue_dma source(%arg6 : memref<128x128xf32, #tpu.memory_space<vmem>>) target(%dma_start3A_57 : memref<128x128xf32, #tpu.memory_space<hbm>>) target_semaphore(%run_scoped3A : memref<!tpu.dma_semaphore, #tpu.memory_space<semaphore_mem>>)
        %dma_wait3A_58 = arith.constant 0 : i32
        %dma_wait3A_59 = tpu.memref_slice %arg4[%add3A_36, %dma_wait3A_58] : memref<16384x128xf32, #tpu.memory_space<hbm>> -> memref<128x128xf32, #tpu.memory_space<hbm>>
        %dma_wait3A_60 = arith.constant 0 : i32
        %dma_wait3A_61 = tpu.memref_slice %arg4[%add3A_36, %dma_wait3A_60] : memref<16384x128xf32, #tpu.memory_space<hbm>> -> memref<128x128xf32, #tpu.memory_space<hbm>>
        tpu.wait_dma2 semaphore(%run_scoped3A : memref<!tpu.dma_semaphore, #tpu.memory_space<semaphore_mem>>) src(%arg6 : memref<128x128xf32, #tpu.memory_space<vmem>>) dst(%dma_wait3A_61 : memref<128x128xf32, #tpu.memory_space<hbm>>)
        tpu.yield
      }) : () -> ()
      %add3A_37 = arith.constant 1 : i32
      %add3A_38 = arith.addi %scan3A_18, %add3A_37 : i32
      %lt3A = arith.constant 2 : i32
      %lt3A_39 = arith.cmpi slt, %add3A_38, %lt3A : i32
      %convert_element_type3A = arith.extui %lt3A_39 : i1 to i32
      %cond3A = arith.constant 0 : i32
      %cond3A_40 = arith.cmpi ne, %convert_element_type3A, %cond3A : i32
      scf.if %cond3A_40 {
        %add3A_54 = arith.constant 2 : i32
        %add3A_55 = arith.addi %mul3A_20, %add3A_54 : i32
        %mul3A_56 = arith.constant 128 : i32
        %mul3A_57 = arith.muli %add3A_55, %mul3A_56 : i32
        %dma_start3A_58 = tpu.memref_slice %arg5[%mul3A_57] : memref<512xi32, #tpu.memory_space<vmem>> -> memref<128xi32, #tpu.memory_space<vmem>>
        %dma_start3A_59 = arith.constant 0 : i32
        %dma_start3A_60 = arith.constant 0 : i32
        %dma_start3A_61 = tpu.memref_slice %arg3[%dma_start3A_59, %dma_start3A_60] : memref<100000x128xf32, #tpu.memory_space<hbm>> -> memref<100000x128xf32, #tpu.memory_space<hbm>>
        tpu.enqueue_indirect_dma source(%dma_start3A_61 : memref<100000x128xf32, #tpu.memory_space<hbm>>) target(%arg6 : memref<128x128xf32, #tpu.memory_space<vmem>>) offsets(%dma_start3A_58 : memref<128xi32, #tpu.memory_space<vmem>>) semaphore(%arg8 : memref<!tpu.dma_semaphore, #tpu.memory_space<semaphore_mem>>)
      } else {
      }
      %add3A_41 = arith.constant 1 : i32
      %add3A_42 = arith.addi %mul3A_20, %add3A_41 : i32
      %mul3A_43 = arith.constant 128 : i32
      %mul3A_44 = arith.muli %add3A_42, %mul3A_43 : i32
      %dma_wait3A_45 = tpu.memref_slice %arg5[%mul3A_44] : memref<512xi32, #tpu.memory_space<vmem>> -> memref<128xi32, #tpu.memory_space<vmem>>
      %dma_wait3A_46 = arith.constant 0 : i32
      %dma_wait3A_47 = arith.constant 0 : i32
      %dma_wait3A_48 = tpu.memref_slice %arg3[%dma_wait3A_46, %dma_wait3A_47] : memref<100000x128xf32, #tpu.memory_space<hbm>> -> memref<100000x128xf32, #tpu.memory_space<hbm>>
      tpu.wait_indirect_dma semaphore(%arg9 : memref<!tpu.dma_semaphore, #tpu.memory_space<semaphore_mem>>) src(%dma_wait3A_48 : memref<100000x128xf32, #tpu.memory_space<hbm>>) dst(%arg7 : memref<128x128xf32, #tpu.memory_space<vmem>>)
      %add3A_49 = arith.constant 1 : i32
      %add3A_50 = arith.addi %mul3A_20, %add3A_49 : i32
      %mul3A_51 = arith.constant 128 : i32
      %mul3A_52 = arith.muli %add3A_50, %mul3A_51 : i32
      %add3A_53 = arith.addi %mul3A_2, %mul3A_52 : i32
      "tpu.region"() ({
        %run_scoped3A = tpu.sem_alloc : memref<!tpu.dma_semaphore, #tpu.memory_space<semaphore_mem>>
        %dma_start3A_54 = arith.constant 0 : i32
        %dma_start3A_55 = tpu.memref_slice %arg4[%add3A_53, %dma_start3A_54] : memref<16384x128xf32, #tpu.memory_space<hbm>> -> memref<128x128xf32, #tpu.memory_space<hbm>>
        %dma_start3A_56 = arith.constant 0 : i32
        %dma_start3A_57 = tpu.memref_slice %arg4[%add3A_53, %dma_start3A_56] : memref<16384x128xf32, #tpu.memory_space<hbm>> -> memref<128x128xf32, #tpu.memory_space<hbm>>
        tpu.enqueue_dma source(%arg7 : memref<128x128xf32, #tpu.memory_space<vmem>>) target(%dma_start3A_57 : memref<128x128xf32, #tpu.memory_space<hbm>>) target_semaphore(%run_scoped3A : memref<!tpu.dma_semaphore, #tpu.memory_space<semaphore_mem>>)
        %dma_wait3A_58 = arith.constant 0 : i32
        %dma_wait3A_59 = tpu.memref_slice %arg4[%add3A_53, %dma_wait3A_58] : memref<16384x128xf32, #tpu.memory_space<hbm>> -> memref<128x128xf32, #tpu.memory_space<hbm>>
        %dma_wait3A_60 = arith.constant 0 : i32
        %dma_wait3A_61 = tpu.memref_slice %arg4[%add3A_53, %dma_wait3A_60] : memref<16384x128xf32, #tpu.memory_space<hbm>> -> memref<128x128xf32, #tpu.memory_space<hbm>>
        tpu.wait_dma2 semaphore(%run_scoped3A : memref<!tpu.dma_semaphore, #tpu.memory_space<semaphore_mem>>) src(%arg7 : memref<128x128xf32, #tpu.memory_space<vmem>>) dst(%dma_wait3A_61 : memref<128x128xf32, #tpu.memory_space<hbm>>)
        tpu.yield
      }) : () -> ()
    }
    %scan3A_17 = arith.constant 2 : i32
    return
  }
}

#map = affine_map<(d0, d1) -> (0)>
#map1 = affine_map<(d0, d1) -> (0, 0)>
module attributes {stable_mosaic.version = 14 : i64} {
  func.func @gather(%arg0: i32, %arg1: i32, %arg2: memref<204800xi32, #tpu.memory_space<hbm>>, %arg3: memref<100000x128xf32, #tpu.memory_space<hbm>>, %arg4: memref<49152x128xf32, #tpu.memory_space<hbm>>, %arg5: memref<1536xi32, #tpu.memory_space<vmem>>, %arg6: memref<128x128xf32, #tpu.memory_space<vmem>>, %arg7: memref<128x128xf32, #tpu.memory_space<vmem>>, %arg8: memref<!tpu.dma_semaphore, #tpu.memory_space<semaphore_mem>>, %arg9: memref<!tpu.dma_semaphore, #tpu.memory_space<semaphore_mem>>) attributes {dimension_semantics = [#tpu.dimension_semantics<core_parallel>, #tpu.dimension_semantics<subcore_parallel>], iteration_bounds = array<i64: 2, 16>, scalar_prefetch = 0 : i64, scratch_operands = 5 : i64, tpu.core_type = #tpu.core_type<sc_vector_subcore>, window_params = [{transform_indices = #map}, {transform_indices = #map1}, {transform_indices = #map1}]} {
    %mul3A = arith.constant 2 : i32
    %mul3A_0 = arith.muli %arg1, %mul3A : i32
    %add3A = arith.addi %mul3A_0, %arg0 : i32
    %mul3A_1 = arith.constant 1536 : i32
    %mul3A_2 = arith.muli %add3A, %mul3A_1 : i32
    %mul3A_3 = arith.constant 12 : i32
    %mul3A_4 = arith.muli %add3A, %mul3A_3 : i32
    %add3A_5 = arith.constant 448 : i32
    %add3A_6 = arith.addi %add3A_5, %mul3A_4 : i32
    %mul3A_7 = arith.constant 128 : i32
    %mul3A_8 = arith.muli %add3A_6, %mul3A_7 : i32
    "tpu.region"() ({
      %run_scoped3A = tpu.sem_alloc : memref<!tpu.dma_semaphore, #tpu.memory_space<semaphore_mem>>
      %dma_start3A_18 = tpu.memref_slice %arg2[%mul3A_8] : memref<204800xi32, #tpu.memory_space<hbm>> -> memref<1536xi32, #tpu.memory_space<hbm>>
      %dma_start3A_19 = tpu.memref_slice %arg2[%mul3A_8] : memref<204800xi32, #tpu.memory_space<hbm>> -> memref<1536xi32, #tpu.memory_space<hbm>>
      tpu.enqueue_dma source(%dma_start3A_19 : memref<1536xi32, #tpu.memory_space<hbm>>) target(%arg5 : memref<1536xi32, #tpu.memory_space<vmem>>) target_semaphore(%run_scoped3A : memref<!tpu.dma_semaphore, #tpu.memory_space<semaphore_mem>>)
      %dma_wait3A = tpu.memref_slice %arg2[%mul3A_8] : memref<204800xi32, #tpu.memory_space<hbm>> -> memref<1536xi32, #tpu.memory_space<hbm>>
      %dma_wait3A_20 = tpu.memref_slice %arg2[%mul3A_8] : memref<204800xi32, #tpu.memory_space<hbm>> -> memref<1536xi32, #tpu.memory_space<hbm>>
      tpu.wait_dma2 semaphore(%run_scoped3A : memref<!tpu.dma_semaphore, #tpu.memory_space<semaphore_mem>>) src(%dma_wait3A_20 : memref<1536xi32, #tpu.memory_space<hbm>>) dst(%arg5 : memref<1536xi32, #tpu.memory_space<vmem>>)
      tpu.yield
    }) : () -> ()
    %dma_start3A = arith.constant 0 : i32
    %dma_start3A_9 = tpu.memref_slice %arg5[%dma_start3A] : memref<1536xi32, #tpu.memory_space<vmem>> -> memref<128xi32, #tpu.memory_space<vmem>>
    %dma_start3A_10 = arith.constant 0 : i32
    %dma_start3A_11 = arith.constant 0 : i32
    %dma_start3A_12 = tpu.memref_slice %arg3[%dma_start3A_10, %dma_start3A_11] : memref<100000x128xf32, #tpu.memory_space<hbm>> -> memref<100000x128xf32, #tpu.memory_space<hbm>>
    tpu.enqueue_indirect_dma source(%dma_start3A_12 : memref<100000x128xf32, #tpu.memory_space<hbm>>) target(%arg6 : memref<128x128xf32, #tpu.memory_space<vmem>>) offsets(%dma_start3A_9 : memref<128xi32, #tpu.memory_space<vmem>>) semaphore(%arg8 : memref<!tpu.dma_semaphore, #tpu.memory_space<semaphore_mem>>)
    %scan3A = arith.constant 0 : i32
    %scan3A_13 = arith.constant 0 : i32
    %scan3A_14 = arith.constant 6 : i32
    %scan3A_15 = arith.addi %scan3A_13, %scan3A_14 : i32
    %scan3A_16 = arith.constant 1 : i32
    scf.for %scan3A_18 = %scan3A_13 to %scan3A_15 step %scan3A_16  : i32 {
      %mul3A_19 = arith.constant 2 : i32
      %mul3A_20 = arith.muli %mul3A_19, %scan3A_18 : i32
      %add3A_21 = arith.constant 1 : i32
      %add3A_22 = arith.addi %mul3A_20, %add3A_21 : i32
      %mul3A_23 = arith.constant 128 : i32
      %mul3A_24 = arith.muli %add3A_22, %mul3A_23 : i32
      %dma_start3A_25 = tpu.memref_slice %arg5[%mul3A_24] : memref<1536xi32, #tpu.memory_space<vmem>> -> memref<128xi32, #tpu.memory_space<vmem>>
      %dma_start3A_26 = arith.constant 0 : i32
      %dma_start3A_27 = arith.constant 0 : i32
      %dma_start3A_28 = tpu.memref_slice %arg3[%dma_start3A_26, %dma_start3A_27] : memref<100000x128xf32, #tpu.memory_space<hbm>> -> memref<100000x128xf32, #tpu.memory_space<hbm>>
      tpu.enqueue_indirect_dma source(%dma_start3A_28 : memref<100000x128xf32, #tpu.memory_space<hbm>>) target(%arg7 : memref<128x128xf32, #tpu.memory_space<vmem>>) offsets(%dma_start3A_25 : memref<128xi32, #tpu.memory_space<vmem>>) semaphore(%arg9 : memref<!tpu.dma_semaphore, #tpu.memory_space<semaphore_mem>>)
      %mul3A_29 = arith.constant 128 : i32
      %mul3A_30 = arith.muli %mul3A_20, %mul3A_29 : i32
      %dma_wait3A = tpu.memref_slice %arg5[%mul3A_30] : memref<1536xi32, #tpu.memory_space<vmem>> -> memref<128xi32, #tpu.memory_space<vmem>>
      %dma_wait3A_31 = arith.constant 0 : i32
      %dma_wait3A_32 = arith.constant 0 : i32
      %dma_wait3A_33 = tpu.memref_slice %arg3[%dma_wait3A_31, %dma_wait3A_32] : memref<100000x128xf32, #tpu.memory_space<hbm>> -> memref<100000x128xf32, #tpu.memory_space<hbm>>
      tpu.wait_indirect_dma semaphore(%arg8 : memref<!tpu.dma_semaphore, #tpu.memory_space<semaphore_mem>>) src(%dma_wait3A_33 : memref<100000x128xf32, #tpu.memory_space<hbm>>) dst(%arg6 : memref<128x128xf32, #tpu.memory_space<vmem>>)
      %mul3A_34 = arith.constant 128 : i32
      %mul3A_35 = arith.muli %mul3A_20, %mul3A_34 : i32
      %add3A_36 = arith.addi %mul3A_2, %mul3A_35 : i32
      "tpu.region"() ({
        %run_scoped3A = tpu.sem_alloc : memref<!tpu.dma_semaphore, #tpu.memory_space<semaphore_mem>>
        %dma_start3A_54 = arith.constant 0 : i32
        %dma_start3A_55 = tpu.memref_slice %arg4[%add3A_36, %dma_start3A_54] : memref<49152x128xf32, #tpu.memory_space<hbm>> -> memref<128x128xf32, #tpu.memory_space<hbm>>
        %dma_start3A_56 = arith.constant 0 : i32
        %dma_start3A_57 = tpu.memref_slice %arg4[%add3A_36, %dma_start3A_56] : memref<49152x128xf32, #tpu.memory_space<hbm>> -> memref<128x128xf32, #tpu.memory_space<hbm>>
        tpu.enqueue_dma source(%arg6 : memref<128x128xf32, #tpu.memory_space<vmem>>) target(%dma_start3A_57 : memref<128x128xf32, #tpu.memory_space<hbm>>) target_semaphore(%run_scoped3A : memref<!tpu.dma_semaphore, #tpu.memory_space<semaphore_mem>>)
        %dma_wait3A_58 = arith.constant 0 : i32
        %dma_wait3A_59 = tpu.memref_slice %arg4[%add3A_36, %dma_wait3A_58] : memref<49152x128xf32, #tpu.memory_space<hbm>> -> memref<128x128xf32, #tpu.memory_space<hbm>>
        %dma_wait3A_60 = arith.constant 0 : i32
        %dma_wait3A_61 = tpu.memref_slice %arg4[%add3A_36, %dma_wait3A_60] : memref<49152x128xf32, #tpu.memory_space<hbm>> -> memref<128x128xf32, #tpu.memory_space<hbm>>
        tpu.wait_dma2 semaphore(%run_scoped3A : memref<!tpu.dma_semaphore, #tpu.memory_space<semaphore_mem>>) src(%arg6 : memref<128x128xf32, #tpu.memory_space<vmem>>) dst(%dma_wait3A_61 : memref<128x128xf32, #tpu.memory_space<hbm>>)
        tpu.yield
      }) : () -> ()
      %add3A_37 = arith.constant 1 : i32
      %add3A_38 = arith.addi %scan3A_18, %add3A_37 : i32
      %lt3A = arith.constant 6 : i32
      %lt3A_39 = arith.cmpi slt, %add3A_38, %lt3A : i32
      %convert_element_type3A = arith.extui %lt3A_39 : i1 to i32
      %cond3A = arith.constant 0 : i32
      %cond3A_40 = arith.cmpi ne, %convert_element_type3A, %cond3A : i32
      scf.if %cond3A_40 {
        %add3A_54 = arith.constant 2 : i32
        %add3A_55 = arith.addi %mul3A_20, %add3A_54 : i32
        %mul3A_56 = arith.constant 128 : i32
        %mul3A_57 = arith.muli %add3A_55, %mul3A_56 : i32
        %dma_start3A_58 = tpu.memref_slice %arg5[%mul3A_57] : memref<1536xi32, #tpu.memory_space<vmem>> -> memref<128xi32, #tpu.memory_space<vmem>>
        %dma_start3A_59 = arith.constant 0 : i32
        %dma_start3A_60 = arith.constant 0 : i32
        %dma_start3A_61 = tpu.memref_slice %arg3[%dma_start3A_59, %dma_start3A_60] : memref<100000x128xf32, #tpu.memory_space<hbm>> -> memref<100000x128xf32, #tpu.memory_space<hbm>>
        tpu.enqueue_indirect_dma source(%dma_start3A_61 : memref<100000x128xf32, #tpu.memory_space<hbm>>) target(%arg6 : memref<128x128xf32, #tpu.memory_space<vmem>>) offsets(%dma_start3A_58 : memref<128xi32, #tpu.memory_space<vmem>>) semaphore(%arg8 : memref<!tpu.dma_semaphore, #tpu.memory_space<semaphore_mem>>)
      } else {
      }
      %add3A_41 = arith.constant 1 : i32
      %add3A_42 = arith.addi %mul3A_20, %add3A_41 : i32
      %mul3A_43 = arith.constant 128 : i32
      %mul3A_44 = arith.muli %add3A_42, %mul3A_43 : i32
      %dma_wait3A_45 = tpu.memref_slice %arg5[%mul3A_44] : memref<1536xi32, #tpu.memory_space<vmem>> -> memref<128xi32, #tpu.memory_space<vmem>>
      %dma_wait3A_46 = arith.constant 0 : i32
      %dma_wait3A_47 = arith.constant 0 : i32
      %dma_wait3A_48 = tpu.memref_slice %arg3[%dma_wait3A_46, %dma_wait3A_47] : memref<100000x128xf32, #tpu.memory_space<hbm>> -> memref<100000x128xf32, #tpu.memory_space<hbm>>
      tpu.wait_indirect_dma semaphore(%arg9 : memref<!tpu.dma_semaphore, #tpu.memory_space<semaphore_mem>>) src(%dma_wait3A_48 : memref<100000x128xf32, #tpu.memory_space<hbm>>) dst(%arg7 : memref<128x128xf32, #tpu.memory_space<vmem>>)
      %add3A_49 = arith.constant 1 : i32
      %add3A_50 = arith.addi %mul3A_20, %add3A_49 : i32
      %mul3A_51 = arith.constant 128 : i32
      %mul3A_52 = arith.muli %add3A_50, %mul3A_51 : i32
      %add3A_53 = arith.addi %mul3A_2, %mul3A_52 : i32
      "tpu.region"() ({
        %run_scoped3A = tpu.sem_alloc : memref<!tpu.dma_semaphore, #tpu.memory_space<semaphore_mem>>
        %dma_start3A_54 = arith.constant 0 : i32
        %dma_start3A_55 = tpu.memref_slice %arg4[%add3A_53, %dma_start3A_54] : memref<49152x128xf32, #tpu.memory_space<hbm>> -> memref<128x128xf32, #tpu.memory_space<hbm>>
        %dma_start3A_56 = arith.constant 0 : i32
        %dma_start3A_57 = tpu.memref_slice %arg4[%add3A_53, %dma_start3A_56] : memref<49152x128xf32, #tpu.memory_space<hbm>> -> memref<128x128xf32, #tpu.memory_space<hbm>>
        tpu.enqueue_dma source(%arg7 : memref<128x128xf32, #tpu.memory_space<vmem>>) target(%dma_start3A_57 : memref<128x128xf32, #tpu.memory_space<hbm>>) target_semaphore(%run_scoped3A : memref<!tpu.dma_semaphore, #tpu.memory_space<semaphore_mem>>)
        %dma_wait3A_58 = arith.constant 0 : i32
        %dma_wait3A_59 = tpu.memref_slice %arg4[%add3A_53, %dma_wait3A_58] : memref<49152x128xf32, #tpu.memory_space<hbm>> -> memref<128x128xf32, #tpu.memory_space<hbm>>
        %dma_wait3A_60 = arith.constant 0 : i32
        %dma_wait3A_61 = tpu.memref_slice %arg4[%add3A_53, %dma_wait3A_60] : memref<49152x128xf32, #tpu.memory_space<hbm>> -> memref<128x128xf32, #tpu.memory_space<hbm>>
        tpu.wait_dma2 semaphore(%run_scoped3A : memref<!tpu.dma_semaphore, #tpu.memory_space<semaphore_mem>>) src(%arg7 : memref<128x128xf32, #tpu.memory_space<vmem>>) dst(%dma_wait3A_61 : memref<128x128xf32, #tpu.memory_space<hbm>>)
        tpu.yield
      }) : () -> ()
    }
    %scan3A_17 = arith.constant 6 : i32
    return
  }
}

#map = affine_map<(d0, d1) -> (0)>
#map1 = affine_map<(d0, d1) -> (0, 0)>
module attributes {stable_mosaic.version = 14 : i64} {
  func.func @gather(%arg0: i32, %arg1: i32, %arg2: memref<204800xi32, #tpu.memory_space<hbm>>, %arg3: memref<100000x128xf32, #tpu.memory_space<hbm>>, %arg4: memref<8192x128xf32, #tpu.memory_space<hbm>>, %arg5: memref<256xi32, #tpu.memory_space<vmem>>, %arg6: memref<128x128xf32, #tpu.memory_space<vmem>>, %arg7: memref<128x128xf32, #tpu.memory_space<vmem>>, %arg8: memref<!tpu.dma_semaphore, #tpu.memory_space<semaphore_mem>>, %arg9: memref<!tpu.dma_semaphore, #tpu.memory_space<semaphore_mem>>) attributes {dimension_semantics = [#tpu.dimension_semantics<core_parallel>, #tpu.dimension_semantics<subcore_parallel>], iteration_bounds = array<i64: 2, 16>, scalar_prefetch = 0 : i64, scratch_operands = 5 : i64, tpu.core_type = #tpu.core_type<sc_vector_subcore>, window_params = [{transform_indices = #map}, {transform_indices = #map1}, {transform_indices = #map1}]} {
    %mul3A = arith.constant 2 : i32
    %mul3A_0 = arith.muli %arg1, %mul3A : i32
    %add3A = arith.addi %mul3A_0, %arg0 : i32
    %mul3A_1 = arith.constant 256 : i32
    %mul3A_2 = arith.muli %add3A, %mul3A_1 : i32
    %mul3A_3 = arith.constant 2 : i32
    %mul3A_4 = arith.muli %add3A, %mul3A_3 : i32
    %add3A_5 = arith.constant 0 : i32
    %add3A_6 = arith.addi %add3A_5, %mul3A_4 : i32
    %mul3A_7 = arith.constant 128 : i32
    %mul3A_8 = arith.muli %add3A_6, %mul3A_7 : i32
    "tpu.region"() ({
      %run_scoped3A = tpu.sem_alloc : memref<!tpu.dma_semaphore, #tpu.memory_space<semaphore_mem>>
      %dma_start3A_50 = tpu.memref_slice %arg2[%mul3A_8] : memref<204800xi32, #tpu.memory_space<hbm>> -> memref<256xi32, #tpu.memory_space<hbm>>
      %dma_start3A_51 = tpu.memref_slice %arg2[%mul3A_8] : memref<204800xi32, #tpu.memory_space<hbm>> -> memref<256xi32, #tpu.memory_space<hbm>>
      tpu.enqueue_dma source(%dma_start3A_51 : memref<256xi32, #tpu.memory_space<hbm>>) target(%arg5 : memref<256xi32, #tpu.memory_space<vmem>>) target_semaphore(%run_scoped3A : memref<!tpu.dma_semaphore, #tpu.memory_space<semaphore_mem>>)
      %dma_wait3A_52 = tpu.memref_slice %arg2[%mul3A_8] : memref<204800xi32, #tpu.memory_space<hbm>> -> memref<256xi32, #tpu.memory_space<hbm>>
      %dma_wait3A_53 = tpu.memref_slice %arg2[%mul3A_8] : memref<204800xi32, #tpu.memory_space<hbm>> -> memref<256xi32, #tpu.memory_space<hbm>>
      tpu.wait_dma2 semaphore(%run_scoped3A : memref<!tpu.dma_semaphore, #tpu.memory_space<semaphore_mem>>) src(%dma_wait3A_53 : memref<256xi32, #tpu.memory_space<hbm>>) dst(%arg5 : memref<256xi32, #tpu.memory_space<vmem>>)
      tpu.yield
    }) : () -> ()
    %dma_start3A = arith.constant 0 : i32
    %dma_start3A_9 = tpu.memref_slice %arg5[%dma_start3A] : memref<256xi32, #tpu.memory_space<vmem>> -> memref<128xi32, #tpu.memory_space<vmem>>
    %dma_start3A_10 = arith.constant 0 : i32
    %dma_start3A_11 = arith.constant 0 : i32
    %dma_start3A_12 = tpu.memref_slice %arg3[%dma_start3A_10, %dma_start3A_11] : memref<100000x128xf32, #tpu.memory_space<hbm>> -> memref<100000x128xf32, #tpu.memory_space<hbm>>
    tpu.enqueue_indirect_dma source(%dma_start3A_12 : memref<100000x128xf32, #tpu.memory_space<hbm>>) target(%arg6 : memref<128x128xf32, #tpu.memory_space<vmem>>) offsets(%dma_start3A_9 : memref<128xi32, #tpu.memory_space<vmem>>) semaphore(%arg8 : memref<!tpu.dma_semaphore, #tpu.memory_space<semaphore_mem>>)
    %scan3A = arith.constant 0 : i32
    %scan3A_13 = arith.constant 0 : i32
    %mul3A_14 = arith.constant 2 : i32
    %mul3A_15 = arith.muli %mul3A_14, %scan3A_13 : i32
    %add3A_16 = arith.constant 1 : i32
    %add3A_17 = arith.addi %mul3A_15, %add3A_16 : i32
    %mul3A_18 = arith.constant 128 : i32
    %mul3A_19 = arith.muli %add3A_17, %mul3A_18 : i32
    %dma_start3A_20 = tpu.memref_slice %arg5[%mul3A_19] : memref<256xi32, #tpu.memory_space<vmem>> -> memref<128xi32, #tpu.memory_space<vmem>>
    %dma_start3A_21 = arith.constant 0 : i32
    %dma_start3A_22 = arith.constant 0 : i32
    %dma_start3A_23 = tpu.memref_slice %arg3[%dma_start3A_21, %dma_start3A_22] : memref<100000x128xf32, #tpu.memory_space<hbm>> -> memref<100000x128xf32, #tpu.memory_space<hbm>>
    tpu.enqueue_indirect_dma source(%dma_start3A_23 : memref<100000x128xf32, #tpu.memory_space<hbm>>) target(%arg7 : memref<128x128xf32, #tpu.memory_space<vmem>>) offsets(%dma_start3A_20 : memref<128xi32, #tpu.memory_space<vmem>>) semaphore(%arg9 : memref<!tpu.dma_semaphore, #tpu.memory_space<semaphore_mem>>)
    %mul3A_24 = arith.constant 128 : i32
    %mul3A_25 = arith.muli %mul3A_15, %mul3A_24 : i32
    %dma_wait3A = tpu.memref_slice %arg5[%mul3A_25] : memref<256xi32, #tpu.memory_space<vmem>> -> memref<128xi32, #tpu.memory_space<vmem>>
    %dma_wait3A_26 = arith.constant 0 : i32
    %dma_wait3A_27 = arith.constant 0 : i32
    %dma_wait3A_28 = tpu.memref_slice %arg3[%dma_wait3A_26, %dma_wait3A_27] : memref<100000x128xf32, #tpu.memory_space<hbm>> -> memref<100000x128xf32, #tpu.memory_space<hbm>>
    tpu.wait_indirect_dma semaphore(%arg8 : memref<!tpu.dma_semaphore, #tpu.memory_space<semaphore_mem>>) src(%dma_wait3A_28 : memref<100000x128xf32, #tpu.memory_space<hbm>>) dst(%arg6 : memref<128x128xf32, #tpu.memory_space<vmem>>)
    %mul3A_29 = arith.constant 128 : i32
    %mul3A_30 = arith.muli %mul3A_15, %mul3A_29 : i32
    %add3A_31 = arith.addi %mul3A_2, %mul3A_30 : i32
    "tpu.region"() ({
      %run_scoped3A = tpu.sem_alloc : memref<!tpu.dma_semaphore, #tpu.memory_space<semaphore_mem>>
      %dma_start3A_50 = arith.constant 0 : i32
      %dma_start3A_51 = tpu.memref_slice %arg4[%add3A_31, %dma_start3A_50] : memref<8192x128xf32, #tpu.memory_space<hbm>> -> memref<128x128xf32, #tpu.memory_space<hbm>>
      %dma_start3A_52 = arith.constant 0 : i32
      %dma_start3A_53 = tpu.memref_slice %arg4[%add3A_31, %dma_start3A_52] : memref<8192x128xf32, #tpu.memory_space<hbm>> -> memref<128x128xf32, #tpu.memory_space<hbm>>
      tpu.enqueue_dma source(%arg6 : memref<128x128xf32, #tpu.memory_space<vmem>>) target(%dma_start3A_53 : memref<128x128xf32, #tpu.memory_space<hbm>>) target_semaphore(%run_scoped3A : memref<!tpu.dma_semaphore, #tpu.memory_space<semaphore_mem>>)
      %dma_wait3A_54 = arith.constant 0 : i32
      %dma_wait3A_55 = tpu.memref_slice %arg4[%add3A_31, %dma_wait3A_54] : memref<8192x128xf32, #tpu.memory_space<hbm>> -> memref<128x128xf32, #tpu.memory_space<hbm>>
      %dma_wait3A_56 = arith.constant 0 : i32
      %dma_wait3A_57 = tpu.memref_slice %arg4[%add3A_31, %dma_wait3A_56] : memref<8192x128xf32, #tpu.memory_space<hbm>> -> memref<128x128xf32, #tpu.memory_space<hbm>>
      tpu.wait_dma2 semaphore(%run_scoped3A : memref<!tpu.dma_semaphore, #tpu.memory_space<semaphore_mem>>) src(%arg6 : memref<128x128xf32, #tpu.memory_space<vmem>>) dst(%dma_wait3A_57 : memref<128x128xf32, #tpu.memory_space<hbm>>)
      tpu.yield
    }) : () -> ()
    %add3A_32 = arith.constant 1 : i32
    %add3A_33 = arith.addi %scan3A_13, %add3A_32 : i32
    %lt3A = arith.constant 1 : i32
    %lt3A_34 = arith.cmpi slt, %add3A_33, %lt3A : i32
    %convert_element_type3A = arith.extui %lt3A_34 : i1 to i32
    %cond3A = arith.constant 0 : i32
    %cond3A_35 = arith.cmpi ne, %convert_element_type3A, %cond3A : i32
    scf.if %cond3A_35 {
      %add3A_50 = arith.constant 2 : i32
      %add3A_51 = arith.addi %mul3A_15, %add3A_50 : i32
      %mul3A_52 = arith.constant 128 : i32
      %mul3A_53 = arith.muli %add3A_51, %mul3A_52 : i32
      %dma_start3A_54 = tpu.memref_slice %arg5[%mul3A_53] : memref<256xi32, #tpu.memory_space<vmem>> -> memref<128xi32, #tpu.memory_space<vmem>>
      %dma_start3A_55 = arith.constant 0 : i32
      %dma_start3A_56 = arith.constant 0 : i32
      %dma_start3A_57 = tpu.memref_slice %arg3[%dma_start3A_55, %dma_start3A_56] : memref<100000x128xf32, #tpu.memory_space<hbm>> -> memref<100000x128xf32, #tpu.memory_space<hbm>>
      tpu.enqueue_indirect_dma source(%dma_start3A_57 : memref<100000x128xf32, #tpu.memory_space<hbm>>) target(%arg6 : memref<128x128xf32, #tpu.memory_space<vmem>>) offsets(%dma_start3A_54 : memref<128xi32, #tpu.memory_space<vmem>>) semaphore(%arg8 : memref<!tpu.dma_semaphore, #tpu.memory_space<semaphore_mem>>)
    } else {
    }
    %add3A_36 = arith.constant 1 : i32
    %add3A_37 = arith.addi %mul3A_15, %add3A_36 : i32
    %mul3A_38 = arith.constant 128 : i32
    %mul3A_39 = arith.muli %add3A_37, %mul3A_38 : i32
    %dma_wait3A_40 = tpu.memref_slice %arg5[%mul3A_39] : memref<256xi32, #tpu.memory_space<vmem>> -> memref<128xi32, #tpu.memory_space<vmem>>
    %dma_wait3A_41 = arith.constant 0 : i32
    %dma_wait3A_42 = arith.constant 0 : i32
    %dma_wait3A_43 = tpu.memref_slice %arg3[%dma_wait3A_41, %dma_wait3A_42] : memref<100000x128xf32, #tpu.memory_space<hbm>> -> memref<100000x128xf32, #tpu.memory_space<hbm>>
    tpu.wait_indirect_dma semaphore(%arg9 : memref<!tpu.dma_semaphore, #tpu.memory_space<semaphore_mem>>) src(%dma_wait3A_43 : memref<100000x128xf32, #tpu.memory_space<hbm>>) dst(%arg7 : memref<128x128xf32, #tpu.memory_space<vmem>>)
    %add3A_44 = arith.constant 1 : i32
    %add3A_45 = arith.addi %mul3A_15, %add3A_44 : i32
    %mul3A_46 = arith.constant 128 : i32
    %mul3A_47 = arith.muli %add3A_45, %mul3A_46 : i32
    %add3A_48 = arith.addi %mul3A_2, %mul3A_47 : i32
    "tpu.region"() ({
      %run_scoped3A = tpu.sem_alloc : memref<!tpu.dma_semaphore, #tpu.memory_space<semaphore_mem>>
      %dma_start3A_50 = arith.constant 0 : i32
      %dma_start3A_51 = tpu.memref_slice %arg4[%add3A_48, %dma_start3A_50] : memref<8192x128xf32, #tpu.memory_space<hbm>> -> memref<128x128xf32, #tpu.memory_space<hbm>>
      %dma_start3A_52 = arith.constant 0 : i32
      %dma_start3A_53 = tpu.memref_slice %arg4[%add3A_48, %dma_start3A_52] : memref<8192x128xf32, #tpu.memory_space<hbm>> -> memref<128x128xf32, #tpu.memory_space<hbm>>
      tpu.enqueue_dma source(%arg7 : memref<128x128xf32, #tpu.memory_space<vmem>>) target(%dma_start3A_53 : memref<128x128xf32, #tpu.memory_space<hbm>>) target_semaphore(%run_scoped3A : memref<!tpu.dma_semaphore, #tpu.memory_space<semaphore_mem>>)
      %dma_wait3A_54 = arith.constant 0 : i32
      %dma_wait3A_55 = tpu.memref_slice %arg4[%add3A_48, %dma_wait3A_54] : memref<8192x128xf32, #tpu.memory_space<hbm>> -> memref<128x128xf32, #tpu.memory_space<hbm>>
      %dma_wait3A_56 = arith.constant 0 : i32
      %dma_wait3A_57 = tpu.memref_slice %arg4[%add3A_48, %dma_wait3A_56] : memref<8192x128xf32, #tpu.memory_space<hbm>> -> memref<128x128xf32, #tpu.memory_space<hbm>>
      tpu.wait_dma2 semaphore(%run_scoped3A : memref<!tpu.dma_semaphore, #tpu.memory_space<semaphore_mem>>) src(%arg7 : memref<128x128xf32, #tpu.memory_space<vmem>>) dst(%dma_wait3A_57 : memref<128x128xf32, #tpu.memory_space<hbm>>)
      tpu.yield
    }) : () -> ()
    %scan3A_49 = arith.constant 1 : i32
    return
  }
}

#map = affine_map<(d0, d1) -> (0)>
#map1 = affine_map<(d0, d1) -> (0, 0)>
module attributes {stable_mosaic.version = 14 : i64} {
  func.func @gather(%arg0: i32, %arg1: i32, %arg2: memref<204800xi32, #tpu.memory_space<hbm>>, %arg3: memref<100000x128xf32, #tpu.memory_space<hbm>>, %arg4: memref<40960x128xf32, #tpu.memory_space<hbm>>, %arg5: memref<1280xi32, #tpu.memory_space<vmem>>, %arg6: memref<128x128xf32, #tpu.memory_space<vmem>>, %arg7: memref<128x128xf32, #tpu.memory_space<vmem>>, %arg8: memref<!tpu.dma_semaphore, #tpu.memory_space<semaphore_mem>>, %arg9: memref<!tpu.dma_semaphore, #tpu.memory_space<semaphore_mem>>) attributes {dimension_semantics = [#tpu.dimension_semantics<core_parallel>, #tpu.dimension_semantics<subcore_parallel>], iteration_bounds = array<i64: 2, 16>, scalar_prefetch = 0 : i64, scratch_operands = 5 : i64, tpu.core_type = #tpu.core_type<sc_vector_subcore>, window_params = [{transform_indices = #map}, {transform_indices = #map1}, {transform_indices = #map1}]} {
    %mul3A = arith.constant 2 : i32
    %mul3A_0 = arith.muli %arg1, %mul3A : i32
    %add3A = arith.addi %mul3A_0, %arg0 : i32
    %mul3A_1 = arith.constant 1280 : i32
    %mul3A_2 = arith.muli %add3A, %mul3A_1 : i32
    %mul3A_3 = arith.constant 10 : i32
    %mul3A_4 = arith.muli %add3A, %mul3A_3 : i32
    %add3A_5 = arith.constant 1280 : i32
    %add3A_6 = arith.addi %add3A_5, %mul3A_4 : i32
    %mul3A_7 = arith.constant 128 : i32
    %mul3A_8 = arith.muli %add3A_6, %mul3A_7 : i32
    "tpu.region"() ({
      %run_scoped3A = tpu.sem_alloc : memref<!tpu.dma_semaphore, #tpu.memory_space<semaphore_mem>>
      %dma_start3A_18 = tpu.memref_slice %arg2[%mul3A_8] : memref<204800xi32, #tpu.memory_space<hbm>> -> memref<1280xi32, #tpu.memory_space<hbm>>
      %dma_start3A_19 = tpu.memref_slice %arg2[%mul3A_8] : memref<204800xi32, #tpu.memory_space<hbm>> -> memref<1280xi32, #tpu.memory_space<hbm>>
      tpu.enqueue_dma source(%dma_start3A_19 : memref<1280xi32, #tpu.memory_space<hbm>>) target(%arg5 : memref<1280xi32, #tpu.memory_space<vmem>>) target_semaphore(%run_scoped3A : memref<!tpu.dma_semaphore, #tpu.memory_space<semaphore_mem>>)
      %dma_wait3A = tpu.memref_slice %arg2[%mul3A_8] : memref<204800xi32, #tpu.memory_space<hbm>> -> memref<1280xi32, #tpu.memory_space<hbm>>
      %dma_wait3A_20 = tpu.memref_slice %arg2[%mul3A_8] : memref<204800xi32, #tpu.memory_space<hbm>> -> memref<1280xi32, #tpu.memory_space<hbm>>
      tpu.wait_dma2 semaphore(%run_scoped3A : memref<!tpu.dma_semaphore, #tpu.memory_space<semaphore_mem>>) src(%dma_wait3A_20 : memref<1280xi32, #tpu.memory_space<hbm>>) dst(%arg5 : memref<1280xi32, #tpu.memory_space<vmem>>)
      tpu.yield
    }) : () -> ()
    %dma_start3A = arith.constant 0 : i32
    %dma_start3A_9 = tpu.memref_slice %arg5[%dma_start3A] : memref<1280xi32, #tpu.memory_space<vmem>> -> memref<128xi32, #tpu.memory_space<vmem>>
    %dma_start3A_10 = arith.constant 0 : i32
    %dma_start3A_11 = arith.constant 0 : i32
    %dma_start3A_12 = tpu.memref_slice %arg3[%dma_start3A_10, %dma_start3A_11] : memref<100000x128xf32, #tpu.memory_space<hbm>> -> memref<100000x128xf32, #tpu.memory_space<hbm>>
    tpu.enqueue_indirect_dma source(%dma_start3A_12 : memref<100000x128xf32, #tpu.memory_space<hbm>>) target(%arg6 : memref<128x128xf32, #tpu.memory_space<vmem>>) offsets(%dma_start3A_9 : memref<128xi32, #tpu.memory_space<vmem>>) semaphore(%arg8 : memref<!tpu.dma_semaphore, #tpu.memory_space<semaphore_mem>>)
    %scan3A = arith.constant 0 : i32
    %scan3A_13 = arith.constant 0 : i32
    %scan3A_14 = arith.constant 5 : i32
    %scan3A_15 = arith.addi %scan3A_13, %scan3A_14 : i32
    %scan3A_16 = arith.constant 1 : i32
    scf.for %scan3A_18 = %scan3A_13 to %scan3A_15 step %scan3A_16  : i32 {
      %mul3A_19 = arith.constant 2 : i32
      %mul3A_20 = arith.muli %mul3A_19, %scan3A_18 : i32
      %add3A_21 = arith.constant 1 : i32
      %add3A_22 = arith.addi %mul3A_20, %add3A_21 : i32
      %mul3A_23 = arith.constant 128 : i32
      %mul3A_24 = arith.muli %add3A_22, %mul3A_23 : i32
      %dma_start3A_25 = tpu.memref_slice %arg5[%mul3A_24] : memref<1280xi32, #tpu.memory_space<vmem>> -> memref<128xi32, #tpu.memory_space<vmem>>
      %dma_start3A_26 = arith.constant 0 : i32
      %dma_start3A_27 = arith.constant 0 : i32
      %dma_start3A_28 = tpu.memref_slice %arg3[%dma_start3A_26, %dma_start3A_27] : memref<100000x128xf32, #tpu.memory_space<hbm>> -> memref<100000x128xf32, #tpu.memory_space<hbm>>
      tpu.enqueue_indirect_dma source(%dma_start3A_28 : memref<100000x128xf32, #tpu.memory_space<hbm>>) target(%arg7 : memref<128x128xf32, #tpu.memory_space<vmem>>) offsets(%dma_start3A_25 : memref<128xi32, #tpu.memory_space<vmem>>) semaphore(%arg9 : memref<!tpu.dma_semaphore, #tpu.memory_space<semaphore_mem>>)
      %mul3A_29 = arith.constant 128 : i32
      %mul3A_30 = arith.muli %mul3A_20, %mul3A_29 : i32
      %dma_wait3A = tpu.memref_slice %arg5[%mul3A_30] : memref<1280xi32, #tpu.memory_space<vmem>> -> memref<128xi32, #tpu.memory_space<vmem>>
      %dma_wait3A_31 = arith.constant 0 : i32
      %dma_wait3A_32 = arith.constant 0 : i32
      %dma_wait3A_33 = tpu.memref_slice %arg3[%dma_wait3A_31, %dma_wait3A_32] : memref<100000x128xf32, #tpu.memory_space<hbm>> -> memref<100000x128xf32, #tpu.memory_space<hbm>>
      tpu.wait_indirect_dma semaphore(%arg8 : memref<!tpu.dma_semaphore, #tpu.memory_space<semaphore_mem>>) src(%dma_wait3A_33 : memref<100000x128xf32, #tpu.memory_space<hbm>>) dst(%arg6 : memref<128x128xf32, #tpu.memory_space<vmem>>)
      %mul3A_34 = arith.constant 128 : i32
      %mul3A_35 = arith.muli %mul3A_20, %mul3A_34 : i32
      %add3A_36 = arith.addi %mul3A_2, %mul3A_35 : i32
      "tpu.region"() ({
        %run_scoped3A = tpu.sem_alloc : memref<!tpu.dma_semaphore, #tpu.memory_space<semaphore_mem>>
        %dma_start3A_54 = arith.constant 0 : i32
        %dma_start3A_55 = tpu.memref_slice %arg4[%add3A_36, %dma_start3A_54] : memref<40960x128xf32, #tpu.memory_space<hbm>> -> memref<128x128xf32, #tpu.memory_space<hbm>>
        %dma_start3A_56 = arith.constant 0 : i32
        %dma_start3A_57 = tpu.memref_slice %arg4[%add3A_36, %dma_start3A_56] : memref<40960x128xf32, #tpu.memory_space<hbm>> -> memref<128x128xf32, #tpu.memory_space<hbm>>
        tpu.enqueue_dma source(%arg6 : memref<128x128xf32, #tpu.memory_space<vmem>>) target(%dma_start3A_57 : memref<128x128xf32, #tpu.memory_space<hbm>>) target_semaphore(%run_scoped3A : memref<!tpu.dma_semaphore, #tpu.memory_space<semaphore_mem>>)
        %dma_wait3A_58 = arith.constant 0 : i32
        %dma_wait3A_59 = tpu.memref_slice %arg4[%add3A_36, %dma_wait3A_58] : memref<40960x128xf32, #tpu.memory_space<hbm>> -> memref<128x128xf32, #tpu.memory_space<hbm>>
        %dma_wait3A_60 = arith.constant 0 : i32
        %dma_wait3A_61 = tpu.memref_slice %arg4[%add3A_36, %dma_wait3A_60] : memref<40960x128xf32, #tpu.memory_space<hbm>> -> memref<128x128xf32, #tpu.memory_space<hbm>>
        tpu.wait_dma2 semaphore(%run_scoped3A : memref<!tpu.dma_semaphore, #tpu.memory_space<semaphore_mem>>) src(%arg6 : memref<128x128xf32, #tpu.memory_space<vmem>>) dst(%dma_wait3A_61 : memref<128x128xf32, #tpu.memory_space<hbm>>)
        tpu.yield
      }) : () -> ()
      %add3A_37 = arith.constant 1 : i32
      %add3A_38 = arith.addi %scan3A_18, %add3A_37 : i32
      %lt3A = arith.constant 5 : i32
      %lt3A_39 = arith.cmpi slt, %add3A_38, %lt3A : i32
      %convert_element_type3A = arith.extui %lt3A_39 : i1 to i32
      %cond3A = arith.constant 0 : i32
      %cond3A_40 = arith.cmpi ne, %convert_element_type3A, %cond3A : i32
      scf.if %cond3A_40 {
        %add3A_54 = arith.constant 2 : i32
        %add3A_55 = arith.addi %mul3A_20, %add3A_54 : i32
        %mul3A_56 = arith.constant 128 : i32
        %mul3A_57 = arith.muli %add3A_55, %mul3A_56 : i32
        %dma_start3A_58 = tpu.memref_slice %arg5[%mul3A_57] : memref<1280xi32, #tpu.memory_space<vmem>> -> memref<128xi32, #tpu.memory_space<vmem>>
        %dma_start3A_59 = arith.constant 0 : i32
        %dma_start3A_60 = arith.constant 0 : i32
        %dma_start3A_61 = tpu.memref_slice %arg3[%dma_start3A_59, %dma_start3A_60] : memref<100000x128xf32, #tpu.memory_space<hbm>> -> memref<100000x128xf32, #tpu.memory_space<hbm>>
        tpu.enqueue_indirect_dma source(%dma_start3A_61 : memref<100000x128xf32, #tpu.memory_space<hbm>>) target(%arg6 : memref<128x128xf32, #tpu.memory_space<vmem>>) offsets(%dma_start3A_58 : memref<128xi32, #tpu.memory_space<vmem>>) semaphore(%arg8 : memref<!tpu.dma_semaphore, #tpu.memory_space<semaphore_mem>>)
      } else {
      }
      %add3A_41 = arith.constant 1 : i32
      %add3A_42 = arith.addi %mul3A_20, %add3A_41 : i32
      %mul3A_43 = arith.constant 128 : i32
      %mul3A_44 = arith.muli %add3A_42, %mul3A_43 : i32
      %dma_wait3A_45 = tpu.memref_slice %arg5[%mul3A_44] : memref<1280xi32, #tpu.memory_space<vmem>> -> memref<128xi32, #tpu.memory_space<vmem>>
      %dma_wait3A_46 = arith.constant 0 : i32
      %dma_wait3A_47 = arith.constant 0 : i32
      %dma_wait3A_48 = tpu.memref_slice %arg3[%dma_wait3A_46, %dma_wait3A_47] : memref<100000x128xf32, #tpu.memory_space<hbm>> -> memref<100000x128xf32, #tpu.memory_space<hbm>>
      tpu.wait_indirect_dma semaphore(%arg9 : memref<!tpu.dma_semaphore, #tpu.memory_space<semaphore_mem>>) src(%dma_wait3A_48 : memref<100000x128xf32, #tpu.memory_space<hbm>>) dst(%arg7 : memref<128x128xf32, #tpu.memory_space<vmem>>)
      %add3A_49 = arith.constant 1 : i32
      %add3A_50 = arith.addi %mul3A_20, %add3A_49 : i32
      %mul3A_51 = arith.constant 128 : i32
      %mul3A_52 = arith.muli %add3A_50, %mul3A_51 : i32
      %add3A_53 = arith.addi %mul3A_2, %mul3A_52 : i32
      "tpu.region"() ({
        %run_scoped3A = tpu.sem_alloc : memref<!tpu.dma_semaphore, #tpu.memory_space<semaphore_mem>>
        %dma_start3A_54 = arith.constant 0 : i32
        %dma_start3A_55 = tpu.memref_slice %arg4[%add3A_53, %dma_start3A_54] : memref<40960x128xf32, #tpu.memory_space<hbm>> -> memref<128x128xf32, #tpu.memory_space<hbm>>
        %dma_start3A_56 = arith.constant 0 : i32
        %dma_start3A_57 = tpu.memref_slice %arg4[%add3A_53, %dma_start3A_56] : memref<40960x128xf32, #tpu.memory_space<hbm>> -> memref<128x128xf32, #tpu.memory_space<hbm>>
        tpu.enqueue_dma source(%arg7 : memref<128x128xf32, #tpu.memory_space<vmem>>) target(%dma_start3A_57 : memref<128x128xf32, #tpu.memory_space<hbm>>) target_semaphore(%run_scoped3A : memref<!tpu.dma_semaphore, #tpu.memory_space<semaphore_mem>>)
        %dma_wait3A_58 = arith.constant 0 : i32
        %dma_wait3A_59 = tpu.memref_slice %arg4[%add3A_53, %dma_wait3A_58] : memref<40960x128xf32, #tpu.memory_space<hbm>> -> memref<128x128xf32, #tpu.memory_space<hbm>>
        %dma_wait3A_60 = arith.constant 0 : i32
        %dma_wait3A_61 = tpu.memref_slice %arg4[%add3A_53, %dma_wait3A_60] : memref<40960x128xf32, #tpu.memory_space<hbm>> -> memref<128x128xf32, #tpu.memory_space<hbm>>
        tpu.wait_dma2 semaphore(%run_scoped3A : memref<!tpu.dma_semaphore, #tpu.memory_space<semaphore_mem>>) src(%arg7 : memref<128x128xf32, #tpu.memory_space<vmem>>) dst(%dma_wait3A_61 : memref<128x128xf32, #tpu.memory_space<hbm>>)
        tpu.yield
      }) : () -> ()
    }
    %scan3A_17 = arith.constant 5 : i32
    return
  }
}

#map = affine_map<(d0, d1) -> (0)>
#map1 = affine_map<(d0, d1) -> (0, 0)>
module attributes {stable_mosaic.version = 14 : i64} {
  func.func @gather(%arg0: i32, %arg1: i32, %arg2: memref<204800xi32, #tpu.memory_space<hbm>>, %arg3: memref<100000x128xf32, #tpu.memory_space<hbm>>, %arg4: memref<57344x128xf32, #tpu.memory_space<hbm>>, %arg5: memref<1792xi32, #tpu.memory_space<vmem>>, %arg6: memref<128x128xf32, #tpu.memory_space<vmem>>, %arg7: memref<128x128xf32, #tpu.memory_space<vmem>>, %arg8: memref<!tpu.dma_semaphore, #tpu.memory_space<semaphore_mem>>, %arg9: memref<!tpu.dma_semaphore, #tpu.memory_space<semaphore_mem>>) attributes {dimension_semantics = [#tpu.dimension_semantics<core_parallel>, #tpu.dimension_semantics<subcore_parallel>], iteration_bounds = array<i64: 2, 16>, scalar_prefetch = 0 : i64, scratch_operands = 5 : i64, tpu.core_type = #tpu.core_type<sc_vector_subcore>, window_params = [{transform_indices = #map}, {transform_indices = #map1}, {transform_indices = #map1}]} {
    %mul3A = arith.constant 2 : i32
    %mul3A_0 = arith.muli %arg1, %mul3A : i32
    %add3A = arith.addi %mul3A_0, %arg0 : i32
    %mul3A_1 = arith.constant 1792 : i32
    %mul3A_2 = arith.muli %add3A, %mul3A_1 : i32
    %mul3A_3 = arith.constant 14 : i32
    %mul3A_4 = arith.muli %add3A, %mul3A_3 : i32
    %add3A_5 = arith.constant 832 : i32
    %add3A_6 = arith.addi %add3A_5, %mul3A_4 : i32
    %mul3A_7 = arith.constant 128 : i32
    %mul3A_8 = arith.muli %add3A_6, %mul3A_7 : i32
    "tpu.region"() ({
      %run_scoped3A = tpu.sem_alloc : memref<!tpu.dma_semaphore, #tpu.memory_space<semaphore_mem>>
      %dma_start3A_18 = tpu.memref_slice %arg2[%mul3A_8] : memref<204800xi32, #tpu.memory_space<hbm>> -> memref<1792xi32, #tpu.memory_space<hbm>>
      %dma_start3A_19 = tpu.memref_slice %arg2[%mul3A_8] : memref<204800xi32, #tpu.memory_space<hbm>> -> memref<1792xi32, #tpu.memory_space<hbm>>
      tpu.enqueue_dma source(%dma_start3A_19 : memref<1792xi32, #tpu.memory_space<hbm>>) target(%arg5 : memref<1792xi32, #tpu.memory_space<vmem>>) target_semaphore(%run_scoped3A : memref<!tpu.dma_semaphore, #tpu.memory_space<semaphore_mem>>)
      %dma_wait3A = tpu.memref_slice %arg2[%mul3A_8] : memref<204800xi32, #tpu.memory_space<hbm>> -> memref<1792xi32, #tpu.memory_space<hbm>>
      %dma_wait3A_20 = tpu.memref_slice %arg2[%mul3A_8] : memref<204800xi32, #tpu.memory_space<hbm>> -> memref<1792xi32, #tpu.memory_space<hbm>>
      tpu.wait_dma2 semaphore(%run_scoped3A : memref<!tpu.dma_semaphore, #tpu.memory_space<semaphore_mem>>) src(%dma_wait3A_20 : memref<1792xi32, #tpu.memory_space<hbm>>) dst(%arg5 : memref<1792xi32, #tpu.memory_space<vmem>>)
      tpu.yield
    }) : () -> ()
    %dma_start3A = arith.constant 0 : i32
    %dma_start3A_9 = tpu.memref_slice %arg5[%dma_start3A] : memref<1792xi32, #tpu.memory_space<vmem>> -> memref<128xi32, #tpu.memory_space<vmem>>
    %dma_start3A_10 = arith.constant 0 : i32
    %dma_start3A_11 = arith.constant 0 : i32
    %dma_start3A_12 = tpu.memref_slice %arg3[%dma_start3A_10, %dma_start3A_11] : memref<100000x128xf32, #tpu.memory_space<hbm>> -> memref<100000x128xf32, #tpu.memory_space<hbm>>
    tpu.enqueue_indirect_dma source(%dma_start3A_12 : memref<100000x128xf32, #tpu.memory_space<hbm>>) target(%arg6 : memref<128x128xf32, #tpu.memory_space<vmem>>) offsets(%dma_start3A_9 : memref<128xi32, #tpu.memory_space<vmem>>) semaphore(%arg8 : memref<!tpu.dma_semaphore, #tpu.memory_space<semaphore_mem>>)
    %scan3A = arith.constant 0 : i32
    %scan3A_13 = arith.constant 0 : i32
    %scan3A_14 = arith.constant 7 : i32
    %scan3A_15 = arith.addi %scan3A_13, %scan3A_14 : i32
    %scan3A_16 = arith.constant 1 : i32
    scf.for %scan3A_18 = %scan3A_13 to %scan3A_15 step %scan3A_16  : i32 {
      %mul3A_19 = arith.constant 2 : i32
      %mul3A_20 = arith.muli %mul3A_19, %scan3A_18 : i32
      %add3A_21 = arith.constant 1 : i32
      %add3A_22 = arith.addi %mul3A_20, %add3A_21 : i32
      %mul3A_23 = arith.constant 128 : i32
      %mul3A_24 = arith.muli %add3A_22, %mul3A_23 : i32
      %dma_start3A_25 = tpu.memref_slice %arg5[%mul3A_24] : memref<1792xi32, #tpu.memory_space<vmem>> -> memref<128xi32, #tpu.memory_space<vmem>>
      %dma_start3A_26 = arith.constant 0 : i32
      %dma_start3A_27 = arith.constant 0 : i32
      %dma_start3A_28 = tpu.memref_slice %arg3[%dma_start3A_26, %dma_start3A_27] : memref<100000x128xf32, #tpu.memory_space<hbm>> -> memref<100000x128xf32, #tpu.memory_space<hbm>>
      tpu.enqueue_indirect_dma source(%dma_start3A_28 : memref<100000x128xf32, #tpu.memory_space<hbm>>) target(%arg7 : memref<128x128xf32, #tpu.memory_space<vmem>>) offsets(%dma_start3A_25 : memref<128xi32, #tpu.memory_space<vmem>>) semaphore(%arg9 : memref<!tpu.dma_semaphore, #tpu.memory_space<semaphore_mem>>)
      %mul3A_29 = arith.constant 128 : i32
      %mul3A_30 = arith.muli %mul3A_20, %mul3A_29 : i32
      %dma_wait3A = tpu.memref_slice %arg5[%mul3A_30] : memref<1792xi32, #tpu.memory_space<vmem>> -> memref<128xi32, #tpu.memory_space<vmem>>
      %dma_wait3A_31 = arith.constant 0 : i32
      %dma_wait3A_32 = arith.constant 0 : i32
      %dma_wait3A_33 = tpu.memref_slice %arg3[%dma_wait3A_31, %dma_wait3A_32] : memref<100000x128xf32, #tpu.memory_space<hbm>> -> memref<100000x128xf32, #tpu.memory_space<hbm>>
      tpu.wait_indirect_dma semaphore(%arg8 : memref<!tpu.dma_semaphore, #tpu.memory_space<semaphore_mem>>) src(%dma_wait3A_33 : memref<100000x128xf32, #tpu.memory_space<hbm>>) dst(%arg6 : memref<128x128xf32, #tpu.memory_space<vmem>>)
      %mul3A_34 = arith.constant 128 : i32
      %mul3A_35 = arith.muli %mul3A_20, %mul3A_34 : i32
      %add3A_36 = arith.addi %mul3A_2, %mul3A_35 : i32
      "tpu.region"() ({
        %run_scoped3A = tpu.sem_alloc : memref<!tpu.dma_semaphore, #tpu.memory_space<semaphore_mem>>
        %dma_start3A_54 = arith.constant 0 : i32
        %dma_start3A_55 = tpu.memref_slice %arg4[%add3A_36, %dma_start3A_54] : memref<57344x128xf32, #tpu.memory_space<hbm>> -> memref<128x128xf32, #tpu.memory_space<hbm>>
        %dma_start3A_56 = arith.constant 0 : i32
        %dma_start3A_57 = tpu.memref_slice %arg4[%add3A_36, %dma_start3A_56] : memref<57344x128xf32, #tpu.memory_space<hbm>> -> memref<128x128xf32, #tpu.memory_space<hbm>>
        tpu.enqueue_dma source(%arg6 : memref<128x128xf32, #tpu.memory_space<vmem>>) target(%dma_start3A_57 : memref<128x128xf32, #tpu.memory_space<hbm>>) target_semaphore(%run_scoped3A : memref<!tpu.dma_semaphore, #tpu.memory_space<semaphore_mem>>)
        %dma_wait3A_58 = arith.constant 0 : i32
        %dma_wait3A_59 = tpu.memref_slice %arg4[%add3A_36, %dma_wait3A_58] : memref<57344x128xf32, #tpu.memory_space<hbm>> -> memref<128x128xf32, #tpu.memory_space<hbm>>
        %dma_wait3A_60 = arith.constant 0 : i32
        %dma_wait3A_61 = tpu.memref_slice %arg4[%add3A_36, %dma_wait3A_60] : memref<57344x128xf32, #tpu.memory_space<hbm>> -> memref<128x128xf32, #tpu.memory_space<hbm>>
        tpu.wait_dma2 semaphore(%run_scoped3A : memref<!tpu.dma_semaphore, #tpu.memory_space<semaphore_mem>>) src(%arg6 : memref<128x128xf32, #tpu.memory_space<vmem>>) dst(%dma_wait3A_61 : memref<128x128xf32, #tpu.memory_space<hbm>>)
        tpu.yield
      }) : () -> ()
      %add3A_37 = arith.constant 1 : i32
      %add3A_38 = arith.addi %scan3A_18, %add3A_37 : i32
      %lt3A = arith.constant 7 : i32
      %lt3A_39 = arith.cmpi slt, %add3A_38, %lt3A : i32
      %convert_element_type3A = arith.extui %lt3A_39 : i1 to i32
      %cond3A = arith.constant 0 : i32
      %cond3A_40 = arith.cmpi ne, %convert_element_type3A, %cond3A : i32
      scf.if %cond3A_40 {
        %add3A_54 = arith.constant 2 : i32
        %add3A_55 = arith.addi %mul3A_20, %add3A_54 : i32
        %mul3A_56 = arith.constant 128 : i32
        %mul3A_57 = arith.muli %add3A_55, %mul3A_56 : i32
        %dma_start3A_58 = tpu.memref_slice %arg5[%mul3A_57] : memref<1792xi32, #tpu.memory_space<vmem>> -> memref<128xi32, #tpu.memory_space<vmem>>
        %dma_start3A_59 = arith.constant 0 : i32
        %dma_start3A_60 = arith.constant 0 : i32
        %dma_start3A_61 = tpu.memref_slice %arg3[%dma_start3A_59, %dma_start3A_60] : memref<100000x128xf32, #tpu.memory_space<hbm>> -> memref<100000x128xf32, #tpu.memory_space<hbm>>
        tpu.enqueue_indirect_dma source(%dma_start3A_61 : memref<100000x128xf32, #tpu.memory_space<hbm>>) target(%arg6 : memref<128x128xf32, #tpu.memory_space<vmem>>) offsets(%dma_start3A_58 : memref<128xi32, #tpu.memory_space<vmem>>) semaphore(%arg8 : memref<!tpu.dma_semaphore, #tpu.memory_space<semaphore_mem>>)
      } else {
      }
      %add3A_41 = arith.constant 1 : i32
      %add3A_42 = arith.addi %mul3A_20, %add3A_41 : i32
      %mul3A_43 = arith.constant 128 : i32
      %mul3A_44 = arith.muli %add3A_42, %mul3A_43 : i32
      %dma_wait3A_45 = tpu.memref_slice %arg5[%mul3A_44] : memref<1792xi32, #tpu.memory_space<vmem>> -> memref<128xi32, #tpu.memory_space<vmem>>
      %dma_wait3A_46 = arith.constant 0 : i32
      %dma_wait3A_47 = arith.constant 0 : i32
      %dma_wait3A_48 = tpu.memref_slice %arg3[%dma_wait3A_46, %dma_wait3A_47] : memref<100000x128xf32, #tpu.memory_space<hbm>> -> memref<100000x128xf32, #tpu.memory_space<hbm>>
      tpu.wait_indirect_dma semaphore(%arg9 : memref<!tpu.dma_semaphore, #tpu.memory_space<semaphore_mem>>) src(%dma_wait3A_48 : memref<100000x128xf32, #tpu.memory_space<hbm>>) dst(%arg7 : memref<128x128xf32, #tpu.memory_space<vmem>>)
      %add3A_49 = arith.constant 1 : i32
      %add3A_50 = arith.addi %mul3A_20, %add3A_49 : i32
      %mul3A_51 = arith.constant 128 : i32
      %mul3A_52 = arith.muli %add3A_50, %mul3A_51 : i32
      %add3A_53 = arith.addi %mul3A_2, %mul3A_52 : i32
      "tpu.region"() ({
        %run_scoped3A = tpu.sem_alloc : memref<!tpu.dma_semaphore, #tpu.memory_space<semaphore_mem>>
        %dma_start3A_54 = arith.constant 0 : i32
        %dma_start3A_55 = tpu.memref_slice %arg4[%add3A_53, %dma_start3A_54] : memref<57344x128xf32, #tpu.memory_space<hbm>> -> memref<128x128xf32, #tpu.memory_space<hbm>>
        %dma_start3A_56 = arith.constant 0 : i32
        %dma_start3A_57 = tpu.memref_slice %arg4[%add3A_53, %dma_start3A_56] : memref<57344x128xf32, #tpu.memory_space<hbm>> -> memref<128x128xf32, #tpu.memory_space<hbm>>
        tpu.enqueue_dma source(%arg7 : memref<128x128xf32, #tpu.memory_space<vmem>>) target(%dma_start3A_57 : memref<128x128xf32, #tpu.memory_space<hbm>>) target_semaphore(%run_scoped3A : memref<!tpu.dma_semaphore, #tpu.memory_space<semaphore_mem>>)
        %dma_wait3A_58 = arith.constant 0 : i32
        %dma_wait3A_59 = tpu.memref_slice %arg4[%add3A_53, %dma_wait3A_58] : memref<57344x128xf32, #tpu.memory_space<hbm>> -> memref<128x128xf32, #tpu.memory_space<hbm>>
        %dma_wait3A_60 = arith.constant 0 : i32
        %dma_wait3A_61 = tpu.memref_slice %arg4[%add3A_53, %dma_wait3A_60] : memref<57344x128xf32, #tpu.memory_space<hbm>> -> memref<128x128xf32, #tpu.memory_space<hbm>>
        tpu.wait_dma2 semaphore(%run_scoped3A : memref<!tpu.dma_semaphore, #tpu.memory_space<semaphore_mem>>) src(%arg7 : memref<128x128xf32, #tpu.memory_space<vmem>>) dst(%dma_wait3A_61 : memref<128x128xf32, #tpu.memory_space<hbm>>)
        tpu.yield
      }) : () -> ()
    }
    %scan3A_17 = arith.constant 7 : i32
    return
  }
}

module attributes {stable_mosaic.version = 14 : i64} {
  func.func @_mm_body(%arg0: i32, %arg1: memref<8192x128xf32, #tpu.memory_space<vmem>>, %arg2: memref<256x128xf32, #tpu.memory_space<vmem>>, %arg3: memref<1x256xf32, #tpu.memory_space<vmem>>, %arg4: memref<2x4096x256xf32, #tpu.memory_space<vmem>>) attributes {dimension_semantics = [#tpu.dimension_semantics<arbitrary>], iteration_bounds = array<i64: 1>, scalar_prefetch = 0 : i64, scratch_operands = 0 : i64, tpu.core_type = #tpu.core_type<tc>, window_params = [{transform_indices = @transform_0, window_bounds = array<i64: 8192, 128>}, {pipeline_mode = #tpu.pipeline_mode<synchronous>, transform_indices = @transform_1, window_bounds = array<i64: 256, 128>}, {pipeline_mode = #tpu.pipeline_mode<synchronous>, transform_indices = @transform_2, window_bounds = array<i64: 1, 256>}, {transform_indices = @transform_3, window_bounds = array<i64: 2, 4096, 256>}]} {
    %get3A = arith.constant 0 : index
    %get3A_0 = arith.constant 0 : index
    %get3A_1 = vector.load %arg1[%get3A, %get3A_0] : memref<8192x128xf32, #tpu.memory_space<vmem>>, vector<8192x128xf32>
    %get3A_2 = arith.constant 0 : index
    %get3A_3 = arith.constant 0 : index
    %get3A_4 = vector.load %arg2[%get3A_2, %get3A_3] : memref<256x128xf32, #tpu.memory_space<vmem>>, vector<256x128xf32>
    %dot_general3A = arith.constant dense<0.000000e+00> : vector<8192x256xf32>
    %dot_general3A_5 = tpu.matmul %get3A_1, %get3A_4, %dot_general3A {dimension_numbers = #tpu.dot_dimension_numbers<[1], [1], [0], [0], [0, 0, 1, 0], [], []>, transpose_lhs_hint = false} : vector<8192x128xf32>, vector<256x128xf32>, vector<8192x256xf32> -> vector<8192x256xf32>
    %get3A_6 = arith.constant 0 : index
    %get3A_7 = arith.constant 0 : index
    %get3A_8 = vector.load %arg3[%get3A_6, %get3A_7] : memref<1x256xf32, #tpu.memory_space<vmem>>, vector<1x256xf32>
    %add3A = vector.broadcast %get3A_8 : vector<1x256xf32> to vector<8192x256xf32>
    %add3A_9 = arith.addf %dot_general3A_5, %add3A : vector<8192x256xf32>
    %reshape3A = vector.shape_cast %add3A_9 : vector<8192x256xf32> to vector<2x4096x256xf32>
    %swap3A = arith.constant 0 : index
    %swap3A_10 = arith.constant 0 : index
    %swap3A_11 = arith.constant 0 : index
    %swap3A_12 = vector.load %arg4[%swap3A, %swap3A_10, %swap3A_11] : memref<2x4096x256xf32, #tpu.memory_space<vmem>>, vector<2x4096x256xf32>
    tpu.vector_store %arg4[%swap3A, %swap3A_10, %swap3A_11], %reshape3A {strides = array<i32>} : memref<2x4096x256xf32, #tpu.memory_space<vmem>>, vector<2x4096x256xf32>,
    return
  }
  func.func @transform_0(%arg0: i32) -> (i32, i32) {
    %c0_i32 = arith.constant 0 : i32
    %c0_i32_0 = arith.constant 0 : i32
    return %arg0, %c0_i32 : i32, i32
  }
  func.func @transform_1(%arg0: i32) -> (i32, i32) {
    %c0_i32 = arith.constant 0 : i32
    %c0_i32_0 = arith.constant 0 : i32
    %c0_i32_1 = arith.constant 0 : i32
    return %c0_i32, %c0_i32_0 : i32, i32
  }
  func.func @transform_2(%arg0: i32) -> (i32, i32) {
    %c0_i32 = arith.constant 0 : i32
    %c0_i32_0 = arith.constant 0 : i32
    %c0_i32_1 = arith.constant 0 : i32
    return %c0_i32, %c0_i32_0 : i32, i32
  }
  func.func @transform_3(%arg0: i32) -> (i32, i32, i32) {
    %add3A = arith.constant 0 : i32
    %add3A_0 = arith.addi %arg0, %add3A : i32
    %c0_i32 = arith.constant 0 : i32
    %c0_i32_1 = arith.constant 0 : i32
    %c0_i32_2 = arith.constant 0 : i32
    return %add3A_0, %c0_i32, %c0_i32_1 : i32, i32, i32
  }
}

module attributes {stable_mosaic.version = 14 : i64} {
  func.func @_mm_body_alias(%arg0: i32, %arg1: memref<8192x128xf32, #tpu.memory_space<vmem>>, %arg2: memref<256x128xf32, #tpu.memory_space<vmem>>, %arg3: memref<1x256xf32, #tpu.memory_space<vmem>>, %arg4: memref<50x4096x256xf32, #tpu.memory_space<any>>, %arg5: memref<2x4096x256xf32, #tpu.memory_space<vmem>>) attributes {dimension_semantics = [#tpu.dimension_semantics<arbitrary>], iteration_bounds = array<i64: 4>, scalar_prefetch = 0 : i64, scratch_operands = 0 : i64, tpu.core_type = #tpu.core_type<tc>, window_params = [{transform_indices = @transform_0, window_bounds = array<i64: 8192, 128>}, {pipeline_mode = #tpu.pipeline_mode<synchronous>, transform_indices = @transform_1, window_bounds = array<i64: 256, 128>}, {pipeline_mode = #tpu.pipeline_mode<synchronous>, transform_indices = @transform_2, window_bounds = array<i64: 1, 256>}, {}, {transform_indices = @transform_4, window_bounds = array<i64: 2, 4096, 256>}]} {
    %get3A = arith.constant 0 : index
    %get3A_0 = arith.constant 0 : index
    %get3A_1 = vector.load %arg1[%get3A, %get3A_0] : memref<8192x128xf32, #tpu.memory_space<vmem>>, vector<8192x128xf32>
    %get3A_2 = arith.constant 0 : index
    %get3A_3 = arith.constant 0 : index
    %get3A_4 = vector.load %arg2[%get3A_2, %get3A_3] : memref<256x128xf32, #tpu.memory_space<vmem>>, vector<256x128xf32>
    %dot_general3A = arith.constant dense<0.000000e+00> : vector<8192x256xf32>
    %dot_general3A_5 = tpu.matmul %get3A_1, %get3A_4, %dot_general3A {dimension_numbers = #tpu.dot_dimension_numbers<[1], [1], [0], [0], [0, 0, 1, 0], [], []>, transpose_lhs_hint = false} : vector<8192x128xf32>, vector<256x128xf32>, vector<8192x256xf32> -> vector<8192x256xf32>
    %get3A_6 = arith.constant 0 : index
    %get3A_7 = arith.constant 0 : index
    %get3A_8 = vector.load %arg3[%get3A_6, %get3A_7] : memref<1x256xf32, #tpu.memory_space<vmem>>, vector<1x256xf32>
    %add3A = vector.broadcast %get3A_8 : vector<1x256xf32> to vector<8192x256xf32>
    %add3A_9 = arith.addf %dot_general3A_5, %add3A : vector<8192x256xf32>
    %reshape3A = vector.shape_cast %add3A_9 : vector<8192x256xf32> to vector<2x4096x256xf32>
    %swap3A = arith.constant 0 : index
    %swap3A_10 = arith.constant 0 : index
    %swap3A_11 = arith.constant 0 : index
    %swap3A_12 = vector.load %arg5[%swap3A, %swap3A_10, %swap3A_11] : memref<2x4096x256xf32, #tpu.memory_space<vmem>>, vector<2x4096x256xf32>
    tpu.vector_store %arg5[%swap3A, %swap3A_10, %swap3A_11], %reshape3A {strides = array<i32>} : memref<2x4096x256xf32, #tpu.memory_space<vmem>>, vector<2x4096x256xf32>,
    return
  }
  func.func @transform_0(%arg0: i32) -> (i32, i32) {
    %c0_i32 = arith.constant 0 : i32
    %c0_i32_0 = arith.constant 0 : i32
    return %arg0, %c0_i32 : i32, i32
  }
  func.func @transform_1(%arg0: i32) -> (i32, i32) {
    %c0_i32 = arith.constant 0 : i32
    %c0_i32_0 = arith.constant 0 : i32
    %c0_i32_1 = arith.constant 0 : i32
    return %c0_i32, %c0_i32_0 : i32, i32
  }
  func.func @transform_2(%arg0: i32) -> (i32, i32) {
    %c0_i32 = arith.constant 0 : i32
    %c0_i32_0 = arith.constant 0 : i32
    %c0_i32_1 = arith.constant 0 : i32
    return %c0_i32, %c0_i32_0 : i32, i32
  }
  func.func @transform_4(%arg0: i32) -> (i32, i32, i32) {
    %add3A = arith.constant 3 : i32
    %add3A_0 = arith.addi %arg0, %add3A : i32
    %c0_i32 = arith.constant 0 : i32
    %c0_i32_1 = arith.constant 0 : i32
    %c0_i32_2 = arith.constant 0 : i32
    return %add3A_0, %c0_i32, %c0_i32_1 : i32, i32, i32
  }
}

module attributes {stable_mosaic.version = 14 : i64} {
  func.func @_mm_body_alias(%arg0: i32, %arg1: memref<8192x128xf32, #tpu.memory_space<vmem>>, %arg2: memref<256x128xf32, #tpu.memory_space<vmem>>, %arg3: memref<1x256xf32, #tpu.memory_space<vmem>>, %arg4: memref<50x4096x256xf32, #tpu.memory_space<any>>, %arg5: memref<2x4096x256xf32, #tpu.memory_space<vmem>>) attributes {dimension_semantics = [#tpu.dimension_semantics<arbitrary>], iteration_bounds = array<i64: 2>, scalar_prefetch = 0 : i64, scratch_operands = 0 : i64, tpu.core_type = #tpu.core_type<tc>, window_params = [{transform_indices = @transform_0, window_bounds = array<i64: 8192, 128>}, {pipeline_mode = #tpu.pipeline_mode<synchronous>, transform_indices = @transform_1, window_bounds = array<i64: 256, 128>}, {pipeline_mode = #tpu.pipeline_mode<synchronous>, transform_indices = @transform_2, window_bounds = array<i64: 1, 256>}, {}, {transform_indices = @transform_4, window_bounds = array<i64: 2, 4096, 256>}]} {
    %get3A = arith.constant 0 : index
    %get3A_0 = arith.constant 0 : index
    %get3A_1 = vector.load %arg1[%get3A, %get3A_0] : memref<8192x128xf32, #tpu.memory_space<vmem>>, vector<8192x128xf32>
    %get3A_2 = arith.constant 0 : index
    %get3A_3 = arith.constant 0 : index
    %get3A_4 = vector.load %arg2[%get3A_2, %get3A_3] : memref<256x128xf32, #tpu.memory_space<vmem>>, vector<256x128xf32>
    %dot_general3A = arith.constant dense<0.000000e+00> : vector<8192x256xf32>
    %dot_general3A_5 = tpu.matmul %get3A_1, %get3A_4, %dot_general3A {dimension_numbers = #tpu.dot_dimension_numbers<[1], [1], [0], [0], [0, 0, 1, 0], [], []>, transpose_lhs_hint = false} : vector<8192x128xf32>, vector<256x128xf32>, vector<8192x256xf32> -> vector<8192x256xf32>
    %get3A_6 = arith.constant 0 : index
    %get3A_7 = arith.constant 0 : index
    %get3A_8 = vector.load %arg3[%get3A_6, %get3A_7] : memref<1x256xf32, #tpu.memory_space<vmem>>, vector<1x256xf32>
    %add3A = vector.broadcast %get3A_8 : vector<1x256xf32> to vector<8192x256xf32>
    %add3A_9 = arith.addf %dot_general3A_5, %add3A : vector<8192x256xf32>
    %reshape3A = vector.shape_cast %add3A_9 : vector<8192x256xf32> to vector<2x4096x256xf32>
    %swap3A = arith.constant 0 : index
    %swap3A_10 = arith.constant 0 : index
    %swap3A_11 = arith.constant 0 : index
    %swap3A_12 = vector.load %arg5[%swap3A, %swap3A_10, %swap3A_11] : memref<2x4096x256xf32, #tpu.memory_space<vmem>>, vector<2x4096x256xf32>
    tpu.vector_store %arg5[%swap3A, %swap3A_10, %swap3A_11], %reshape3A {strides = array<i32>} : memref<2x4096x256xf32, #tpu.memory_space<vmem>>, vector<2x4096x256xf32>,
    return
  }
  func.func @transform_0(%arg0: i32) -> (i32, i32) {
    %c0_i32 = arith.constant 0 : i32
    %c0_i32_0 = arith.constant 0 : i32
    return %arg0, %c0_i32 : i32, i32
  }
  func.func @transform_1(%arg0: i32) -> (i32, i32) {
    %c0_i32 = arith.constant 0 : i32
    %c0_i32_0 = arith.constant 0 : i32
    %c0_i32_1 = arith.constant 0 : i32
    return %c0_i32, %c0_i32_0 : i32, i32
  }
  func.func @transform_2(%arg0: i32) -> (i32, i32) {
    %c0_i32 = arith.constant 0 : i32
    %c0_i32_0 = arith.constant 0 : i32
    %c0_i32_1 = arith.constant 0 : i32
    return %c0_i32, %c0_i32_0 : i32, i32
  }
  func.func @transform_4(%arg0: i32) -> (i32, i32, i32) {
    %add3A = arith.constant 1 : i32
    %add3A_0 = arith.addi %arg0, %add3A : i32
    %c0_i32 = arith.constant 0 : i32
    %c0_i32_1 = arith.constant 0 : i32
    %c0_i32_2 = arith.constant 0 : i32
    return %add3A_0, %c0_i32, %c0_i32_1 : i32, i32, i32
  }
}

module attributes {stable_mosaic.version = 14 : i64} {
  func.func @_mm_body_alias(%arg0: i32, %arg1: memref<8192x128xf32, #tpu.memory_space<vmem>>, %arg2: memref<256x128xf32, #tpu.memory_space<vmem>>, %arg3: memref<1x256xf32, #tpu.memory_space<vmem>>, %arg4: memref<50x4096x256xf32, #tpu.memory_space<any>>, %arg5: memref<2x4096x256xf32, #tpu.memory_space<vmem>>) attributes {dimension_semantics = [#tpu.dimension_semantics<arbitrary>], iteration_bounds = array<i64: 6>, scalar_prefetch = 0 : i64, scratch_operands = 0 : i64, tpu.core_type = #tpu.core_type<tc>, window_params = [{transform_indices = @transform_0, window_bounds = array<i64: 8192, 128>}, {pipeline_mode = #tpu.pipeline_mode<synchronous>, transform_indices = @transform_1, window_bounds = array<i64: 256, 128>}, {pipeline_mode = #tpu.pipeline_mode<synchronous>, transform_indices = @transform_2, window_bounds = array<i64: 1, 256>}, {}, {transform_indices = @transform_4, window_bounds = array<i64: 2, 4096, 256>}]} {
    %get3A = arith.constant 0 : index
    %get3A_0 = arith.constant 0 : index
    %get3A_1 = vector.load %arg1[%get3A, %get3A_0] : memref<8192x128xf32, #tpu.memory_space<vmem>>, vector<8192x128xf32>
    %get3A_2 = arith.constant 0 : index
    %get3A_3 = arith.constant 0 : index
    %get3A_4 = vector.load %arg2[%get3A_2, %get3A_3] : memref<256x128xf32, #tpu.memory_space<vmem>>, vector<256x128xf32>
    %dot_general3A = arith.constant dense<0.000000e+00> : vector<8192x256xf32>
    %dot_general3A_5 = tpu.matmul %get3A_1, %get3A_4, %dot_general3A {dimension_numbers = #tpu.dot_dimension_numbers<[1], [1], [0], [0], [0, 0, 1, 0], [], []>, transpose_lhs_hint = false} : vector<8192x128xf32>, vector<256x128xf32>, vector<8192x256xf32> -> vector<8192x256xf32>
    %get3A_6 = arith.constant 0 : index
    %get3A_7 = arith.constant 0 : index
    %get3A_8 = vector.load %arg3[%get3A_6, %get3A_7] : memref<1x256xf32, #tpu.memory_space<vmem>>, vector<1x256xf32>
    %add3A = vector.broadcast %get3A_8 : vector<1x256xf32> to vector<8192x256xf32>
    %add3A_9 = arith.addf %dot_general3A_5, %add3A : vector<8192x256xf32>
    %reshape3A = vector.shape_cast %add3A_9 : vector<8192x256xf32> to vector<2x4096x256xf32>
    %swap3A = arith.constant 0 : index
    %swap3A_10 = arith.constant 0 : index
    %swap3A_11 = arith.constant 0 : index
    %swap3A_12 = vector.load %arg5[%swap3A, %swap3A_10, %swap3A_11] : memref<2x4096x256xf32, #tpu.memory_space<vmem>>, vector<2x4096x256xf32>
    tpu.vector_store %arg5[%swap3A, %swap3A_10, %swap3A_11], %reshape3A {strides = array<i32>} : memref<2x4096x256xf32, #tpu.memory_space<vmem>>, vector<2x4096x256xf32>,
    return
  }
  func.func @transform_0(%arg0: i32) -> (i32, i32) {
    %c0_i32 = arith.constant 0 : i32
    %c0_i32_0 = arith.constant 0 : i32
    return %arg0, %c0_i32 : i32, i32
  }
  func.func @transform_1(%arg0: i32) -> (i32, i32) {
    %c0_i32 = arith.constant 0 : i32
    %c0_i32_0 = arith.constant 0 : i32
    %c0_i32_1 = arith.constant 0 : i32
    return %c0_i32, %c0_i32_0 : i32, i32
  }
  func.func @transform_2(%arg0: i32) -> (i32, i32) {
    %c0_i32 = arith.constant 0 : i32
    %c0_i32_0 = arith.constant 0 : i32
    %c0_i32_1 = arith.constant 0 : i32
    return %c0_i32, %c0_i32_0 : i32, i32
  }
  func.func @transform_4(%arg0: i32) -> (i32, i32, i32) {
    %add3A = arith.constant 7 : i32
    %add3A_0 = arith.addi %arg0, %add3A : i32
    %c0_i32 = arith.constant 0 : i32
    %c0_i32_1 = arith.constant 0 : i32
    %c0_i32_2 = arith.constant 0 : i32
    return %add3A_0, %c0_i32, %c0_i32_1 : i32, i32, i32
  }
}

module attributes {stable_mosaic.version = 14 : i64} {
  func.func @_mm_body_alias(%arg0: i32, %arg1: memref<8192x128xf32, #tpu.memory_space<vmem>>, %arg2: memref<256x128xf32, #tpu.memory_space<vmem>>, %arg3: memref<1x256xf32, #tpu.memory_space<vmem>>, %arg4: memref<50x4096x256xf32, #tpu.memory_space<any>>, %arg5: memref<2x4096x256xf32, #tpu.memory_space<vmem>>) attributes {dimension_semantics = [#tpu.dimension_semantics<arbitrary>], iteration_bounds = array<i64: 7>, scalar_prefetch = 0 : i64, scratch_operands = 0 : i64, tpu.core_type = #tpu.core_type<tc>, window_params = [{transform_indices = @transform_0, window_bounds = array<i64: 8192, 128>}, {pipeline_mode = #tpu.pipeline_mode<synchronous>, transform_indices = @transform_1, window_bounds = array<i64: 256, 128>}, {pipeline_mode = #tpu.pipeline_mode<synchronous>, transform_indices = @transform_2, window_bounds = array<i64: 1, 256>}, {}, {transform_indices = @transform_4, window_bounds = array<i64: 2, 4096, 256>}]} {
    %get3A = arith.constant 0 : index
    %get3A_0 = arith.constant 0 : index
    %get3A_1 = vector.load %arg1[%get3A, %get3A_0] : memref<8192x128xf32, #tpu.memory_space<vmem>>, vector<8192x128xf32>
    %get3A_2 = arith.constant 0 : index
    %get3A_3 = arith.constant 0 : index
    %get3A_4 = vector.load %arg2[%get3A_2, %get3A_3] : memref<256x128xf32, #tpu.memory_space<vmem>>, vector<256x128xf32>
    %dot_general3A = arith.constant dense<0.000000e+00> : vector<8192x256xf32>
    %dot_general3A_5 = tpu.matmul %get3A_1, %get3A_4, %dot_general3A {dimension_numbers = #tpu.dot_dimension_numbers<[1], [1], [0], [0], [0, 0, 1, 0], [], []>, transpose_lhs_hint = false} : vector<8192x128xf32>, vector<256x128xf32>, vector<8192x256xf32> -> vector<8192x256xf32>
    %get3A_6 = arith.constant 0 : index
    %get3A_7 = arith.constant 0 : index
    %get3A_8 = vector.load %arg3[%get3A_6, %get3A_7] : memref<1x256xf32, #tpu.memory_space<vmem>>, vector<1x256xf32>
    %add3A = vector.broadcast %get3A_8 : vector<1x256xf32> to vector<8192x256xf32>
    %add3A_9 = arith.addf %dot_general3A_5, %add3A : vector<8192x256xf32>
    %reshape3A = vector.shape_cast %add3A_9 : vector<8192x256xf32> to vector<2x4096x256xf32>
    %swap3A = arith.constant 0 : index
    %swap3A_10 = arith.constant 0 : index
    %swap3A_11 = arith.constant 0 : index
    %swap3A_12 = vector.load %arg5[%swap3A, %swap3A_10, %swap3A_11] : memref<2x4096x256xf32, #tpu.memory_space<vmem>>, vector<2x4096x256xf32>
    tpu.vector_store %arg5[%swap3A, %swap3A_10, %swap3A_11], %reshape3A {strides = array<i32>} : memref<2x4096x256xf32, #tpu.memory_space<vmem>>, vector<2x4096x256xf32>,
    return
  }
  func.func @transform_0(%arg0: i32) -> (i32, i32) {
    %c0_i32 = arith.constant 0 : i32
    %c0_i32_0 = arith.constant 0 : i32
    return %arg0, %c0_i32 : i32, i32
  }
  func.func @transform_1(%arg0: i32) -> (i32, i32) {
    %c0_i32 = arith.constant 0 : i32
    %c0_i32_0 = arith.constant 0 : i32
    %c0_i32_1 = arith.constant 0 : i32
    return %c0_i32, %c0_i32_0 : i32, i32
  }
  func.func @transform_2(%arg0: i32) -> (i32, i32) {
    %c0_i32 = arith.constant 0 : i32
    %c0_i32_0 = arith.constant 0 : i32
    %c0_i32_1 = arith.constant 0 : i32
    return %c0_i32, %c0_i32_0 : i32, i32
  }
  func.func @transform_4(%arg0: i32) -> (i32, i32, i32) {
    %add3A = arith.constant 13 : i32
    %add3A_0 = arith.addi %arg0, %add3A : i32
    %c0_i32 = arith.constant 0 : i32
    %c0_i32_1 = arith.constant 0 : i32
    %c0_i32_2 = arith.constant 0 : i32
    return %add3A_0, %c0_i32, %c0_i32_1 : i32, i32, i32
  }
}

module attributes {stable_mosaic.version = 14 : i64} {
  func.func @_mm_body_alias(%arg0: i32, %arg1: memref<8192x128xf32, #tpu.memory_space<vmem>>, %arg2: memref<256x128xf32, #tpu.memory_space<vmem>>, %arg3: memref<1x256xf32, #tpu.memory_space<vmem>>, %arg4: memref<50x4096x256xf32, #tpu.memory_space<any>>, %arg5: memref<2x4096x256xf32, #tpu.memory_space<vmem>>) attributes {dimension_semantics = [#tpu.dimension_semantics<arbitrary>], iteration_bounds = array<i64: 5>, scalar_prefetch = 0 : i64, scratch_operands = 0 : i64, tpu.core_type = #tpu.core_type<tc>, window_params = [{transform_indices = @transform_0, window_bounds = array<i64: 8192, 128>}, {pipeline_mode = #tpu.pipeline_mode<synchronous>, transform_indices = @transform_1, window_bounds = array<i64: 256, 128>}, {pipeline_mode = #tpu.pipeline_mode<synchronous>, transform_indices = @transform_2, window_bounds = array<i64: 1, 256>}, {}, {transform_indices = @transform_4, window_bounds = array<i64: 2, 4096, 256>}]} {
    %get3A = arith.constant 0 : index
    %get3A_0 = arith.constant 0 : index
    %get3A_1 = vector.load %arg1[%get3A, %get3A_0] : memref<8192x128xf32, #tpu.memory_space<vmem>>, vector<8192x128xf32>
    %get3A_2 = arith.constant 0 : index
    %get3A_3 = arith.constant 0 : index
    %get3A_4 = vector.load %arg2[%get3A_2, %get3A_3] : memref<256x128xf32, #tpu.memory_space<vmem>>, vector<256x128xf32>
    %dot_general3A = arith.constant dense<0.000000e+00> : vector<8192x256xf32>
    %dot_general3A_5 = tpu.matmul %get3A_1, %get3A_4, %dot_general3A {dimension_numbers = #tpu.dot_dimension_numbers<[1], [1], [0], [0], [0, 0, 1, 0], [], []>, transpose_lhs_hint = false} : vector<8192x128xf32>, vector<256x128xf32>, vector<8192x256xf32> -> vector<8192x256xf32>
    %get3A_6 = arith.constant 0 : index
    %get3A_7 = arith.constant 0 : index
    %get3A_8 = vector.load %arg3[%get3A_6, %get3A_7] : memref<1x256xf32, #tpu.memory_space<vmem>>, vector<1x256xf32>
    %add3A = vector.broadcast %get3A_8 : vector<1x256xf32> to vector<8192x256xf32>
    %add3A_9 = arith.addf %dot_general3A_5, %add3A : vector<8192x256xf32>
    %reshape3A = vector.shape_cast %add3A_9 : vector<8192x256xf32> to vector<2x4096x256xf32>
    %swap3A = arith.constant 0 : index
    %swap3A_10 = arith.constant 0 : index
    %swap3A_11 = arith.constant 0 : index
    %swap3A_12 = vector.load %arg5[%swap3A, %swap3A_10, %swap3A_11] : memref<2x4096x256xf32, #tpu.memory_space<vmem>>, vector<2x4096x256xf32>
    tpu.vector_store %arg5[%swap3A, %swap3A_10, %swap3A_11], %reshape3A {strides = array<i32>} : memref<2x4096x256xf32, #tpu.memory_space<vmem>>, vector<2x4096x256xf32>,
    return
  }
  func.func @transform_0(%arg0: i32) -> (i32, i32) {
    %c0_i32 = arith.constant 0 : i32
    %c0_i32_0 = arith.constant 0 : i32
    return %arg0, %c0_i32 : i32, i32
  }
  func.func @transform_1(%arg0: i32) -> (i32, i32) {
    %c0_i32 = arith.constant 0 : i32
    %c0_i32_0 = arith.constant 0 : i32
    %c0_i32_1 = arith.constant 0 : i32
    return %c0_i32, %c0_i32_0 : i32, i32
  }
  func.func @transform_2(%arg0: i32) -> (i32, i32) {
    %c0_i32 = arith.constant 0 : i32
    %c0_i32_0 = arith.constant 0 : i32
    %c0_i32_1 = arith.constant 0 : i32
    return %c0_i32, %c0_i32_0 : i32, i32
  }
  func.func @transform_4(%arg0: i32) -> (i32, i32, i32) {
    %add3A = arith.constant 20 : i32
    %add3A_0 = arith.addi %arg0, %add3A : i32
    %c0_i32 = arith.constant 0 : i32
    %c0_i32_1 = arith.constant 0 : i32
    %c0_i32_2 = arith.constant 0 : i32
    return %add3A_0, %c0_i32, %c0_i32_1 : i32, i32, i32
  }
}

</mosaic_0001>

<sc_bundles>
// kernel: kernel.14.cloned.1.call-start
scs
__scs_entry_jumppad:
0x0: {  	(pc) =	sbr.rel $0x88, $3  }
0x1: {  	(tag) =	ssettag $0x0;
	lr =	simm.s32 $0x1  }
0x2: {  	[smem:$0x3F9D] =	sst lr;
	_ =	strace $0xD0000000  }
0x3: {  	_ = 	snop  }
0x4: {  	_ = 	snop  }
0x5: {  	_ = 	snop  }
0x6: {  	_ = 	snop  }
0x7: {  	_ = 	snop  }
__scs_overlays_trampoline_lowered:
0x8: {  	[smem:$0x3FAC] =	sst s0  }
0x9: {  	[smem:$0x3FAD] =	sst s1  }
0xa: {  	[smem:$0x3FAE] =	sst s2  }
0xb: {  	[smem:$0x3FAF] =	sst s3  }
0xc: {  	[smem:$0x3FB0] =	sst s4  }
0xd: {  	[smem:$0x3FB1] =	sst s5  }
0xe: {  	[smem:$0x3FB2] =	sst s6  }
0xf: {  	[smem:$0x3FB3] =	sst s7  }
0x10: {  	[smem:$0x3FB4] =	sst s8  }
0x11: {  	[smem:$0x3FB5] =	sst s9;
	s0 =	simm.s32 @!p0 $0x0  }
0x12: {  	s1 =	sld [smem:$0x3F9B];
	s0 =	simm.s32 @p0 $0x1  }
0x13: {  	[smem:$0x3FB6] =	sst s0;
	s0 =	simm.s32 @!p1 $0x0  }
0x14: {  	s2 =	sld [smem:$0x3F9A];
	s0 =	simm.s32 @p1 $0x1  }
0x15: {  	[smem:$0x3FB7] =	sst s0;
	s0 =	simm.s32 @!p2 $0x0  }
0x16: {  	s3 =	sld [smem:$0x3FDB];
	s0 =	simm.s32 @p2 $0x1  }
0x17: {  	s4 =	simm.s32 $0x1BF5;
	[smem:$0x3FB9] =	sst s0  }
0x18: {  	s0 =	sld [smem:$0x3F9C];
	_ =	swait.ge [sflag:s4], $0x0  }
0x19: {  	s7 =	sld [smem:$0x3F9D]  }
0x1a: {  	s8 =	sadd.s32 $0xFFFFE003, lr  }
0x1b: {  	s9 =	sadd.s32 $0xFFFFFEF7, lr;
	s5 =	simm.s32 $0xFFFFFFFF;
	p2 =	slt.u32 s8, $0xFFFFF086  }
0x1c: {  	p1 =	slt.u32 s9, $0xF7A;
	s5 =	simm.s32 @!p2 $0x0  }
0x1d: {  	s5 =	simm.s32 @p1 $0x1;
	p0 =	seq.s32 s7, s2  }
0x1e: {  	s7 =	smul.u32 @!p0 $0xF7A, s2;
	p2 =	seq.s32 @!p0 s5, $0x0  }
0x1f: {  	s9 =	smul.u32 $0xF7A, s1;
	s8 =	simm.s32 @!p0 $0x1BF5;
	p2 =	por !p2, p0  }
0x20: {  	[sflag:s8] =	ssyncset.s32 @!p0 $0xFFFFF086;
	s6 =	sadd.s32 @!p0 s3, s7;
	s7 =	simm.s32 @!p0 $0x108  }
0x21: {  	s3 =	sadd.s32 s3, s9;
	s6 =	sadd.s32 @!p0 $0x88, s6;
	s7 =	simm.s32 @p2 $0x1082  }
0x22: {  	[simem:s7], [sflag:s8] =	dma.local @!p0 [hbm:s6], $0xF7A  }
0x23: {  	s9 =	sor.u32 $0xD0000000, s2;
	s6 =	simm.s32 $0x108;
	_ =	swait.ge @!p0 [sflag:s8], $0x0  }
0x24: {  	s3 =	sadd.s32 $0x88, s3;
	s6 =	simm.s32 @!p1 $0x1082;
	[sflag:s4] =	ssyncset.s32 $0xFFFFF086  }
0x25: {  	[simem:s6], [sflag:s4] =	dma.local [hbm:s3], $0xF7A  }
0x26: {  	[smem:$0x3F9D] =	sst s1;
	(tag) =	ssettag s2;
	_ =	strace s9  }
0x27: {  	s1 =	sld [smem:$0x3FAD]  }
0x28: {  	s2 =	sld [smem:$0x3FAE]  }
0x29: {  	s4 =	sld [smem:$0x3FB0]  }
0x2a: {  	p0 =	seq.s32 s5, $0x0;
	s5 =	sld [smem:$0x3FB1]  }
0x2b: {  	s6 =	sld [smem:$0x3FB2]  }
0x2c: {  	s7 =	sld [smem:$0x3FB3]  }
0x2d: {  	s3 =	simm.s32 $0x108;
	s8 =	sld [smem:$0x3FB4]  }
0x2e: {  	s3 =	simm.s32 @!p0 $0x1082;
	s9 =	sld [smem:$0x3FB5]  }
0x2f: {  	lr =	sadd.s32 s0, s3;
	s0 =	sld [smem:$0x3FAC]  }
0x30: {  	s3 =	sld [smem:$0x3FAF]  }
0x31: {  	[smem:$0x3FB8] =	sst s10  }
0x32: {  	s10 =	sld [smem:$0x3FB6];
	_ =	sdelay $0x3  }
0x33: {  	p0 =	seq.s32 s10, $0x1;
	s10 =	sld [smem:$0x3FB8];
	_ =	sdelay $0x3  }
0x34: {  	[smem:$0x3FB8] =	sst s10  }
0x35: {  	s10 =	sld [smem:$0x3FB7];
	_ =	sdelay $0x3  }
0x36: {  	p1 =	seq.s32 s10, $0x1;
	s10 =	sld [smem:$0x3FB8];
	_ =	sdelay $0x3  }
0x37: {  	[smem:$0x3FB8] =	sst s10  }
0x38: {  	s10 =	sld [smem:$0x3FB9]  }
0x39: {  	_ = 	snop;
	(pc) =	sbr.ind lr, $3  }
0x3a: {  	_ = 	snop  }
0x3b: {  	_ = 	snop  }
0x3c: {  	p2 =	seq.s32 s10, $0x1;
	s10 =	sld [smem:$0x3FB8]  }
0x3d: {  	_ =	shalt  }
0x3e: {  	_ =	shalt  }
0x3f: {  	_ =	shalt  }
0x40: {  	_ =	shalt  }
0x41: {  	_ =	shalt  }
0x42: {  	_ =	shalt  }
0x43: {  	_ =	shalt  }
0x44: {  	_ =	shalt  }
0x45: {  	_ =	shalt  }
0x46: {  	_ =	shalt  }
0x47: {  	_ =	shalt  }
0x48: {  	_ =	shalt  }
0x49: {  	_ =	shalt  }
0x4a: {  	_ =	shalt  }
0x4b: {  	_ =	shalt  }
0x4c: {  	_ =	shalt  }
0x4d: {  	_ =	shalt  }
0x4e: {  	_ =	shalt  }
0x4f: {  	_ =	shalt  }
0x50: {  	_ =	shalt  }
0x51: {  	_ =	shalt  }
0x52: {  	_ =	shalt  }
0x53: {  	_ =	shalt  }
0x54: {  	_ =	shalt  }
0x55: {  	_ =	shalt  }
0x56: {  	_ =	shalt  }
0x57: {  	_ =	shalt  }
0x58: {  	_ =	shalt  }
0x59: {  	_ =	shalt  }
0x5a: {  	_ =	shalt  }
0x5b: {  	_ =	shalt  }
0x5c: {  	_ =	shalt  }
0x5d: {  	_ =	shalt  }
0x5e: {  	_ =	shalt  }
0x5f: {  	_ =	shalt  }
0x60: {  	_ =	shalt  }
0x61: {  	_ =	shalt  }
0x62: {  	_ =	shalt  }
0x63: {  	_ =	shalt  }
0x64: {  	_ =	shalt  }
0x65: {  	_ =	shalt  }
0x66: {  	_ =	shalt  }
0x67: {  	_ =	shalt  }
0x68: {  	_ =	shalt  }
0x69: {  	_ =	shalt  }
0x6a: {  	_ =	shalt  }
0x6b: {  	_ =	shalt  }
0x6c: {  	_ =	shalt  }
0x6d: {  	_ =	shalt  }
0x6e: {  	_ =	shalt  }
0x6f: {  	_ =	shalt  }
0x70: {  	_ =	shalt  }
0x71: {  	_ =	shalt  }
0x72: {  	_ =	shalt  }
0x73: {  	_ =	shalt  }
0x74: {  	_ =	shalt  }
0x75: {  	_ =	shalt  }
0x76: {  	_ =	shalt  }
0x77: {  	_ =	shalt  }
0x78: {  	_ =	shalt  }
0x79: {  	_ =	shalt  }
0x7a: {  	_ =	shalt  }
0x7b: {  	_ =	shalt  }
0x7c: {  	_ =	shalt  }
0x7d: {  	_ =	shalt  }
0x7e: {  	_ =	shalt  }
0x7f: {  	_ =	shalt  }
0x80: {  	_ =	shalt  }
0x81: {  	_ =	shalt  }
0x82: {  	_ =	shalt  }
0x83: {  	_ =	shalt  }
0x84: {  	_ =	shalt  }
0x85: {  	_ =	shalt  }
0x86: {  	_ =	shalt  }
0x87: {  	_ =	shalt  }
.Lfunc_end0:
.L_simem_size_0:
called_computation_lowered:
.L_overlay_start_0:
0x88: {  	s2 =	sld [smem:$0x3FD9]  }
0x89: {  	s3 =	sld [smem:$0x3FFE];
	_ =	sdelay $0x1  }
0x8a: {  	s1 =	srdreg.scid  }
0x8b: {  	s0 =	sand.u32 $0x1, s1  }
0x8c: {  	s17 =	sshll.u32 s0, $0xA;
	s2 =	sadd.s32 s3, s2  }
0x8d: {  	s2 =	sadd.s32 s2, s17  }
0x8e: {  	[smem:$0x3FC4] =	sst s2  }
0x8f: {  	_ = 	snop  }
0x90: {  	s2 =	sld [smem:$0x3FC8]  }
0x91: {  	s18 =	sld [smem:$0x3FD0];
	(tm) =	ssettm $0x1  }
0x92: {  	s4 =	sld [smem:$0x3FFB];
	_ =	sdelay $0x3  }
0x93: {  	_ =	strace s4  }
0x94: {  	s4 =	sld [smem:$0x3FFC];
	_ =	sdelay $0x3  }
0x95: {  	_ =	strace s4  }
0x96: {  	s4 =	sld [smem:$0x3FFD];
	_ =	sdelay $0x3  }
0x97: {  	_ =	strace s4  }
0x98: {  	_ =	strace $0x8FFFFFFF  }
0x99: {  	s19 =	sld [smem:$0x3FDB];
	_ =	sdelay $0x1  }
0x9a: {  	s5 =	simm.s32 $_scs_section_size  }
0x9b: {  	s6 =	simm.s32 $_size__tile_overlayer_lowered;
	s7 =	simm.s32 $_tile_overlayer_lowered  }
0x9c: {  	s22 =	simm.s32 $0x1BFF;
	s21 =	sshll.u32 s7, $0x1;
	s4 =	sadd.s32 s5, s19  }
0x9d: {  	s8 =	simm.s32 $0x0;
	s20 =	sshll.u32 s6, $0x1;
	s6 =	sadd.s32 s21, s4  }
0x9e: {  	[timem:s8], [sflag:s22] =	dma.local [hbm:s6], s20  }
0x9f: {  	_ =	swait.ge [sflag:s22], s20  }
0xa0: {  	s5 =	ssub.s32 $0x0, s20;
	[sflag:s22] =	ssyncset.done $0x0  }
0xa1: {  	[sflag:s22] =	ssyncadd.s32 s5;
	_ =	sdelay $0x1  }
0xa2: {  	s23 =	simm.s32 $0x1B8B  }
0xa3: {  	_ =	swait.ge [sflag:s23], $0x1  }
0xa4: {  	[sflag:s23] =	ssyncset.done $0x0  }
0xa5: {  	s25 =	simm.s32 $0x1B8E;
	s24 =	sld [smem:$0x3FFE];
	[sflag:s23] =	ssyncadd.s32 $0xFFFFFFFF  }
0xa6: {  	s26 =	simm.s32 $execute0_lowered;
	[smem:$0x3FD2] =	sst s25  }
0xa7: {  	s6 =	sshll.u32 s26, $0x1;
	_ =	strace $0x80000046;
	[dreg:$0x1] =	wrdreg $0xFFFFFFFF  }
0xa8: {  	s28 =	simm.s32 $_size_execute0_lowered;
	s4 =	sadd.s32 s4, s6;
	[dreg:$0x0] =	wrdreg $0x0  }
0xa9: {  	s6 =	sshll.u32 s28, $0x1;
	[dreg:$0x2] =	wrdreg s4  }
0xaa: {  	[dreg:$0x3] =	wrdreg s6  }
0xab: {  	[dreg:$0x4] =	wrdreg $0xC0  }
0xac: {  	_ =	task [dreg:s8], $0x5FFFF  }
0xad: {  	[dreg:$0x1] =	wrdreg $0xFFFFFFFF  }
0xae: {  	[dreg:$0x0] =	wrdreg $0x60  }
0xaf: {  	[dreg:$0x2] =	wrdreg s24  }
0xb0: {  	[dreg:$0x3] =	wrdreg s2  }
0xb1: {  	[dreg:$0x4] =	wrdreg s18  }
0xb2: {  	[dreg:$0x5] =	wrdreg $0x9  }
0xb3: {  	_ =	task.clear_ibuf [dreg:s8], $0x6FFFF;
	_ =	strace $0x90000046  }
0xb4: {  	s29 =	simm.s32 $0x9;
	_ =	strace $0x80000048  }
0xb5: {  	_ =	swait.ge [sflag:s29], $0x1  }
0xb6: {  	[sflag:s29] =	ssyncadd.s32 $0xFFFFFFFF  }
0xb7: {  	_ =	strace $0x90000048  }
0xb8: {  	_ =	sfence  }
0xb9: {  	s30 =	sld [smem:$0x0];
	_ =	sdelay $0x2  }
0xba: {  	s31 =	sshll.u32 s1, $0xD;
	s1 =	sshrl.u32 s1, $0x2  }
0xbb: {  	s3 =	sand.u32 $0x4000, s31;
	s1 =	sadd.s32 s1, s30  }
0xbc: {  	s0 =	sor.u32 s3, s0;
	s1 =	sshll.u32 s1, $0x11  }
0xbd: {  	s0 =	sor.u32 s1, s0  }
0xbe: {  	s0 =	sadd.s32 $0x8F2B, s0  }
0xbf: {  	[sflag:s0] =	ssyncadd.remote.s32 $0x1  }
0xc0: {  	_ =	sfence.sel $0xFFFF  }
0xc1: {  	[dreg:$0x0] =	wrdreg $0xFFFFFFFF;
	(pc) =	sbr.abs _section_cstart, $3  }
0xc2: {  	[dreg:$0x1] =	wrdreg $0xFFFFFFFF  }
0xc3: {  	_ =	task.clear_ibuf [dreg:s8], $0x2FFFF;
	_ =	strace $0x9FFFFFFF  }
0xc4: {  	(tm) =	ssettm $0x7FFFFFFF  }
0xc5: {  	_ =	shalt  }
tec
execute0_lowered:
.L_overlay_start_1:
0x0: {  	(tag) =	ssettag $0x1  }
0x1: {  	s1 =	srdreg.scid  }
0x2: {  	s4 =	rddreg [dreg:$0x0];
	s0 =	stileid.u32;
	s11 =	sand.u32 $0x1, s1  }
0x3: {  	s2 =	rddreg [dreg:$0x1];
	s30 =	sshll.u32 s0, $0x9;
	s3 =	sshll.u32 s11, $0x8  }
0x4: {  	s10 =	rddreg [dreg:$0x2];
	s12 =	sor.u32 s3, s30  }
0x5: {  	s1 =	rddreg [dreg:$0x3];
	s3 =	simm.s32 $0x0;
	s5 =	sshrl.u32 s12, $0x3  }
0x6: {  	[smem:$0x7FF] =	sst s3;
	s4 =	sadd.s32 s5, s4  }
0x7: {  	_ =	strace $0x80000047;
	s5 =	sadd.s32 $0x2400, s4;
	s4 =	simm.s32 $0x3  }
0x8: {  	[tilespmem:s3], [sflag:$0x3] =	stream.linear.gather [hbm4b:s5+s3], $0x100, $0x38;
	[tilespmem:$0x8100] =	vst v63  }
0x9: {  	_ =	swait.ge [sflag:s4], $0x100  }
0xa: {  	[sflag:s4] =	ssyncset.done $0x0  }
0xb: {  	s6 =	simm.s32 $0x80;
	s7 =	simm.s32 $0x100;
	[sflag:s4] =	ssyncadd.s32 $0xFFFFFF00  }
0xc: {  	[tilespmem:s7], [sflag:$0x1] =	stream.indirect.gather [hbm4b:s2+s6], $0x80, s3, s6, $0xb8;
	[tilespmem:$0x8100] =	vst v63  }
0xd: {  	s8 =	simm.s32 $0x4100;
	s9 =	simm.s32 $0x1  }
0xe: {  	[tilespmem:s8], [sflag:$0x2] =	stream.indirect.gather [hbm4b:s2+s6], $0x80, s6, s6, $0xb8;
	[tilespmem:$0x8100] =	vst v63  }
0xf: {  	_ =	swait.ge [sflag:s9], $0x4000  }
0x10: {  	s12 =	sshll.u32 s12, $0x4;
	[sflag:s9] =	ssyncset.done $0x0  }
0x11: {  	s31 =	ssub.s32 $0x2, s11;
	s10 =	sadd.s32 s10, s12;
	[sflag:s9] =	ssyncadd.s32 $0xFFFFC000  }
0x12: {  	[hbm4b:s10+s3] =	stream.linear.scatter [tilespmem:s7], [sflag:$0x3], $0x4000, $0x38;
	[tilespmem:$0x8100] =	vst v63  }
0x13: {  	s13 =	sshrl.u32 s31, $0x1;
	_ =	swait.ge [sflag:s4], $0x4000  }
0x14: {  	s13 =	ssub.s32 s31, s13;
	[sflag:s4] =	ssyncset.done $0x0  }
0x15: {  	s11 =	simm.s32 $0x2;
	s13 =	smax.u32 s13, $0x1;
	[sflag:s4] =	ssyncadd.s32 $0xFFFFC000  }
0x16: {  	p0 =	sne.s32 s13, $0x1;
	_ =	swait.ge [sflag:s11], $0x4000  }
.Ltmp0:
0x17: {  	[sflag:s11] =	ssyncset.done $0x0;
	(pc) =	sbr.rel @!p0 .LBB2_2-.Ltmp0, $4  }
0x18: {  	s12 =	sadd.s32 $0x800, s10;
	[sflag:s11] =	ssyncadd.s32 $0xFFFFC000  }
0x19: {  	[hbm4b:s12+s3] =	stream.linear.scatter [tilespmem:s8], [sflag:$0x3], $0x4000, $0x38;
	[tilespmem:$0x8100] =	vst v63  }
0x1a: {  	_ =	swait.ge [sflag:s4], $0x4000  }
0x1b: {  	s13 =	sadd.s32 $0xFFFFFFFF, s13;
	[sflag:s4] =	ssyncset.done $0x0  }
.LBB2_1:
0x1c: {  	p0 =	sne.s32 s13, $0x1;
	s13 =	sadd.s32 $0xFFFFFFFF, s13;
	[sflag:s4] =	ssyncadd.s32 $0xFFFFC000  }
0x1d: {  	[tilespmem:s3], [sflag:$0x3] =	stream.linear.gather [hbm4b:s5+s3], $0x100, $0x38;
	[tilespmem:$0x8100] =	vst v63  }
0x1e: {  	_ =	swait.ge [sflag:s4], $0x100  }
0x1f: {  	[sflag:s4] =	ssyncset.done $0x0  }
0x20: {  	[sflag:s4] =	ssyncadd.s32 $0xFFFFFF00  }
0x21: {  	[tilespmem:s7], [sflag:$0x1] =	stream.indirect.gather [hbm4b:s2+s6], $0x80, s3, s6, $0xb8;
	[tilespmem:$0x8100] =	vst v63  }
0x22: {  	_ = 	snop  }
0x23: {  	[tilespmem:s8], [sflag:$0x2] =	stream.indirect.gather [hbm4b:s2+s6], $0x80, s6, s6, $0xb8;
	[tilespmem:$0x8100] =	vst v63  }
0x24: {  	_ =	swait.ge [sflag:s9], $0x4000  }
0x25: {  	[sflag:s9] =	ssyncset.done $0x0  }
0x26: {  	[sflag:s9] =	ssyncadd.s32 $0xFFFFC000  }
0x27: {  	[hbm4b:s10+s3] =	stream.linear.scatter [tilespmem:s7], [sflag:$0x3], $0x4000, $0x38;
	[tilespmem:$0x8100] =	vst v63  }
0x28: {  	_ =	swait.ge [sflag:s4], $0x4000  }
0x29: {  	[sflag:s4] =	ssyncset.done $0x0  }
0x2a: {  	[sflag:s4] =	ssyncadd.s32 $0xFFFFC000  }
0x2b: {  	_ =	swait.ge [sflag:s11], $0x4000  }
.Ltmp1:
0x2c: {  	[sflag:s11] =	ssyncset.done $0x0;
	(pc) =	sbr.rel @p0 .LBB2_1-.Ltmp1, $4  }
0x2d: {  	[sflag:s11] =	ssyncadd.s32 $0xFFFFC000  }
0x2e: {  	[hbm4b:s12+s3] =	stream.linear.scatter [tilespmem:s8], [sflag:$0x3], $0x4000, $0x38;
	[tilespmem:$0x8100] =	vst v63  }
0x2f: {  	_ =	swait.ge [sflag:s4], $0x4000  }
0x30: {  	[sflag:s4] =	ssyncset.done $0x0  }
.LBB2_2:
0x31: {  	[sflag:s4] =	ssyncadd.s32 $0xFFFFC000  }
0x32: {  	_ =	sfence.sel $0x180000  }
0x33: {  	[bflag:$0x0] =	sbarrier.arrive $0xFFFF  }
0x34: {  	p0 =	sne.s32 s0, $0x0;
	_ =	strace $0x90000047  }
0x35: {  	s0 =	sadd.s32 @!p0 $0x100000, s1;
	[bflag:$0x2] =	sbarrier.arrive $0xFFFF  }
0x36: {  	[sflag:s0] =	ssyncadd.tile.s32 @!p0 $0x1;
	_ =	shalt  }
.Lfunc_end2:
_tile_overlayer_lowered:
.L_overlay_start_2:
0x37: {  	(tag) =	ssettag $0x2  }
0x38: {  	s0 =	rddreg [dreg:$0x0];
	s2 =	stileid.u32  }
0x39: {  	s1 =	rddreg [dreg:$0x1];
	p0 =	sne.s32 s2, $0x0  }
0x3a: {  	s3 =	rddreg [dreg:$0x2];
	[bflag:$0x3] =	sbarrier.arrive $0xFFFF;
	s2 =	simm.s32 @!p0 $0x1C03  }
0x3b: {  	[timem:s3], [sflag:s2] =	dma.local @!p0 [hbm:s0], s1  }
0x3c: {  	s0 =	simm.s32 @!p0 $0x3  }
0x3d: {  	_ =	swait.ge @!p0 [sflag:s0], s1  }
0x3e: {  	s1 =	ssub.s32 @!p0 $0x0, s1;
	[sflag:s0] =	ssyncset.done @!p0 $0x0  }
0x3f: {  	[sflag:s0] =	ssyncadd.s32 @!p0 s1  }
0x40: {  	[bflag:$0x3] =	sbarrier.arrive $0xFFFF  }
0x41: {  	_ =	shalt  }

// kernel: kernel.17.cloned.1.call-start
scs
__scs_entry_jumppad:
0x0: {  	(pc) =	sbr.rel $0x88, $3  }
0x1: {  	(tag) =	ssettag $0x0;
	lr =	simm.s32 $0x1  }
0x2: {  	[smem:$0x3F9D] =	sst lr;
	_ =	strace $0xD0000000  }
0x3: {  	_ = 	snop  }
0x4: {  	_ = 	snop  }
0x5: {  	_ = 	snop  }
0x6: {  	_ = 	snop  }
0x7: {  	_ = 	snop  }
__scs_overlays_trampoline_lowered:
0x8: {  	[smem:$0x3FAC] =	sst s0  }
0x9: {  	[smem:$0x3FAD] =	sst s1  }
0xa: {  	[smem:$0x3FAE] =	sst s2  }
0xb: {  	[smem:$0x3FAF] =	sst s3  }
0xc: {  	[smem:$0x3FB0] =	sst s4  }
0xd: {  	[smem:$0x3FB1] =	sst s5  }
0xe: {  	[smem:$0x3FB2] =	sst s6  }
0xf: {  	[smem:$0x3FB3] =	sst s7  }
0x10: {  	[smem:$0x3FB4] =	sst s8  }
0x11: {  	[smem:$0x3FB5] =	sst s9;
	s0 =	simm.s32 @!p0 $0x0  }
0x12: {  	s1 =	sld [smem:$0x3F9B];
	s0 =	simm.s32 @p0 $0x1  }
0x13: {  	[smem:$0x3FB6] =	sst s0;
	s0 =	simm.s32 @!p1 $0x0  }
0x14: {  	s2 =	sld [smem:$0x3F9A];
	s0 =	simm.s32 @p1 $0x1  }
0x15: {  	[smem:$0x3FB7] =	sst s0;
	s0 =	simm.s32 @!p2 $0x0  }
0x16: {  	s3 =	sld [smem:$0x3FDB];
	s0 =	simm.s32 @p2 $0x1  }
0x17: {  	s4 =	simm.s32 $0x1BF5;
	[smem:$0x3FB9] =	sst s0  }
0x18: {  	s0 =	sld [smem:$0x3F9C];
	_ =	swait.ge [sflag:s4], $0x0  }
0x19: {  	s7 =	sld [smem:$0x3F9D]  }
0x1a: {  	s8 =	sadd.s32 $0xFFFFE003, lr  }
0x1b: {  	s9 =	sadd.s32 $0xFFFFFEF7, lr;
	s5 =	simm.s32 $0xFFFFFFFF;
	p2 =	slt.u32 s8, $0xFFFFF086  }
0x1c: {  	p1 =	slt.u32 s9, $0xF7A;
	s5 =	simm.s32 @!p2 $0x0  }
0x1d: {  	s5 =	simm.s32 @p1 $0x1;
	p0 =	seq.s32 s7, s2  }
0x1e: {  	s7 =	smul.u32 @!p0 $0xF7A, s2;
	p2 =	seq.s32 @!p0 s5, $0x0  }
0x1f: {  	s9 =	smul.u32 $0xF7A, s1;
	s8 =	simm.s32 @!p0 $0x1BF5;
	p2 =	por !p2, p0  }
0x20: {  	[sflag:s8] =	ssyncset.s32 @!p0 $0xFFFFF086;
	s6 =	sadd.s32 @!p0 s3, s7;
	s7 =	simm.s32 @!p0 $0x108  }
0x21: {  	s3 =	sadd.s32 s3, s9;
	s6 =	sadd.s32 @!p0 $0x88, s6;
	s7 =	simm.s32 @p2 $0x1082  }
0x22: {  	[simem:s7], [sflag:s8] =	dma.local @!p0 [hbm:s6], $0xF7A  }
0x23: {  	s9 =	sor.u32 $0xD0000000, s2;
	s6 =	simm.s32 $0x108;
	_ =	swait.ge @!p0 [sflag:s8], $0x0  }
0x24: {  	s3 =	sadd.s32 $0x88, s3;
	s6 =	simm.s32 @!p1 $0x1082;
	[sflag:s4] =	ssyncset.s32 $0xFFFFF086  }
0x25: {  	[simem:s6], [sflag:s4] =	dma.local [hbm:s3], $0xF7A  }
0x26: {  	[smem:$0x3F9D] =	sst s1;
	(tag) =	ssettag s2;
	_ =	strace s9  }
0x27: {  	s1 =	sld [smem:$0x3FAD]  }
0x28: {  	s2 =	sld [smem:$0x3FAE]  }
0x29: {  	s4 =	sld [smem:$0x3FB0]  }
0x2a: {  	p0 =	seq.s32 s5, $0x0;
	s5 =	sld [smem:$0x3FB1]  }
0x2b: {  	s6 =	sld [smem:$0x3FB2]  }
0x2c: {  	s7 =	sld [smem:$0x3FB3]  }
0x2d: {  	s3 =	simm.s32 $0x108;
	s8 =	sld [smem:$0x3FB4]  }
0x2e: {  	s3 =	simm.s32 @!p0 $0x1082;
	s9 =	sld [smem:$0x3FB5]  }
0x2f: {  	lr =	sadd.s32 s0, s3;
	s0 =	sld [smem:$0x3FAC]  }
0x30: {  	s3 =	sld [smem:$0x3FAF]  }
0x31: {  	[smem:$0x3FB8] =	sst s10  }
0x32: {  	s10 =	sld [smem:$0x3FB6];
	_ =	sdelay $0x3  }
0x33: {  	p0 =	seq.s32 s10, $0x1;
	s10 =	sld [smem:$0x3FB8];
	_ =	sdelay $0x3  }
0x34: {  	[smem:$0x3FB8] =	sst s10  }
0x35: {  	s10 =	sld [smem:$0x3FB7];
	_ =	sdelay $0x3  }
0x36: {  	p1 =	seq.s32 s10, $0x1;
	s10 =	sld [smem:$0x3FB8];
	_ =	sdelay $0x3  }
0x37: {  	[smem:$0x3FB8] =	sst s10  }
0x38: {  	s10 =	sld [smem:$0x3FB9]  }
0x39: {  	_ = 	snop;
	(pc) =	sbr.ind lr, $3  }
0x3a: {  	_ = 	snop  }
0x3b: {  	_ = 	snop  }
0x3c: {  	p2 =	seq.s32 s10, $0x1;
	s10 =	sld [smem:$0x3FB8]  }
0x3d: {  	_ =	shalt  }
0x3e: {  	_ =	shalt  }
0x3f: {  	_ =	shalt  }
0x40: {  	_ =	shalt  }
0x41: {  	_ =	shalt  }
0x42: {  	_ =	shalt  }
0x43: {  	_ =	shalt  }
0x44: {  	_ =	shalt  }
0x45: {  	_ =	shalt  }
0x46: {  	_ =	shalt  }
0x47: {  	_ =	shalt  }
0x48: {  	_ =	shalt  }
0x49: {  	_ =	shalt  }
0x4a: {  	_ =	shalt  }
0x4b: {  	_ =	shalt  }
0x4c: {  	_ =	shalt  }
0x4d: {  	_ =	shalt  }
0x4e: {  	_ =	shalt  }
0x4f: {  	_ =	shalt  }
0x50: {  	_ =	shalt  }
0x51: {  	_ =	shalt  }
0x52: {  	_ =	shalt  }
0x53: {  	_ =	shalt  }
0x54: {  	_ =	shalt  }
0x55: {  	_ =	shalt  }
0x56: {  	_ =	shalt  }
0x57: {  	_ =	shalt  }
0x58: {  	_ =	shalt  }
0x59: {  	_ =	shalt  }
0x5a: {  	_ =	shalt  }
0x5b: {  	_ =	shalt  }
0x5c: {  	_ =	shalt  }
0x5d: {  	_ =	shalt  }
0x5e: {  	_ =	shalt  }
0x5f: {  	_ =	shalt  }
0x60: {  	_ =	shalt  }
0x61: {  	_ =	shalt  }
0x62: {  	_ =	shalt  }
0x63: {  	_ =	shalt  }
0x64: {  	_ =	shalt  }
0x65: {  	_ =	shalt  }
0x66: {  	_ =	shalt  }
0x67: {  	_ =	shalt  }
0x68: {  	_ =	shalt  }
0x69: {  	_ =	shalt  }
0x6a: {  	_ =	shalt  }
0x6b: {  	_ =	shalt  }
0x6c: {  	_ =	shalt  }
0x6d: {  	_ =	shalt  }
0x6e: {  	_ =	shalt  }
0x6f: {  	_ =	shalt  }
0x70: {  	_ =	shalt  }
0x71: {  	_ =	shalt  }
0x72: {  	_ =	shalt  }
0x73: {  	_ =	shalt  }
0x74: {  	_ =	shalt  }
0x75: {  	_ =	shalt  }
0x76: {  	_ =	shalt  }
0x77: {  	_ =	shalt  }
0x78: {  	_ =	shalt  }
0x79: {  	_ =	shalt  }
0x7a: {  	_ =	shalt  }
0x7b: {  	_ =	shalt  }
0x7c: {  	_ =	shalt  }
0x7d: {  	_ =	shalt  }
0x7e: {  	_ =	shalt  }
0x7f: {  	_ =	shalt  }
0x80: {  	_ =	shalt  }
0x81: {  	_ =	shalt  }
0x82: {  	_ =	shalt  }
0x83: {  	_ =	shalt  }
0x84: {  	_ =	shalt  }
0x85: {  	_ =	shalt  }
0x86: {  	_ =	shalt  }
0x87: {  	_ =	shalt  }
.Lfunc_end0:
.L_simem_size_0:
called_computation.1_lowered:
.L_overlay_start_0:
0x88: {  	s2 =	sld [smem:$0x3FD9]  }
0x89: {  	s3 =	sld [smem:$0x3FFE];
	_ =	sdelay $0x1  }
0x8a: {  	s1 =	srdreg.scid  }
0x8b: {  	s0 =	sand.u32 $0x1, s1  }
0x8c: {  	s17 =	sshll.u32 s0, $0xA;
	s2 =	sadd.s32 s3, s2  }
0x8d: {  	s2 =	sadd.s32 s2, s17  }
0x8e: {  	[smem:$0x3FC4] =	sst s2  }
0x8f: {  	_ = 	snop  }
0x90: {  	s18 =	sld [smem:$0x3FC8];
	(tm) =	ssettm $0x1  }
0x91: {  	s19 =	sld [smem:$0x3FFB];
	_ =	sdelay $0x3  }
0x92: {  	_ =	strace s19  }
0x93: {  	s2 =	sld [smem:$0x3FFC];
	_ =	sdelay $0x3  }
0x94: {  	_ =	strace s2  }
0x95: {  	s2 =	sld [smem:$0x3FFD];
	_ =	sdelay $0x3  }
0x96: {  	_ =	strace s2  }
0x97: {  	_ =	strace $0x8FFFFFFF  }
0x98: {  	s20 =	sld [smem:$0x3FDB];
	_ =	sdelay $0x1  }
0x99: {  	s4 =	simm.s32 $_scs_section_size  }
0x9a: {  	s5 =	simm.s32 $_size__tile_overlayer_lowered;
	s6 =	simm.s32 $_tile_overlayer_lowered  }
0x9b: {  	s7 =	simm.s32 $0x1BFF;
	s21 =	sshll.u32 s6, $0x1;
	s4 =	sadd.s32 s4, s20  }
0x9c: {  	s22 =	simm.s32 $0x0;
	s5 =	sshll.u32 s5, $0x1;
	s6 =	sadd.s32 s21, s4  }
0x9d: {  	[timem:s22], [sflag:s7] =	dma.local [hbm:s6], s5  }
0x9e: {  	_ =	swait.ge [sflag:s7], s5  }
0x9f: {  	s5 =	ssub.s32 $0x0, s5;
	[sflag:s7] =	ssyncset.done $0x0  }
0xa0: {  	[sflag:s7] =	ssyncadd.s32 s5;
	_ =	sdelay $0x1  }
0xa1: {  	s23 =	simm.s32 $0x1B8B  }
0xa2: {  	_ =	swait.ge [sflag:s23], $0x1  }
0xa3: {  	[sflag:s23] =	ssyncset.done $0x0  }
0xa4: {  	[sflag:s23] =	ssyncadd.s32 $0xFFFFFFFF  }
0xa5: {  	s5 =	sld [smem:$0x0]  }
0xa6: {  	s6 =	sand.u32 $0xFFFFFFFE, s1  }
0xa7: {  	p0 =	sne.s32 s1, s6  }
0xa8: {  	s6 =	sshll.u32 @p0 s6, $0xE  }
0xa9: {  	s6 =	sadd.s32 @p0 $0x11B8D, s6;
	s7 =	sshll.u32 @p0 s5, $0x11  }
0xaa: {  	s6 =	sor.u32 @p0 s7, s6  }
0xab: {  	[sflag:s6] =	ssyncadd.remote.s32 @p0 $0x1;
	_ =	sdelay $0x1  }
0xac: {  	s6 =	simm.s32 @p0 $0x1B8D  }
0xad: {  	_ =	swait.eq @p0 [sflag:s6], $0x1  }
0xae: {  	[sflag:s6] =	ssyncadd.s32 @p0 $0xFFFFFFFF  }
0xaf: {  	s7 =	sshll.u32 @!p0 s1, $0xE  }
0xb0: {  	s7 =	sor.u32 @!p0 $0x4000, s7;
	s6 =	simm.s32 @!p0 $0x1B8D  }
0xb1: {  	s5 =	sshll.u32 @!p0 s5, $0x11;
	s7 =	sadd.s32 @!p0 $0x11B8D, s7;
	_ =	swait.eq @!p0 [sflag:s6], $0x1  }
0xb2: {  	s5 =	sor.u32 @!p0 s5, s7;
	[sflag:s6] =	ssyncadd.s32 @!p0 $0xFFFFFFFF  }
0xb3: {  	s25 =	simm.s32 $0x1B8E;
	s24 =	sld [smem:$0x3FFE];
	[sflag:s5] =	ssyncadd.remote.s32 @!p0 $0x1  }
0xb4: {  	s26 =	simm.s32 $execute0_lowered;
	[smem:$0x3FD2] =	sst s25  }
0xb5: {  	s6 =	sshll.u32 s26, $0x1;
	_ =	strace $0x80000049;
	[dreg:$0x1] =	wrdreg $0xFFFFFFFF  }
0xb6: {  	s28 =	simm.s32 $_size_execute0_lowered;
	s4 =	sadd.s32 s4, s6;
	[dreg:$0x0] =	wrdreg $0x0  }
0xb7: {  	s6 =	sshll.u32 s28, $0x1;
	[dreg:$0x2] =	wrdreg s4  }
0xb8: {  	[dreg:$0x3] =	wrdreg s6  }
0xb9: {  	[dreg:$0x4] =	wrdreg $0xC0  }
0xba: {  	_ =	task [dreg:s22], $0x5FFFF  }
0xbb: {  	[dreg:$0x1] =	wrdreg $0xFFFFFFFF  }
0xbc: {  	[dreg:$0x0] =	wrdreg $0x60  }
0xbd: {  	[dreg:$0x2] =	wrdreg s24  }
0xbe: {  	[dreg:$0x3] =	wrdreg s18  }
0xbf: {  	[dreg:$0x4] =	wrdreg $0xA  }
0xc0: {  	_ =	task.clear_ibuf [dreg:s22], $0x5FFFF;
	_ =	strace $0x90000049  }
0xc1: {  	s29 =	simm.s32 $0xA;
	_ =	strace $0x8000004B  }
0xc2: {  	_ =	swait.ge [sflag:s29], $0x1  }
0xc3: {  	[sflag:s29] =	ssyncadd.s32 $0xFFFFFFFF  }
0xc4: {  	_ =	strace $0x9000004B  }
0xc5: {  	_ =	sfence  }
0xc6: {  	s30 =	sld [smem:$0x0];
	_ =	sdelay $0x2  }
0xc7: {  	s31 =	sshll.u32 s1, $0xD;
	s1 =	sshrl.u32 s1, $0x2  }
0xc8: {  	s4 =	sand.u32 $0x4000, s31;
	s1 =	sadd.s32 s1, s30  }
0xc9: {  	s0 =	sor.u32 s4, s0;
	s1 =	sshll.u32 s1, $0x11  }
0xca: {  	s0 =	sor.u32 s1, s0  }
0xcb: {  	s0 =	sadd.s32 $0x8F2B, s0  }
0xcc: {  	[sflag:s0] =	ssyncadd.remote.s32 $0x1  }
0xcd: {  	_ =	sfence.sel $0xFFFF  }
0xce: {  	[dreg:$0x0] =	wrdreg $0xFFFFFFFF;
	(pc) =	sbr.abs _section_cstart, $3  }
0xcf: {  	[dreg:$0x1] =	wrdreg $0xFFFFFFFF  }
0xd0: {  	_ =	task.clear_ibuf [dreg:s22], $0x2FFFF;
	_ =	strace $0x9FFFFFFF  }
0xd1: {  	(tm) =	ssettm $0x7FFFFFFF  }
tec
execute0_lowered:
.L_overlay_start_1:
0x0: {  	(tag) =	ssettag $0x1  }
0x1: {  	s1 =	srdreg.scid;
	s0 =	stileid.u32  }
0x2: {  	s10 =	rddreg [dreg:$0x0];
	s16 =	sand.u32 $0x1, s1;
	s31 =	sshll.u32 s0, $0x1  }
0x3: {  	s2 =	rddreg [dreg:$0x1];
	s11 =	sor.u32 s16, s31  }
0x4: {  	s3 =	simm.s32 $0x0;
	s1 =	rddreg [dreg:$0x2];
	s4 =	sshll.u32 s11, $0x6  }
0x5: {  	[smem:$0x7FF] =	sst s3;
	s4 =	sadd.s32 s4, s10  }
0x6: {  	_ =	strace $0x8000004A;
	s5 =	sadd.s32 $0x2800, s4;
	s4 =	simm.s32 $0x3  }
0x7: {  	[tilespmem:s3], [sflag:$0x3] =	stream.linear.gather [hbm4b:s5+s3], $0x200, $0x38;
	[tilespmem:$0x8200] =	vst v63  }
0x8: {  	_ =	swait.ge [sflag:s4], $0x200  }
0x9: {  	[sflag:s4] =	ssyncset.done $0x0  }
0xa: {  	s6 =	simm.s32 $0x80;
	s7 =	simm.s32 $0x200;
	[sflag:s4] =	ssyncadd.s32 $0xFFFFFE00  }
0xb: {  	[tilespmem:s7], [sflag:$0x1] =	stream.indirect.gather [hbm4b:s2+s6], $0x80, s3, s6, $0xb8;
	[tilespmem:$0x8200] =	vst v63  }
0xc: {  	s8 =	simm.s32 $0x4200;
	s9 =	simm.s32 $0x1  }
0xd: {  	[tilespmem:s8], [sflag:$0x2] =	stream.indirect.gather [hbm4b:s2+s6], $0x80, s6, s6, $0xb8;
	[tilespmem:$0x8200] =	vst v63  }
0xe: {  	s11 =	sshll.u32 s11, $0xD;
	_ =	swait.ge [sflag:s9], $0x4000  }
0xf: {  	s17 =	sadd.s32 s11, s10;
	[sflag:s9] =	ssyncset.done $0x0  }
0x10: {  	s10 =	sadd.s32 $0x8800, s17;
	[sflag:s9] =	ssyncadd.s32 $0xFFFFC000  }
0x11: {  	[hbm4b:s10+s3] =	stream.linear.scatter [tilespmem:s7], [sflag:$0x3], $0x4000, $0x38;
	[tilespmem:$0x8200] =	vst v63  }
0x12: {  	_ =	swait.ge [sflag:s4], $0x4000  }
0x13: {  	[sflag:s4] =	ssyncset.done $0x0  }
0x14: {  	s12 =	simm.s32 $0x2;
	s11 =	simm.s32 $0x100;
	[sflag:s4] =	ssyncadd.s32 $0xFFFFC000  }
0x15: {  	[tilespmem:s7], [sflag:$0x1] =	stream.indirect.gather [hbm4b:s2+s6], $0x80, s11, s6, $0xb8;
	[tilespmem:$0x8200] =	vst v63  }
0x16: {  	_ =	swait.ge [sflag:s12], $0x4000  }
0x17: {  	[sflag:s12] =	ssyncset.done $0x0  }
0x18: {  	s13 =	sadd.s32 $0x9000, s17;
	[sflag:s12] =	ssyncadd.s32 $0xFFFFC000  }
0x19: {  	[hbm4b:s13+s3] =	stream.linear.scatter [tilespmem:s8], [sflag:$0x3], $0x4000, $0x38;
	[tilespmem:$0x8200] =	vst v63  }
0x1a: {  	_ =	swait.ge [sflag:s4], $0x4000  }
0x1b: {  	[sflag:s4] =	ssyncset.done $0x0  }
0x1c: {  	s14 =	simm.s32 $0x180;
	[sflag:s4] =	ssyncadd.s32 $0xFFFFC000  }
0x1d: {  	[tilespmem:s8], [sflag:$0x2] =	stream.indirect.gather [hbm4b:s2+s6], $0x80, s14, s6, $0xb8;
	[tilespmem:$0x8200] =	vst v63  }
0x1e: {  	_ =	swait.ge [sflag:s9], $0x4000  }
0x1f: {  	[sflag:s9] =	ssyncset.done $0x0  }
0x20: {  	s16 =	ssub.s32 $0x2, s16;
	s15 =	sadd.s32 $0x9800, s17;
	[sflag:s9] =	ssyncadd.s32 $0xFFFFC000  }
0x21: {  	[hbm4b:s15+s3] =	stream.linear.scatter [tilespmem:s7], [sflag:$0x3], $0x4000, $0x38;
	[tilespmem:$0x8200] =	vst v63  }
0x22: {  	s18 =	sshrl.u32 s16, $0x1;
	_ =	swait.ge [sflag:s4], $0x4000  }
0x23: {  	s16 =	ssub.s32 s16, s18;
	[sflag:s4] =	ssyncset.done $0x0  }
0x24: {  	s18 =	smax.u32 s16, $0x1;
	[sflag:s4] =	ssyncadd.s32 $0xFFFFC000  }
0x25: {  	p0 =	sne.s32 s18, $0x1;
	_ =	swait.ge [sflag:s12], $0x4000  }
.Ltmp0:
0x26: {  	[sflag:s12] =	ssyncset.done $0x0;
	(pc) =	sbr.rel @!p0 .LBB2_2-.Ltmp0, $4  }
0x27: {  	s16 =	sadd.s32 $0xA000, s17;
	[sflag:s12] =	ssyncadd.s32 $0xFFFFC000  }
0x28: {  	[hbm4b:s16+s3] =	stream.linear.scatter [tilespmem:s8], [sflag:$0x3], $0x4000, $0x38;
	[tilespmem:$0x8200] =	vst v63  }
0x29: {  	_ =	swait.ge [sflag:s4], $0x4000  }
0x2a: {  	s17 =	sadd.s32 $0xFFFFFFFF, s18;
	[sflag:s4] =	ssyncset.done $0x0  }
.LBB2_1:
0x2b: {  	p0 =	sne.s32 s17, $0x1;
	s17 =	sadd.s32 $0xFFFFFFFF, s17;
	[sflag:s4] =	ssyncadd.s32 $0xFFFFC000  }
0x2c: {  	[tilespmem:s3], [sflag:$0x3] =	stream.linear.gather [hbm4b:s5+s3], $0x200, $0x38;
	[tilespmem:$0x8200] =	vst v63  }
0x2d: {  	_ =	swait.ge [sflag:s4], $0x200  }
0x2e: {  	[sflag:s4] =	ssyncset.done $0x0  }
0x2f: {  	[sflag:s4] =	ssyncadd.s32 $0xFFFFFE00  }
0x30: {  	[tilespmem:s7], [sflag:$0x1] =	stream.indirect.gather [hbm4b:s2+s6], $0x80, s3, s6, $0xb8;
	[tilespmem:$0x8200] =	vst v63  }
0x31: {  	_ = 	snop  }
0x32: {  	[tilespmem:s8], [sflag:$0x2] =	stream.indirect.gather [hbm4b:s2+s6], $0x80, s6, s6, $0xb8;
	[tilespmem:$0x8200] =	vst v63  }
0x33: {  	_ =	swait.ge [sflag:s9], $0x4000  }
0x34: {  	[sflag:s9] =	ssyncset.done $0x0  }
0x35: {  	[sflag:s9] =	ssyncadd.s32 $0xFFFFC000  }
0x36: {  	[hbm4b:s10+s3] =	stream.linear.scatter [tilespmem:s7], [sflag:$0x3], $0x4000, $0x38;
	[tilespmem:$0x8200] =	vst v63  }
0x37: {  	_ =	swait.ge [sflag:s4], $0x4000  }
0x38: {  	[sflag:s4] =	ssyncset.done $0x0  }
0x39: {  	[sflag:s4] =	ssyncadd.s32 $0xFFFFC000  }
0x3a: {  	[tilespmem:s7], [sflag:$0x1] =	stream.indirect.gather [hbm4b:s2+s6], $0x80, s11, s6, $0xb8;
	[tilespmem:$0x8200] =	vst v63  }
0x3b: {  	_ =	swait.ge [sflag:s12], $0x4000  }
0x3c: {  	[sflag:s12] =	ssyncset.done $0x0  }
0x3d: {  	[sflag:s12] =	ssyncadd.s32 $0xFFFFC000  }
0x3e: {  	[hbm4b:s13+s3] =	stream.linear.scatter [tilespmem:s8], [sflag:$0x3], $0x4000, $0x38;
	[tilespmem:$0x8200] =	vst v63  }
0x3f: {  	_ =	swait.ge [sflag:s4], $0x4000  }
0x40: {  	[sflag:s4] =	ssyncset.done $0x0  }
0x41: {  	[sflag:s4] =	ssyncadd.s32 $0xFFFFC000  }
0x42: {  	[tilespmem:s8], [sflag:$0x2] =	stream.indirect.gather [hbm4b:s2+s6], $0x80, s14, s6, $0xb8;
	[tilespmem:$0x8200] =	vst v63  }
0x43: {  	_ =	swait.ge [sflag:s9], $0x4000  }
0x44: {  	[sflag:s9] =	ssyncset.done $0x0  }
0x45: {  	[sflag:s9] =	ssyncadd.s32 $0xFFFFC000  }
0x46: {  	[hbm4b:s15+s3] =	stream.linear.scatter [tilespmem:s7], [sflag:$0x3], $0x4000, $0x38;
	[tilespmem:$0x8200] =	vst v63  }
0x47: {  	_ =	swait.ge [sflag:s4], $0x4000  }
0x48: {  	[sflag:s4] =	ssyncset.done $0x0  }
0x49: {  	[sflag:s4] =	ssyncadd.s32 $0xFFFFC000  }
0x4a: {  	_ =	swait.ge [sflag:s12], $0x4000  }
.Ltmp1:
0x4b: {  	[sflag:s12] =	ssyncset.done $0x0;
	(pc) =	sbr.rel @p0 .LBB2_1-.Ltmp1, $4  }
0x4c: {  	[sflag:s12] =	ssyncadd.s32 $0xFFFFC000  }
0x4d: {  	[hbm4b:s16+s3] =	stream.linear.scatter [tilespmem:s8], [sflag:$0x3], $0x4000, $0x38;
	[tilespmem:$0x8200] =	vst v63  }
0x4e: {  	_ =	swait.ge [sflag:s4], $0x4000  }
0x4f: {  	[sflag:s4] =	ssyncset.done $0x0  }
.LBB2_2:
0x50: {  	[sflag:s4] =	ssyncadd.s32 $0xFFFFC000  }
0x51: {  	_ =	sfence.sel $0x180000  }
0x52: {  	[bflag:$0x0] =	sbarrier.arrive $0xFFFF  }
0x53: {  	p0 =	sne.s32 s0, $0x0;
	_ =	strace $0x9000004A  }
0x54: {  	s0 =	sadd.s32 @!p0 $0x100000, s1;
	[bflag:$0x2] =	sbarrier.arrive $0xFFFF  }
0x55: {  	[sflag:s0] =	ssyncadd.tile.s32 @!p0 $0x1;
	_ =	shalt  }
.Lfunc_end2:
_tile_overlayer_lowered:
.L_overlay_start_2:
0x56: {  	(tag) =	ssettag $0x2  }
0x57: {  	s0 =	rddreg [dreg:$0x0];
	s2 =	stileid.u32  }
0x58: {  	s1 =	rddreg [dreg:$0x1];
	p0 =	sne.s32 s2, $0x0  }
0x59: {  	s3 =	rddreg [dreg:$0x2];
	[bflag:$0x3] =	sbarrier.arrive $0xFFFF;
	s2 =	simm.s32 @!p0 $0x1C03  }
0x5a: {  	[timem:s3], [sflag:s2] =	dma.local @!p0 [hbm:s0], s1  }
0x5b: {  	s0 =	simm.s32 @!p0 $0x3  }
0x5c: {  	_ =	swait.ge @!p0 [sflag:s0], s1  }
0x5d: {  	s1 =	ssub.s32 @!p0 $0x0, s1;
	[sflag:s0] =	ssyncset.done @!p0 $0x0  }
0x5e: {  	[sflag:s0] =	ssyncadd.s32 @!p0 s1  }
0x5f: {  	[bflag:$0x3] =	sbarrier.arrive $0xFFFF  }
0x60: {  	_ =	shalt  }

// kernel: kernel.20.cloned.1.call-start
scs
__scs_entry_jumppad:
0x0: {  	(pc) =	sbr.rel $0x88, $3  }
0x1: {  	(tag) =	ssettag $0x0;
	lr =	simm.s32 $0x1  }
0x2: {  	[smem:$0x3F9D] =	sst lr;
	_ =	strace $0xD0000000  }
0x3: {  	_ = 	snop  }
0x4: {  	_ = 	snop  }
0x5: {  	_ = 	snop  }
0x6: {  	_ = 	snop  }
0x7: {  	_ = 	snop  }
__scs_overlays_trampoline_lowered:
0x8: {  	[smem:$0x3FAC] =	sst s0  }
0x9: {  	[smem:$0x3FAD] =	sst s1  }
0xa: {  	[smem:$0x3FAE] =	sst s2  }
0xb: {  	[smem:$0x3FAF] =	sst s3  }
0xc: {  	[smem:$0x3FB0] =	sst s4  }
0xd: {  	[smem:$0x3FB1] =	sst s5  }
0xe: {  	[smem:$0x3FB2] =	sst s6  }
0xf: {  	[smem:$0x3FB3] =	sst s7  }
0x10: {  	[smem:$0x3FB4] =	sst s8  }
0x11: {  	[smem:$0x3FB5] =	sst s9;
	s0 =	simm.s32 @!p0 $0x0  }
0x12: {  	s1 =	sld [smem:$0x3F9B];
	s0 =	simm.s32 @p0 $0x1  }
0x13: {  	[smem:$0x3FB6] =	sst s0;
	s0 =	simm.s32 @!p1 $0x0  }
0x14: {  	s2 =	sld [smem:$0x3F9A];
	s0 =	simm.s32 @p1 $0x1  }
0x15: {  	[smem:$0x3FB7] =	sst s0;
	s0 =	simm.s32 @!p2 $0x0  }
0x16: {  	s3 =	sld [smem:$0x3FDB];
	s0 =	simm.s32 @p2 $0x1  }
0x17: {  	s4 =	simm.s32 $0x1BF5;
	[smem:$0x3FB9] =	sst s0  }
0x18: {  	s0 =	sld [smem:$0x3F9C];
	_ =	swait.ge [sflag:s4], $0x0  }
0x19: {  	s7 =	sld [smem:$0x3F9D]  }
0x1a: {  	s8 =	sadd.s32 $0xFFFFE003, lr  }
0x1b: {  	s9 =	sadd.s32 $0xFFFFFEF7, lr;
	s5 =	simm.s32 $0xFFFFFFFF;
	p2 =	slt.u32 s8, $0xFFFFF086  }
0x1c: {  	p1 =	slt.u32 s9, $0xF7A;
	s5 =	simm.s32 @!p2 $0x0  }
0x1d: {  	s5 =	simm.s32 @p1 $0x1;
	p0 =	seq.s32 s7, s2  }
0x1e: {  	s7 =	smul.u32 @!p0 $0xF7A, s2;
	p2 =	seq.s32 @!p0 s5, $0x0  }
0x1f: {  	s9 =	smul.u32 $0xF7A, s1;
	s8 =	simm.s32 @!p0 $0x1BF5;
	p2 =	por !p2, p0  }
0x20: {  	[sflag:s8] =	ssyncset.s32 @!p0 $0xFFFFF086;
	s6 =	sadd.s32 @!p0 s3, s7;
	s7 =	simm.s32 @!p0 $0x108  }
0x21: {  	s3 =	sadd.s32 s3, s9;
	s6 =	sadd.s32 @!p0 $0x88, s6;
	s7 =	simm.s32 @p2 $0x1082  }
0x22: {  	[simem:s7], [sflag:s8] =	dma.local @!p0 [hbm:s6], $0xF7A  }
0x23: {  	s9 =	sor.u32 $0xD0000000, s2;
	s6 =	simm.s32 $0x108;
	_ =	swait.ge @!p0 [sflag:s8], $0x0  }
0x24: {  	s3 =	sadd.s32 $0x88, s3;
	s6 =	simm.s32 @!p1 $0x1082;
	[sflag:s4] =	ssyncset.s32 $0xFFFFF086  }
0x25: {  	[simem:s6], [sflag:s4] =	dma.local [hbm:s3], $0xF7A  }
0x26: {  	[smem:$0x3F9D] =	sst s1;
	(tag) =	ssettag s2;
	_ =	strace s9  }
0x27: {  	s1 =	sld [smem:$0x3FAD]  }
0x28: {  	s2 =	sld [smem:$0x3FAE]  }
0x29: {  	s4 =	sld [smem:$0x3FB0]  }
0x2a: {  	p0 =	seq.s32 s5, $0x0;
	s5 =	sld [smem:$0x3FB1]  }
0x2b: {  	s6 =	sld [smem:$0x3FB2]  }
0x2c: {  	s7 =	sld [smem:$0x3FB3]  }
0x2d: {  	s3 =	simm.s32 $0x108;
	s8 =	sld [smem:$0x3FB4]  }
0x2e: {  	s3 =	simm.s32 @!p0 $0x1082;
	s9 =	sld [smem:$0x3FB5]  }
0x2f: {  	lr =	sadd.s32 s0, s3;
	s0 =	sld [smem:$0x3FAC]  }
0x30: {  	s3 =	sld [smem:$0x3FAF]  }
0x31: {  	[smem:$0x3FB8] =	sst s10  }
0x32: {  	s10 =	sld [smem:$0x3FB6];
	_ =	sdelay $0x3  }
0x33: {  	p0 =	seq.s32 s10, $0x1;
	s10 =	sld [smem:$0x3FB8];
	_ =	sdelay $0x3  }
0x34: {  	[smem:$0x3FB8] =	sst s10  }
0x35: {  	s10 =	sld [smem:$0x3FB7];
	_ =	sdelay $0x3  }
0x36: {  	p1 =	seq.s32 s10, $0x1;
	s10 =	sld [smem:$0x3FB8];
	_ =	sdelay $0x3  }
0x37: {  	[smem:$0x3FB8] =	sst s10  }
0x38: {  	s10 =	sld [smem:$0x3FB9]  }
0x39: {  	_ = 	snop;
	(pc) =	sbr.ind lr, $3  }
0x3a: {  	_ = 	snop  }
0x3b: {  	_ = 	snop  }
0x3c: {  	p2 =	seq.s32 s10, $0x1;
	s10 =	sld [smem:$0x3FB8]  }
0x3d: {  	_ =	shalt  }
0x3e: {  	_ =	shalt  }
0x3f: {  	_ =	shalt  }
0x40: {  	_ =	shalt  }
0x41: {  	_ =	shalt  }
0x42: {  	_ =	shalt  }
0x43: {  	_ =	shalt  }
0x44: {  	_ =	shalt  }
0x45: {  	_ =	shalt  }
0x46: {  	_ =	shalt  }
0x47: {  	_ =	shalt  }
0x48: {  	_ =	shalt  }
0x49: {  	_ =	shalt  }
0x4a: {  	_ =	shalt  }
0x4b: {  	_ =	shalt  }
0x4c: {  	_ =	shalt  }
0x4d: {  	_ =	shalt  }
0x4e: {  	_ =	shalt  }
0x4f: {  	_ =	shalt  }
0x50: {  	_ =	shalt  }
0x51: {  	_ =	shalt  }
0x52: {  	_ =	shalt  }
0x53: {  	_ =	shalt  }
0x54: {  	_ =	shalt  }
0x55: {  	_ =	shalt  }
0x56: {  	_ =	shalt  }
0x57: {  	_ =	shalt  }
0x58: {  	_ =	shalt  }
0x59: {  	_ =	shalt  }
0x5a: {  	_ =	shalt  }
0x5b: {  	_ =	shalt  }
0x5c: {  	_ =	shalt  }
0x5d: {  	_ =	shalt  }
0x5e: {  	_ =	shalt  }
0x5f: {  	_ =	shalt  }
0x60: {  	_ =	shalt  }
0x61: {  	_ =	shalt  }
0x62: {  	_ =	shalt  }
0x63: {  	_ =	shalt  }
0x64: {  	_ =	shalt  }
0x65: {  	_ =	shalt  }
0x66: {  	_ =	shalt  }
0x67: {  	_ =	shalt  }
0x68: {  	_ =	shalt  }
0x69: {  	_ =	shalt  }
0x6a: {  	_ =	shalt  }
0x6b: {  	_ =	shalt  }
0x6c: {  	_ =	shalt  }
0x6d: {  	_ =	shalt  }
0x6e: {  	_ =	shalt  }
0x6f: {  	_ =	shalt  }
0x70: {  	_ =	shalt  }
0x71: {  	_ =	shalt  }
0x72: {  	_ =	shalt  }
0x73: {  	_ =	shalt  }
0x74: {  	_ =	shalt  }
0x75: {  	_ =	shalt  }
0x76: {  	_ =	shalt  }
0x77: {  	_ =	shalt  }
0x78: {  	_ =	shalt  }
0x79: {  	_ =	shalt  }
0x7a: {  	_ =	shalt  }
0x7b: {  	_ =	shalt  }
0x7c: {  	_ =	shalt  }
0x7d: {  	_ =	shalt  }
0x7e: {  	_ =	shalt  }
0x7f: {  	_ =	shalt  }
0x80: {  	_ =	shalt  }
0x81: {  	_ =	shalt  }
0x82: {  	_ =	shalt  }
0x83: {  	_ =	shalt  }
0x84: {  	_ =	shalt  }
0x85: {  	_ =	shalt  }
0x86: {  	_ =	shalt  }
0x87: {  	_ =	shalt  }
.Lfunc_end0:
.L_simem_size_0:
called_computation.2_lowered:
.L_overlay_start_0:
0x88: {  	s2 =	sld [smem:$0x3FD9]  }
0x89: {  	s3 =	sld [smem:$0x3FFE];
	_ =	sdelay $0x1  }
0x8a: {  	s1 =	srdreg.scid  }
0x8b: {  	s0 =	sand.u32 $0x1, s1  }
0x8c: {  	s17 =	sshll.u32 s0, $0xA;
	s2 =	sadd.s32 s3, s2  }
0x8d: {  	s2 =	sadd.s32 s2, s17  }
0x8e: {  	[smem:$0x3FC4] =	sst s2  }
0x8f: {  	_ = 	snop  }
0x90: {  	s18 =	sld [smem:$0x3FC8];
	(tm) =	ssettm $0x1  }
0x91: {  	s19 =	sld [smem:$0x3FFB];
	_ =	sdelay $0x3  }
0x92: {  	_ =	strace s19  }
0x93: {  	s2 =	sld [smem:$0x3FFC];
	_ =	sdelay $0x3  }
0x94: {  	_ =	strace s2  }
0x95: {  	s2 =	sld [smem:$0x3FFD];
	_ =	sdelay $0x3  }
0x96: {  	_ =	strace s2  }
0x97: {  	_ =	strace $0x8FFFFFFF  }
0x98: {  	s20 =	sld [smem:$0x3FDB];
	_ =	sdelay $0x1  }
0x99: {  	s4 =	simm.s32 $_scs_section_size  }
0x9a: {  	s5 =	simm.s32 $_size__tile_overlayer_lowered;
	s6 =	simm.s32 $_tile_overlayer_lowered  }
0x9b: {  	s7 =	simm.s32 $0x1BFF;
	s21 =	sshll.u32 s6, $0x1;
	s4 =	sadd.s32 s4, s20  }
0x9c: {  	s22 =	simm.s32 $0x0;
	s5 =	sshll.u32 s5, $0x1;
	s6 =	sadd.s32 s21, s4  }
0x9d: {  	[timem:s22], [sflag:s7] =	dma.local [hbm:s6], s5  }
0x9e: {  	_ =	swait.ge [sflag:s7], s5  }
0x9f: {  	s5 =	ssub.s32 $0x0, s5;
	[sflag:s7] =	ssyncset.done $0x0  }
0xa0: {  	[sflag:s7] =	ssyncadd.s32 s5;
	_ =	sdelay $0x1  }
0xa1: {  	s23 =	simm.s32 $0x1B8B  }
0xa2: {  	_ =	swait.ge [sflag:s23], $0x1  }
0xa3: {  	[sflag:s23] =	ssyncset.done $0x0  }
0xa4: {  	[sflag:s23] =	ssyncadd.s32 $0xFFFFFFFF  }
0xa5: {  	s5 =	sld [smem:$0x0]  }
0xa6: {  	s6 =	sand.u32 $0xFFFFFFFE, s1  }
0xa7: {  	p0 =	sne.s32 s1, s6  }
0xa8: {  	s6 =	sshll.u32 @p0 s6, $0xE  }
0xa9: {  	s6 =	sadd.s32 @p0 $0x11B8D, s6;
	s7 =	sshll.u32 @p0 s5, $0x11  }
0xaa: {  	s6 =	sor.u32 @p0 s7, s6  }
0xab: {  	[sflag:s6] =	ssyncadd.remote.s32 @p0 $0x1;
	_ =	sdelay $0x1  }
0xac: {  	s6 =	simm.s32 @p0 $0x1B8D  }
0xad: {  	_ =	swait.eq @p0 [sflag:s6], $0x1  }
0xae: {  	[sflag:s6] =	ssyncadd.s32 @p0 $0xFFFFFFFF  }
0xaf: {  	s7 =	sshll.u32 @!p0 s1, $0xE  }
0xb0: {  	s7 =	sor.u32 @!p0 $0x4000, s7;
	s6 =	simm.s32 @!p0 $0x1B8D  }
0xb1: {  	s5 =	sshll.u32 @!p0 s5, $0x11;
	s7 =	sadd.s32 @!p0 $0x11B8D, s7;
	_ =	swait.eq @!p0 [sflag:s6], $0x1  }
0xb2: {  	s5 =	sor.u32 @!p0 s5, s7;
	[sflag:s6] =	ssyncadd.s32 @!p0 $0xFFFFFFFF  }
0xb3: {  	s25 =	simm.s32 $0x1B8E;
	s24 =	sld [smem:$0x3FFE];
	[sflag:s5] =	ssyncadd.remote.s32 @!p0 $0x1  }
0xb4: {  	s26 =	simm.s32 $execute0_lowered;
	[smem:$0x3FD2] =	sst s25  }
0xb5: {  	s6 =	sshll.u32 s26, $0x1;
	_ =	strace $0x8000004C;
	[dreg:$0x1] =	wrdreg $0xFFFFFFFF  }
0xb6: {  	s28 =	simm.s32 $_size_execute0_lowered;
	s4 =	sadd.s32 s4, s6;
	[dreg:$0x0] =	wrdreg $0x0  }
0xb7: {  	s6 =	sshll.u32 s28, $0x1;
	[dreg:$0x2] =	wrdreg s4  }
0xb8: {  	[dreg:$0x3] =	wrdreg s6  }
0xb9: {  	[dreg:$0x4] =	wrdreg $0xC0  }
0xba: {  	_ =	task [dreg:s22], $0x5FFFF  }
0xbb: {  	[dreg:$0x1] =	wrdreg $0xFFFFFFFF  }
0xbc: {  	[dreg:$0x0] =	wrdreg $0x60  }
0xbd: {  	[dreg:$0x2] =	wrdreg s24  }
0xbe: {  	[dreg:$0x3] =	wrdreg s18  }
0xbf: {  	[dreg:$0x4] =	wrdreg $0xB  }
0xc0: {  	_ =	task.clear_ibuf [dreg:s22], $0x5FFFF;
	_ =	strace $0x9000004C  }
0xc1: {  	s29 =	simm.s32 $0xB;
	_ =	strace $0x8000004E  }
0xc2: {  	_ =	swait.ge [sflag:s29], $0x1  }
0xc3: {  	[sflag:s29] =	ssyncadd.s32 $0xFFFFFFFF  }
0xc4: {  	_ =	strace $0x9000004E  }
0xc5: {  	_ =	sfence  }
0xc6: {  	s30 =	sld [smem:$0x0];
	_ =	sdelay $0x2  }
0xc7: {  	s31 =	sshll.u32 s1, $0xD;
	s1 =	sshrl.u32 s1, $0x2  }
0xc8: {  	s4 =	sand.u32 $0x4000, s31;
	s1 =	sadd.s32 s1, s30  }
0xc9: {  	s0 =	sor.u32 s4, s0;
	s1 =	sshll.u32 s1, $0x11  }
0xca: {  	s0 =	sor.u32 s1, s0  }
0xcb: {  	s0 =	sadd.s32 $0x8F2B, s0  }
0xcc: {  	[sflag:s0] =	ssyncadd.remote.s32 $0x1  }
0xcd: {  	_ =	sfence.sel $0xFFFF  }
0xce: {  	[dreg:$0x0] =	wrdreg $0xFFFFFFFF;
	(pc) =	sbr.abs _section_cstart, $3  }
0xcf: {  	[dreg:$0x1] =	wrdreg $0xFFFFFFFF  }
0xd0: {  	_ =	task.clear_ibuf [dreg:s22], $0x2FFFF;
	_ =	strace $0x9FFFFFFF  }
0xd1: {  	(tm) =	ssettm $0x7FFFFFFF  }
tec
execute0_lowered:
.L_overlay_start_1:
0x0: {  	(tag) =	ssettag $0x1  }
0x1: {  	s1 =	srdreg.scid;
	s0 =	stileid.u32  }
0x2: {  	s10 =	rddreg [dreg:$0x0];
	s24 =	sand.u32 $0x1, s1;
	s31 =	sshll.u32 s0, $0x1  }
0x3: {  	s2 =	rddreg [dreg:$0x1];
	s11 =	sor.u32 s24, s31  }
0x4: {  	s3 =	simm.s32 $0x0;
	s1 =	rddreg [dreg:$0x2];
	s4 =	sshll.u32 s11, $0x7  }
0x5: {  	[smem:$0x7FF] =	sst s3;
	s4 =	sadd.s32 s4, s10  }
0x6: {  	_ =	strace $0x8000004D;
	s5 =	sadd.s32 $0x3000, s4;
	s4 =	simm.s32 $0x3  }
0x7: {  	[tilespmem:s3], [sflag:$0x3] =	stream.linear.gather [hbm4b:s5+s3], $0x400, $0x38;
	[tilespmem:$0x8400] =	vst v63  }
0x8: {  	_ =	swait.ge [sflag:s4], $0x400  }
0x9: {  	[sflag:s4] =	ssyncset.done $0x0  }
0xa: {  	s6 =	simm.s32 $0x80;
	s7 =	simm.s32 $0x400;
	[sflag:s4] =	ssyncadd.s32 $0xFFFFFC00  }
0xb: {  	[tilespmem:s7], [sflag:$0x1] =	stream.indirect.gather [hbm4b:s2+s6], $0x80, s3, s6, $0xb8;
	[tilespmem:$0x8400] =	vst v63  }
0xc: {  	s8 =	simm.s32 $0x4400;
	s9 =	simm.s32 $0x1  }
0xd: {  	[tilespmem:s8], [sflag:$0x2] =	stream.indirect.gather [hbm4b:s2+s6], $0x80, s6, s6, $0xb8;
	[tilespmem:$0x8400] =	vst v63  }
0xe: {  	s11 =	sshll.u32 s11, $0xE;
	_ =	swait.ge [sflag:s9], $0x4000  }
0xf: {  	s25 =	sadd.s32 s11, s10;
	[sflag:s9] =	ssyncset.done $0x0  }
0x10: {  	s10 =	sadd.s32 $0x48800, s25;
	[sflag:s9] =	ssyncadd.s32 $0xFFFFC000  }
0x11: {  	[hbm4b:s10+s3] =	stream.linear.scatter [tilespmem:s7], [sflag:$0x3], $0x4000, $0x38;
	[tilespmem:$0x8400] =	vst v63  }
0x12: {  	_ =	swait.ge [sflag:s4], $0x4000  }
0x13: {  	[sflag:s4] =	ssyncset.done $0x0  }
0x14: {  	s12 =	simm.s32 $0x2;
	s11 =	simm.s32 $0x100;
	[sflag:s4] =	ssyncadd.s32 $0xFFFFC000  }
0x15: {  	[tilespmem:s7], [sflag:$0x1] =	stream.indirect.gather [hbm4b:s2+s6], $0x80, s11, s6, $0xb8;
	[tilespmem:$0x8400] =	vst v63  }
0x16: {  	_ =	swait.ge [sflag:s12], $0x4000  }
0x17: {  	[sflag:s12] =	ssyncset.done $0x0  }
0x18: {  	s13 =	sadd.s32 $0x49000, s25;
	[sflag:s12] =	ssyncadd.s32 $0xFFFFC000  }
0x19: {  	[hbm4b:s13+s3] =	stream.linear.scatter [tilespmem:s8], [sflag:$0x3], $0x4000, $0x38;
	[tilespmem:$0x8400] =	vst v63  }
0x1a: {  	_ =	swait.ge [sflag:s4], $0x4000  }
0x1b: {  	[sflag:s4] =	ssyncset.done $0x0  }
0x1c: {  	s14 =	simm.s32 $0x180;
	[sflag:s4] =	ssyncadd.s32 $0xFFFFC000  }
0x1d: {  	[tilespmem:s8], [sflag:$0x2] =	stream.indirect.gather [hbm4b:s2+s6], $0x80, s14, s6, $0xb8;
	[tilespmem:$0x8400] =	vst v63  }
0x1e: {  	_ =	swait.ge [sflag:s9], $0x4000  }
0x1f: {  	[sflag:s9] =	ssyncset.done $0x0  }
0x20: {  	s15 =	sadd.s32 $0x49800, s25;
	[sflag:s9] =	ssyncadd.s32 $0xFFFFC000  }
0x21: {  	[hbm4b:s15+s3] =	stream.linear.scatter [tilespmem:s7], [sflag:$0x3], $0x4000, $0x38;
	[tilespmem:$0x8400] =	vst v63  }
0x22: {  	_ =	swait.ge [sflag:s4], $0x4000  }
0x23: {  	[sflag:s4] =	ssyncset.done $0x0  }
0x24: {  	s16 =	simm.s32 $0x200;
	[sflag:s4] =	ssyncadd.s32 $0xFFFFC000  }
0x25: {  	[tilespmem:s7], [sflag:$0x1] =	stream.indirect.gather [hbm4b:s2+s6], $0x80, s16, s6, $0xb8;
	[tilespmem:$0x8400] =	vst v63  }
0x26: {  	_ =	swait.ge [sflag:s12], $0x4000  }
0x27: {  	[sflag:s12] =	ssyncset.done $0x0  }
0x28: {  	s17 =	sadd.s32 $0x4A000, s25;
	[sflag:s12] =	ssyncadd.s32 $0xFFFFC000  }
0x29: {  	[hbm4b:s17+s3] =	stream.linear.scatter [tilespmem:s8], [sflag:$0x3], $0x4000, $0x38;
	[tilespmem:$0x8400] =	vst v63  }
0x2a: {  	_ =	swait.ge [sflag:s4], $0x4000  }
0x2b: {  	[sflag:s4] =	ssyncset.done $0x0  }
0x2c: {  	s18 =	simm.s32 $0x280;
	[sflag:s4] =	ssyncadd.s32 $0xFFFFC000  }
0x2d: {  	[tilespmem:s8], [sflag:$0x2] =	stream.indirect.gather [hbm4b:s2+s6], $0x80, s18, s6, $0xb8;
	[tilespmem:$0x8400] =	vst v63  }
0x2e: {  	_ =	swait.ge [sflag:s9], $0x4000  }
0x2f: {  	[sflag:s9] =	ssyncset.done $0x0  }
0x30: {  	s19 =	sadd.s32 $0x4A800, s25;
	[sflag:s9] =	ssyncadd.s32 $0xFFFFC000  }
0x31: {  	[hbm4b:s19+s3] =	stream.linear.scatter [tilespmem:s7], [sflag:$0x3], $0x4000, $0x38;
	[tilespmem:$0x8400] =	vst v63  }
0x32: {  	_ =	swait.ge [sflag:s4], $0x4000  }
0x33: {  	[sflag:s4] =	ssyncset.done $0x0  }
0x34: {  	s20 =	simm.s32 $0x300;
	[sflag:s4] =	ssyncadd.s32 $0xFFFFC000  }
0x35: {  	[tilespmem:s7], [sflag:$0x1] =	stream.indirect.gather [hbm4b:s2+s6], $0x80, s20, s6, $0xb8;
	[tilespmem:$0x8400] =	vst v63  }
0x36: {  	_ =	swait.ge [sflag:s12], $0x4000  }
0x37: {  	[sflag:s12] =	ssyncset.done $0x0  }
0x38: {  	s21 =	sadd.s32 $0x4B000, s25;
	[sflag:s12] =	ssyncadd.s32 $0xFFFFC000  }
0x39: {  	[hbm4b:s21+s3] =	stream.linear.scatter [tilespmem:s8], [sflag:$0x3], $0x4000, $0x38;
	[tilespmem:$0x8400] =	vst v63  }
0x3a: {  	_ =	swait.ge [sflag:s4], $0x4000  }
0x3b: {  	[sflag:s4] =	ssyncset.done $0x0  }
0x3c: {  	s22 =	simm.s32 $0x380;
	[sflag:s4] =	ssyncadd.s32 $0xFFFFC000  }
0x3d: {  	[tilespmem:s8], [sflag:$0x2] =	stream.indirect.gather [hbm4b:s2+s6], $0x80, s22, s6, $0xb8;
	[tilespmem:$0x8400] =	vst v63  }
0x3e: {  	_ =	swait.ge [sflag:s9], $0x4000  }
0x3f: {  	[sflag:s9] =	ssyncset.done $0x0  }
0x40: {  	s24 =	ssub.s32 $0x2, s24;
	s23 =	sadd.s32 $0x4B800, s25;
	[sflag:s9] =	ssyncadd.s32 $0xFFFFC000  }
0x41: {  	[hbm4b:s23+s3] =	stream.linear.scatter [tilespmem:s7], [sflag:$0x3], $0x4000, $0x38;
	[tilespmem:$0x8400] =	vst v63  }
0x42: {  	s26 =	sshrl.u32 s24, $0x1;
	_ =	swait.ge [sflag:s4], $0x4000  }
0x43: {  	s24 =	ssub.s32 s24, s26;
	[sflag:s4] =	ssyncset.done $0x0  }
0x44: {  	s26 =	smax.u32 s24, $0x1;
	[sflag:s4] =	ssyncadd.s32 $0xFFFFC000  }
0x45: {  	p0 =	sne.s32 s26, $0x1;
	_ =	swait.ge [sflag:s12], $0x4000  }
.Ltmp0:
0x46: {  	[sflag:s12] =	ssyncset.done $0x0;
	(pc) =	sbr.rel @!p0 .LBB2_2-.Ltmp0, $4  }
0x47: {  	s24 =	sadd.s32 $0x4C000, s25;
	[sflag:s12] =	ssyncadd.s32 $0xFFFFC000  }
0x48: {  	[hbm4b:s24+s3] =	stream.linear.scatter [tilespmem:s8], [sflag:$0x3], $0x4000, $0x38;
	[tilespmem:$0x8400] =	vst v63  }
0x49: {  	_ =	swait.ge [sflag:s4], $0x4000  }
0x4a: {  	s25 =	sadd.s32 $0xFFFFFFFF, s26;
	[sflag:s4] =	ssyncset.done $0x0  }
.LBB2_1:
0x4b: {  	p0 =	sne.s32 s25, $0x1;
	s25 =	sadd.s32 $0xFFFFFFFF, s25;
	[sflag:s4] =	ssyncadd.s32 $0xFFFFC000  }
0x4c: {  	[tilespmem:s3], [sflag:$0x3] =	stream.linear.gather [hbm4b:s5+s3], $0x400, $0x38;
	[tilespmem:$0x8400] =	vst v63  }
0x4d: {  	_ =	swait.ge [sflag:s4], $0x400  }
0x4e: {  	[sflag:s4] =	ssyncset.done $0x0  }
0x4f: {  	[sflag:s4] =	ssyncadd.s32 $0xFFFFFC00  }
0x50: {  	[tilespmem:s7], [sflag:$0x1] =	stream.indirect.gather [hbm4b:s2+s6], $0x80, s3, s6, $0xb8;
	[tilespmem:$0x8400] =	vst v63  }
0x51: {  	_ = 	snop  }
0x52: {  	[tilespmem:s8], [sflag:$0x2] =	stream.indirect.gather [hbm4b:s2+s6], $0x80, s6, s6, $0xb8;
	[tilespmem:$0x8400] =	vst v63  }
0x53: {  	_ =	swait.ge [sflag:s9], $0x4000  }
0x54: {  	[sflag:s9] =	ssyncset.done $0x0  }
0x55: {  	[sflag:s9] =	ssyncadd.s32 $0xFFFFC000  }
0x56: {  	[hbm4b:s10+s3] =	stream.linear.scatter [tilespmem:s7], [sflag:$0x3], $0x4000, $0x38;
	[tilespmem:$0x8400] =	vst v63  }
0x57: {  	_ =	swait.ge [sflag:s4], $0x4000  }
0x58: {  	[sflag:s4] =	ssyncset.done $0x0  }
0x59: {  	[sflag:s4] =	ssyncadd.s32 $0xFFFFC000  }
0x5a: {  	[tilespmem:s7], [sflag:$0x1] =	stream.indirect.gather [hbm4b:s2+s6], $0x80, s11, s6, $0xb8;
	[tilespmem:$0x8400] =	vst v63  }
0x5b: {  	_ =	swait.ge [sflag:s12], $0x4000  }
0x5c: {  	[sflag:s12] =	ssyncset.done $0x0  }
0x5d: {  	[sflag:s12] =	ssyncadd.s32 $0xFFFFC000  }
0x5e: {  	[hbm4b:s13+s3] =	stream.linear.scatter [tilespmem:s8], [sflag:$0x3], $0x4000, $0x38;
	[tilespmem:$0x8400] =	vst v63  }
0x5f: {  	_ =	swait.ge [sflag:s4], $0x4000  }
0x60: {  	[sflag:s4] =	ssyncset.done $0x0  }
0x61: {  	[sflag:s4] =	ssyncadd.s32 $0xFFFFC000  }
0x62: {  	[tilespmem:s8], [sflag:$0x2] =	stream.indirect.gather [hbm4b:s2+s6], $0x80, s14, s6, $0xb8;
	[tilespmem:$0x8400] =	vst v63  }
0x63: {  	_ =	swait.ge [sflag:s9], $0x4000  }
0x64: {  	[sflag:s9] =	ssyncset.done $0x0  }
0x65: {  	[sflag:s9] =	ssyncadd.s32 $0xFFFFC000  }
0x66: {  	[hbm4b:s15+s3] =	stream.linear.scatter [tilespmem:s7], [sflag:$0x3], $0x4000, $0x38;
	[tilespmem:$0x8400] =	vst v63  }
0x67: {  	_ =	swait.ge [sflag:s4], $0x4000  }
0x68: {  	[sflag:s4] =	ssyncset.done $0x0  }
0x69: {  	[sflag:s4] =	ssyncadd.s32 $0xFFFFC000  }
0x6a: {  	[tilespmem:s7], [sflag:$0x1] =	stream.indirect.gather [hbm4b:s2+s6], $0x80, s16, s6, $0xb8;
	[tilespmem:$0x8400] =	vst v63  }
0x6b: {  	_ =	swait.ge [sflag:s12], $0x4000  }
0x6c: {  	[sflag:s12] =	ssyncset.done $0x0  }
0x6d: {  	[sflag:s12] =	ssyncadd.s32 $0xFFFFC000  }
0x6e: {  	[hbm4b:s17+s3] =	stream.linear.scatter [tilespmem:s8], [sflag:$0x3], $0x4000, $0x38;
	[tilespmem:$0x8400] =	vst v63  }
0x6f: {  	_ =	swait.ge [sflag:s4], $0x4000  }
0x70: {  	[sflag:s4] =	ssyncset.done $0x0  }
0x71: {  	[sflag:s4] =	ssyncadd.s32 $0xFFFFC000  }
0x72: {  	[tilespmem:s8], [sflag:$0x2] =	stream.indirect.gather [hbm4b:s2+s6], $0x80, s18, s6, $0xb8;
	[tilespmem:$0x8400] =	vst v63  }
0x73: {  	_ =	swait.ge [sflag:s9], $0x4000  }
0x74: {  	[sflag:s9] =	ssyncset.done $0x0  }
0x75: {  	[sflag:s9] =	ssyncadd.s32 $0xFFFFC000  }
0x76: {  	[hbm4b:s19+s3] =	stream.linear.scatter [tilespmem:s7], [sflag:$0x3], $0x4000, $0x38;
	[tilespmem:$0x8400] =	vst v63  }
0x77: {  	_ =	swait.ge [sflag:s4], $0x4000  }
0x78: {  	[sflag:s4] =	ssyncset.done $0x0  }
0x79: {  	[sflag:s4] =	ssyncadd.s32 $0xFFFFC000  }
0x7a: {  	[tilespmem:s7], [sflag:$0x1] =	stream.indirect.gather [hbm4b:s2+s6], $0x80, s20, s6, $0xb8;
	[tilespmem:$0x8400] =	vst v63  }
0x7b: {  	_ =	swait.ge [sflag:s12], $0x4000  }
0x7c: {  	[sflag:s12] =	ssyncset.done $0x0  }
0x7d: {  	[sflag:s12] =	ssyncadd.s32 $0xFFFFC000  }
0x7e: {  	[hbm4b:s21+s3] =	stream.linear.scatter [tilespmem:s8], [sflag:$0x3], $0x4000, $0x38;
	[tilespmem:$0x8400] =	vst v63  }
0x7f: {  	_ =	swait.ge [sflag:s4], $0x4000  }
0x80: {  	[sflag:s4] =	ssyncset.done $0x0  }
0x81: {  	[sflag:s4] =	ssyncadd.s32 $0xFFFFC000  }
0x82: {  	[tilespmem:s8], [sflag:$0x2] =	stream.indirect.gather [hbm4b:s2+s6], $0x80, s22, s6, $0xb8;
	[tilespmem:$0x8400] =	vst v63  }
0x83: {  	_ =	swait.ge [sflag:s9], $0x4000  }
0x84: {  	[sflag:s9] =	ssyncset.done $0x0  }
0x85: {  	[sflag:s9] =	ssyncadd.s32 $0xFFFFC000  }
0x86: {  	[hbm4b:s23+s3] =	stream.linear.scatter [tilespmem:s7], [sflag:$0x3], $0x4000, $0x38;
	[tilespmem:$0x8400] =	vst v63  }
0x87: {  	_ =	swait.ge [sflag:s4], $0x4000  }
0x88: {  	[sflag:s4] =	ssyncset.done $0x0  }
0x89: {  	[sflag:s4] =	ssyncadd.s32 $0xFFFFC000  }
0x8a: {  	_ =	swait.ge [sflag:s12], $0x4000  }
.Ltmp1:
0x8b: {  	[sflag:s12] =	ssyncset.done $0x0;
	(pc) =	sbr.rel @p0 .LBB2_1-.Ltmp1, $4  }
0x8c: {  	[sflag:s12] =	ssyncadd.s32 $0xFFFFC000  }
0x8d: {  	[hbm4b:s24+s3] =	stream.linear.scatter [tilespmem:s8], [sflag:$0x3], $0x4000, $0x38;
	[tilespmem:$0x8400] =	vst v63  }
0x8e: {  	_ =	swait.ge [sflag:s4], $0x4000  }
0x8f: {  	[sflag:s4] =	ssyncset.done $0x0  }
.LBB2_2:
0x90: {  	[sflag:s4] =	ssyncadd.s32 $0xFFFFC000  }
0x91: {  	_ =	sfence.sel $0x180000  }
0x92: {  	[bflag:$0x0] =	sbarrier.arrive $0xFFFF  }
0x93: {  	p0 =	sne.s32 s0, $0x0;
	_ =	strace $0x9000004D  }
0x94: {  	s0 =	sadd.s32 @!p0 $0x100000, s1;
	[bflag:$0x2] =	sbarrier.arrive $0xFFFF  }
0x95: {  	[sflag:s0] =	ssyncadd.tile.s32 @!p0 $0x1;
	_ =	shalt  }
.Lfunc_end2:
_tile_overlayer_lowered:
.L_overlay_start_2:
0x96: {  	(tag) =	ssettag $0x2  }
0x97: {  	s0 =	rddreg [dreg:$0x0];
	s2 =	stileid.u32  }
0x98: {  	s1 =	rddreg [dreg:$0x1];
	p0 =	sne.s32 s2, $0x0  }
0x99: {  	s3 =	rddreg [dreg:$0x2];
	[bflag:$0x3] =	sbarrier.arrive $0xFFFF;
	s2 =	simm.s32 @!p0 $0x1C03  }
0x9a: {  	[timem:s3], [sflag:s2] =	dma.local @!p0 [hbm:s0], s1  }
0x9b: {  	s0 =	simm.s32 @!p0 $0x3  }
0x9c: {  	_ =	swait.ge @!p0 [sflag:s0], s1  }
0x9d: {  	s1 =	ssub.s32 @!p0 $0x0, s1;
	[sflag:s0] =	ssyncset.done @!p0 $0x0  }
0x9e: {  	[sflag:s0] =	ssyncadd.s32 @!p0 s1  }
0x9f: {  	[bflag:$0x3] =	sbarrier.arrive $0xFFFF  }
0xa0: {  	_ =	shalt  }

// kernel: kernel.23.cloned.1.call-start
scs
__scs_entry_jumppad:
0x0: {  	(pc) =	sbr.rel $0x88, $3  }
0x1: {  	(tag) =	ssettag $0x0;
	lr =	simm.s32 $0x1  }
0x2: {  	[smem:$0x3F9D] =	sst lr;
	_ =	strace $0xD0000000  }
0x3: {  	_ = 	snop  }
0x4: {  	_ = 	snop  }
0x5: {  	_ = 	snop  }
0x6: {  	_ = 	snop  }
0x7: {  	_ = 	snop  }
__scs_overlays_trampoline_lowered:
0x8: {  	[smem:$0x3FAC] =	sst s0  }
0x9: {  	[smem:$0x3FAD] =	sst s1  }
0xa: {  	[smem:$0x3FAE] =	sst s2  }
0xb: {  	[smem:$0x3FAF] =	sst s3  }
0xc: {  	[smem:$0x3FB0] =	sst s4  }
0xd: {  	[smem:$0x3FB1] =	sst s5  }
0xe: {  	[smem:$0x3FB2] =	sst s6  }
0xf: {  	[smem:$0x3FB3] =	sst s7  }
0x10: {  	[smem:$0x3FB4] =	sst s8  }
0x11: {  	[smem:$0x3FB5] =	sst s9;
	s0 =	simm.s32 @!p0 $0x0  }
0x12: {  	s1 =	sld [smem:$0x3F9B];
	s0 =	simm.s32 @p0 $0x1  }
0x13: {  	[smem:$0x3FB6] =	sst s0;
	s0 =	simm.s32 @!p1 $0x0  }
0x14: {  	s2 =	sld [smem:$0x3F9A];
	s0 =	simm.s32 @p1 $0x1  }
0x15: {  	[smem:$0x3FB7] =	sst s0;
	s0 =	simm.s32 @!p2 $0x0  }
0x16: {  	s3 =	sld [smem:$0x3FDB];
	s0 =	simm.s32 @p2 $0x1  }
0x17: {  	s4 =	simm.s32 $0x1BF5;
	[smem:$0x3FB9] =	sst s0  }
0x18: {  	s0 =	sld [smem:$0x3F9C];
	_ =	swait.ge [sflag:s4], $0x0  }
0x19: {  	s7 =	sld [smem:$0x3F9D]  }
0x1a: {  	s8 =	sadd.s32 $0xFFFFE003, lr  }
0x1b: {  	s9 =	sadd.s32 $0xFFFFFEF7, lr;
	s5 =	simm.s32 $0xFFFFFFFF;
	p2 =	slt.u32 s8, $0xFFFFF086  }
0x1c: {  	p1 =	slt.u32 s9, $0xF7A;
	s5 =	simm.s32 @!p2 $0x0  }
0x1d: {  	s5 =	simm.s32 @p1 $0x1;
	p0 =	seq.s32 s7, s2  }
0x1e: {  	s7 =	smul.u32 @!p0 $0xF7A, s2;
	p2 =	seq.s32 @!p0 s5, $0x0  }
0x1f: {  	s9 =	smul.u32 $0xF7A, s1;
	s8 =	simm.s32 @!p0 $0x1BF5;
	p2 =	por !p2, p0  }
0x20: {  	[sflag:s8] =	ssyncset.s32 @!p0 $0xFFFFF086;
	s6 =	sadd.s32 @!p0 s3, s7;
	s7 =	simm.s32 @!p0 $0x108  }
0x21: {  	s3 =	sadd.s32 s3, s9;
	s6 =	sadd.s32 @!p0 $0x88, s6;
	s7 =	simm.s32 @p2 $0x1082  }
0x22: {  	[simem:s7], [sflag:s8] =	dma.local @!p0 [hbm:s6], $0xF7A  }
0x23: {  	s9 =	sor.u32 $0xD0000000, s2;
	s6 =	simm.s32 $0x108;
	_ =	swait.ge @!p0 [sflag:s8], $0x0  }
0x24: {  	s3 =	sadd.s32 $0x88, s3;
	s6 =	simm.s32 @!p1 $0x1082;
	[sflag:s4] =	ssyncset.s32 $0xFFFFF086  }
0x25: {  	[simem:s6], [sflag:s4] =	dma.local [hbm:s3], $0xF7A  }
0x26: {  	[smem:$0x3F9D] =	sst s1;
	(tag) =	ssettag s2;
	_ =	strace s9  }
0x27: {  	s1 =	sld [smem:$0x3FAD]  }
0x28: {  	s2 =	sld [smem:$0x3FAE]  }
0x29: {  	s4 =	sld [smem:$0x3FB0]  }
0x2a: {  	p0 =	seq.s32 s5, $0x0;
	s5 =	sld [smem:$0x3FB1]  }
0x2b: {  	s6 =	sld [smem:$0x3FB2]  }
0x2c: {  	s7 =	sld [smem:$0x3FB3]  }
0x2d: {  	s3 =	simm.s32 $0x108;
	s8 =	sld [smem:$0x3FB4]  }
0x2e: {  	s3 =	simm.s32 @!p0 $0x1082;
	s9 =	sld [smem:$0x3FB5]  }
0x2f: {  	lr =	sadd.s32 s0, s3;
	s0 =	sld [smem:$0x3FAC]  }
0x30: {  	s3 =	sld [smem:$0x3FAF]  }
0x31: {  	[smem:$0x3FB8] =	sst s10  }
0x32: {  	s10 =	sld [smem:$0x3FB6];
	_ =	sdelay $0x3  }
0x33: {  	p0 =	seq.s32 s10, $0x1;
	s10 =	sld [smem:$0x3FB8];
	_ =	sdelay $0x3  }
0x34: {  	[smem:$0x3FB8] =	sst s10  }
0x35: {  	s10 =	sld [smem:$0x3FB7];
	_ =	sdelay $0x3  }
0x36: {  	p1 =	seq.s32 s10, $0x1;
	s10 =	sld [smem:$0x3FB8];
	_ =	sdelay $0x3  }
0x37: {  	[smem:$0x3FB8] =	sst s10  }
0x38: {  	s10 =	sld [smem:$0x3FB9]  }
0x39: {  	_ = 	snop;
	(pc) =	sbr.ind lr, $3  }
0x3a: {  	_ = 	snop  }
0x3b: {  	_ = 	snop  }
0x3c: {  	p2 =	seq.s32 s10, $0x1;
	s10 =	sld [smem:$0x3FB8]  }
0x3d: {  	_ =	shalt  }
0x3e: {  	_ =	shalt  }
0x3f: {  	_ =	shalt  }
0x40: {  	_ =	shalt  }
0x41: {  	_ =	shalt  }
0x42: {  	_ =	shalt  }
0x43: {  	_ =	shalt  }
0x44: {  	_ =	shalt  }
0x45: {  	_ =	shalt  }
0x46: {  	_ =	shalt  }
0x47: {  	_ =	shalt  }
0x48: {  	_ =	shalt  }
0x49: {  	_ =	shalt  }
0x4a: {  	_ =	shalt  }
0x4b: {  	_ =	shalt  }
0x4c: {  	_ =	shalt  }
0x4d: {  	_ =	shalt  }
0x4e: {  	_ =	shalt  }
0x4f: {  	_ =	shalt  }
0x50: {  	_ =	shalt  }
0x51: {  	_ =	shalt  }
0x52: {  	_ =	shalt  }
0x53: {  	_ =	shalt  }
0x54: {  	_ =	shalt  }
0x55: {  	_ =	shalt  }
0x56: {  	_ =	shalt  }
0x57: {  	_ =	shalt  }
0x58: {  	_ =	shalt  }
0x59: {  	_ =	shalt  }
0x5a: {  	_ =	shalt  }
0x5b: {  	_ =	shalt  }
0x5c: {  	_ =	shalt  }
0x5d: {  	_ =	shalt  }
0x5e: {  	_ =	shalt  }
0x5f: {  	_ =	shalt  }
0x60: {  	_ =	shalt  }
0x61: {  	_ =	shalt  }
0x62: {  	_ =	shalt  }
0x63: {  	_ =	shalt  }
0x64: {  	_ =	shalt  }
0x65: {  	_ =	shalt  }
0x66: {  	_ =	shalt  }
0x67: {  	_ =	shalt  }
0x68: {  	_ =	shalt  }
0x69: {  	_ =	shalt  }
0x6a: {  	_ =	shalt  }
0x6b: {  	_ =	shalt  }
0x6c: {  	_ =	shalt  }
0x6d: {  	_ =	shalt  }
0x6e: {  	_ =	shalt  }
0x6f: {  	_ =	shalt  }
0x70: {  	_ =	shalt  }
0x71: {  	_ =	shalt  }
0x72: {  	_ =	shalt  }
0x73: {  	_ =	shalt  }
0x74: {  	_ =	shalt  }
0x75: {  	_ =	shalt  }
0x76: {  	_ =	shalt  }
0x77: {  	_ =	shalt  }
0x78: {  	_ =	shalt  }
0x79: {  	_ =	shalt  }
0x7a: {  	_ =	shalt  }
0x7b: {  	_ =	shalt  }
0x7c: {  	_ =	shalt  }
0x7d: {  	_ =	shalt  }
0x7e: {  	_ =	shalt  }
0x7f: {  	_ =	shalt  }
0x80: {  	_ =	shalt  }
0x81: {  	_ =	shalt  }
0x82: {  	_ =	shalt  }
0x83: {  	_ =	shalt  }
0x84: {  	_ =	shalt  }
0x85: {  	_ =	shalt  }
0x86: {  	_ =	shalt  }
0x87: {  	_ =	shalt  }
.Lfunc_end0:
.L_simem_size_0:
called_computation.3_lowered:
.L_overlay_start_0:
0x88: {  	s2 =	sld [smem:$0x3FD9]  }
0x89: {  	s3 =	sld [smem:$0x3FFE];
	_ =	sdelay $0x1  }
0x8a: {  	s1 =	srdreg.scid  }
0x8b: {  	s0 =	sand.u32 $0x1, s1  }
0x8c: {  	s17 =	sshll.u32 s0, $0xA;
	s2 =	sadd.s32 s3, s2  }
0x8d: {  	s2 =	sadd.s32 s2, s17  }
0x8e: {  	[smem:$0x3FC4] =	sst s2  }
0x8f: {  	_ = 	snop  }
0x90: {  	s18 =	sld [smem:$0x3FC8];
	(tm) =	ssettm $0x1  }
0x91: {  	s19 =	sld [smem:$0x3FFB];
	_ =	sdelay $0x3  }
0x92: {  	_ =	strace s19  }
0x93: {  	s2 =	sld [smem:$0x3FFC];
	_ =	sdelay $0x3  }
0x94: {  	_ =	strace s2  }
0x95: {  	s2 =	sld [smem:$0x3FFD];
	_ =	sdelay $0x3  }
0x96: {  	_ =	strace s2  }
0x97: {  	_ =	strace $0x8FFFFFFF  }
0x98: {  	s20 =	sld [smem:$0x3FDB];
	_ =	sdelay $0x1  }
0x99: {  	s4 =	simm.s32 $_scs_section_size  }
0x9a: {  	s5 =	simm.s32 $_size__tile_overlayer_lowered;
	s6 =	simm.s32 $_tile_overlayer_lowered  }
0x9b: {  	s7 =	simm.s32 $0x1BFF;
	s21 =	sshll.u32 s6, $0x1;
	s4 =	sadd.s32 s4, s20  }
0x9c: {  	s22 =	simm.s32 $0x0;
	s5 =	sshll.u32 s5, $0x1;
	s6 =	sadd.s32 s21, s4  }
0x9d: {  	[timem:s22], [sflag:s7] =	dma.local [hbm:s6], s5  }
0x9e: {  	_ =	swait.ge [sflag:s7], s5  }
0x9f: {  	s5 =	ssub.s32 $0x0, s5;
	[sflag:s7] =	ssyncset.done $0x0  }
0xa0: {  	[sflag:s7] =	ssyncadd.s32 s5;
	_ =	sdelay $0x1  }
0xa1: {  	s23 =	simm.s32 $0x1B8B  }
0xa2: {  	_ =	swait.ge [sflag:s23], $0x1  }
0xa3: {  	[sflag:s23] =	ssyncset.done $0x0  }
0xa4: {  	[sflag:s23] =	ssyncadd.s32 $0xFFFFFFFF  }
0xa5: {  	s5 =	sld [smem:$0x0]  }
0xa6: {  	s6 =	sand.u32 $0xFFFFFFFE, s1  }
0xa7: {  	p0 =	sne.s32 s1, s6  }
0xa8: {  	s6 =	sshll.u32 @p0 s6, $0xE  }
0xa9: {  	s6 =	sadd.s32 @p0 $0x11B8D, s6;
	s7 =	sshll.u32 @p0 s5, $0x11  }
0xaa: {  	s6 =	sor.u32 @p0 s7, s6  }
0xab: {  	[sflag:s6] =	ssyncadd.remote.s32 @p0 $0x1;
	_ =	sdelay $0x1  }
0xac: {  	s6 =	simm.s32 @p0 $0x1B8D  }
0xad: {  	_ =	swait.eq @p0 [sflag:s6], $0x1  }
0xae: {  	[sflag:s6] =	ssyncadd.s32 @p0 $0xFFFFFFFF  }
0xaf: {  	s7 =	sshll.u32 @!p0 s1, $0xE  }
0xb0: {  	s7 =	sor.u32 @!p0 $0x4000, s7;
	s6 =	simm.s32 @!p0 $0x1B8D  }
0xb1: {  	s5 =	sshll.u32 @!p0 s5, $0x11;
	s7 =	sadd.s32 @!p0 $0x11B8D, s7;
	_ =	swait.eq @!p0 [sflag:s6], $0x1  }
0xb2: {  	s5 =	sor.u32 @!p0 s5, s7;
	[sflag:s6] =	ssyncadd.s32 @!p0 $0xFFFFFFFF  }
0xb3: {  	s25 =	simm.s32 $0x1B8E;
	s24 =	sld [smem:$0x3FFE];
	[sflag:s5] =	ssyncadd.remote.s32 @!p0 $0x1  }
0xb4: {  	s26 =	simm.s32 $execute0_lowered;
	[smem:$0x3FD2] =	sst s25  }
0xb5: {  	s6 =	sshll.u32 s26, $0x1;
	_ =	strace $0x8000004F;
	[dreg:$0x1] =	wrdreg $0xFFFFFFFF  }
0xb6: {  	s28 =	simm.s32 $_size_execute0_lowered;
	s4 =	sadd.s32 s4, s6;
	[dreg:$0x0] =	wrdreg $0x0  }
0xb7: {  	s6 =	sshll.u32 s28, $0x1;
	[dreg:$0x2] =	wrdreg s4  }
0xb8: {  	[dreg:$0x3] =	wrdreg s6  }
0xb9: {  	[dreg:$0x4] =	wrdreg $0xC0  }
0xba: {  	_ =	task [dreg:s22], $0x5FFFF  }
0xbb: {  	[dreg:$0x1] =	wrdreg $0xFFFFFFFF  }
0xbc: {  	[dreg:$0x0] =	wrdreg $0x60  }
0xbd: {  	[dreg:$0x2] =	wrdreg s24  }
0xbe: {  	[dreg:$0x3] =	wrdreg s18  }
0xbf: {  	[dreg:$0x4] =	wrdreg $0xC  }
0xc0: {  	_ =	task.clear_ibuf [dreg:s22], $0x5FFFF;
	_ =	strace $0x9000004F  }
0xc1: {  	s29 =	simm.s32 $0xC;
	_ =	strace $0x80000051  }
0xc2: {  	_ =	swait.ge [sflag:s29], $0x1  }
0xc3: {  	[sflag:s29] =	ssyncadd.s32 $0xFFFFFFFF  }
0xc4: {  	_ =	strace $0x90000051  }
0xc5: {  	_ =	sfence  }
0xc6: {  	s30 =	sld [smem:$0x0];
	_ =	sdelay $0x2  }
0xc7: {  	s31 =	sshll.u32 s1, $0xD;
	s1 =	sshrl.u32 s1, $0x2  }
0xc8: {  	s4 =	sand.u32 $0x4000, s31;
	s1 =	sadd.s32 s1, s30  }
0xc9: {  	s0 =	sor.u32 s4, s0;
	s1 =	sshll.u32 s1, $0x11  }
0xca: {  	s0 =	sor.u32 s1, s0  }
0xcb: {  	s0 =	sadd.s32 $0x8F2B, s0  }
0xcc: {  	[sflag:s0] =	ssyncadd.remote.s32 $0x1  }
0xcd: {  	_ =	sfence.sel $0xFFFF  }
0xce: {  	[dreg:$0x0] =	wrdreg $0xFFFFFFFF;
	(pc) =	sbr.abs _section_cstart, $3  }
0xcf: {  	[dreg:$0x1] =	wrdreg $0xFFFFFFFF  }
0xd0: {  	_ =	task.clear_ibuf [dreg:s22], $0x2FFFF;
	_ =	strace $0x9FFFFFFF  }
0xd1: {  	(tm) =	ssettm $0x7FFFFFFF  }
tec
execute0_lowered:
.L_overlay_start_1:
0x0: {  	(tag) =	ssettag $0x1  }
0x1: {  	s1 =	srdreg.scid;
	s0 =	stileid.u32  }
0x2: {  	s1 =	sand.u32 $0x1, s1;
	s2 =	sshll.u32 s0, $0x1  }
0x3: {  	s7 =	sor.u32 s1, s2  }
0x4: {  	s5 =	smul.u32 $0x600, s7  }
0x5: {  	s4 =	rddreg [dreg:$0x0];
	s6 =	smul.u32 $0x6000, s7  }
0x6: {  	s3 =	simm.s32 $0x0;
	s9 =	sadd.s32 $0xC8800, s4  }
0x7: {  	[smem:$0x7FF] =	sst s3;
	s5 =	sshrl.u32 s5, $0x3;
	s31 =	sadd.s32 s9, s6  }
0x8: {  	s2 =	rddreg [dreg:$0x1];
	s5 =	sadd.s32 s4, s5;
	s26 =	sadd.s32 $0x800, s31  }
0x9: {  	_ =	strace $0x80000050;
	s5 =	sadd.s32 $0x4000, s5;
	[dreg:$0x4] =	wrdreg s26  }
0xa: {  	[dreg:$0x3] =	wrdreg s5  }
0xb: {  	s4 =	simm.s32 $0x3;
	s5 =	rddreg [dreg:$0x3]  }
0xc: {  	[tilespmem:s3], [sflag:$0x3] =	stream.linear.gather [hbm4b:s5+s3], $0x600, $0x38;
	[tilespmem:$0x8600] =	vst v63  }
0xd: {  	_ =	swait.ge [sflag:s4], $0x600  }
0xe: {  	[sflag:s4] =	ssyncset.done $0x0  }
0xf: {  	s6 =	simm.s32 $0x600;
	s5 =	simm.s32 $0x80;
	[sflag:s4] =	ssyncadd.s32 $0xFFFFFA00  }
0x10: {  	[tilespmem:s6], [sflag:$0x1] =	stream.indirect.gather [hbm4b:s2+s5], $0x80, s3, s5, $0xb8;
	[tilespmem:$0x8600] =	vst v63  }
0x11: {  	s8 =	simm.s32 $0x1;
	s10 =	smul.u32 $0x30000, s7;
	s7 =	simm.s32 $0x4600  }
0x12: {  	[tilespmem:s7], [sflag:$0x2] =	stream.indirect.gather [hbm4b:s2+s5], $0x80, s5, s5, $0xb8;
	[tilespmem:$0x8600] =	vst v63  }
0x13: {  	_ =	swait.ge [sflag:s8], $0x4000  }
0x14: {  	s10 =	sshrl.u32 s10, $0x3;
	[sflag:s8] =	ssyncset.done $0x0  }
0x15: {  	s9 =	sadd.s32 s9, s10;
	[sflag:s8] =	ssyncadd.s32 $0xFFFFC000  }
0x16: {  	[hbm4b:s9+s3] =	stream.linear.scatter [tilespmem:s6], [sflag:$0x3], $0x4000, $0x38;
	[tilespmem:$0x8600] =	vst v63  }
0x17: {  	_ =	swait.ge [sflag:s4], $0x4000  }
0x18: {  	[sflag:s4] =	ssyncset.done $0x0  }
0x19: {  	s11 =	simm.s32 $0x2;
	s10 =	simm.s32 $0x100;
	[sflag:s4] =	ssyncadd.s32 $0xFFFFC000  }
0x1a: {  	[tilespmem:s6], [sflag:$0x1] =	stream.indirect.gather [hbm4b:s2+s5], $0x80, s10, s5, $0xb8;
	[tilespmem:$0x8600] =	vst v63  }
0x1b: {  	_ =	swait.ge [sflag:s11], $0x4000  }
0x1c: {  	[sflag:s11] =	ssyncset.done $0x0  }
0x1d: {  	s12 =	rddreg [dreg:$0x4];
	[sflag:s11] =	ssyncadd.s32 $0xFFFFC000  }
0x1e: {  	[hbm4b:s12+s3] =	stream.linear.scatter [tilespmem:s7], [sflag:$0x3], $0x4000, $0x38;
	[tilespmem:$0x8600] =	vst v63  }
0x1f: {  	_ =	swait.ge [sflag:s4], $0x4000  }
0x20: {  	[sflag:s4] =	ssyncset.done $0x0  }
0x21: {  	s12 =	simm.s32 $0x180;
	[sflag:s4] =	ssyncadd.s32 $0xFFFFC000  }
0x22: {  	[tilespmem:s7], [sflag:$0x2] =	stream.indirect.gather [hbm4b:s2+s5], $0x80, s12, s5, $0xb8;
	[tilespmem:$0x8600] =	vst v63  }
0x23: {  	_ =	swait.ge [sflag:s8], $0x4000  }
0x24: {  	[sflag:s8] =	ssyncset.done $0x0  }
0x25: {  	s13 =	sadd.s32 $0x1000, s9;
	[sflag:s8] =	ssyncadd.s32 $0xFFFFC000  }
0x26: {  	[hbm4b:s13+s3] =	stream.linear.scatter [tilespmem:s6], [sflag:$0x3], $0x4000, $0x38;
	[tilespmem:$0x8600] =	vst v63  }
0x27: {  	_ =	swait.ge [sflag:s4], $0x4000  }
0x28: {  	[sflag:s4] =	ssyncset.done $0x0  }
0x29: {  	s14 =	simm.s32 $0x200;
	[sflag:s4] =	ssyncadd.s32 $0xFFFFC000  }
0x2a: {  	[tilespmem:s6], [sflag:$0x1] =	stream.indirect.gather [hbm4b:s2+s5], $0x80, s14, s5, $0xb8;
	[tilespmem:$0x8600] =	vst v63  }
0x2b: {  	_ =	swait.ge [sflag:s11], $0x4000  }
0x2c: {  	[sflag:s11] =	ssyncset.done $0x0  }
0x2d: {  	s15 =	sadd.s32 $0x1800, s31;
	[sflag:s11] =	ssyncadd.s32 $0xFFFFC000  }
0x2e: {  	[hbm4b:s15+s3] =	stream.linear.scatter [tilespmem:s7], [sflag:$0x3], $0x4000, $0x38;
	[tilespmem:$0x8600] =	vst v63  }
0x2f: {  	_ =	swait.ge [sflag:s4], $0x4000  }
0x30: {  	[sflag:s4] =	ssyncset.done $0x0  }
0x31: {  	s16 =	simm.s32 $0x280;
	[sflag:s4] =	ssyncadd.s32 $0xFFFFC000  }
0x32: {  	[tilespmem:s7], [sflag:$0x2] =	stream.indirect.gather [hbm4b:s2+s5], $0x80, s16, s5, $0xb8;
	[tilespmem:$0x8600] =	vst v63  }
0x33: {  	_ =	swait.ge [sflag:s8], $0x4000  }
0x34: {  	[sflag:s8] =	ssyncset.done $0x0  }
0x35: {  	s17 =	sadd.s32 $0x2000, s9;
	[sflag:s8] =	ssyncadd.s32 $0xFFFFC000  }
0x36: {  	[hbm4b:s17+s3] =	stream.linear.scatter [tilespmem:s6], [sflag:$0x3], $0x4000, $0x38;
	[tilespmem:$0x8600] =	vst v63  }
0x37: {  	_ =	swait.ge [sflag:s4], $0x4000  }
0x38: {  	[sflag:s4] =	ssyncset.done $0x0  }
0x39: {  	s18 =	simm.s32 $0x300;
	[sflag:s4] =	ssyncadd.s32 $0xFFFFC000  }
0x3a: {  	[tilespmem:s6], [sflag:$0x1] =	stream.indirect.gather [hbm4b:s2+s5], $0x80, s18, s5, $0xb8;
	[tilespmem:$0x8600] =	vst v63  }
0x3b: {  	_ =	swait.ge [sflag:s11], $0x4000  }
0x3c: {  	[sflag:s11] =	ssyncset.done $0x0  }
0x3d: {  	s19 =	sadd.s32 $0x2800, s31;
	[sflag:s11] =	ssyncadd.s32 $0xFFFFC000  }
0x3e: {  	[hbm4b:s19+s3] =	stream.linear.scatter [tilespmem:s7], [sflag:$0x3], $0x4000, $0x38;
	[tilespmem:$0x8600] =	vst v63  }
0x3f: {  	_ =	swait.ge [sflag:s4], $0x4000  }
0x40: {  	[sflag:s4] =	ssyncset.done $0x0  }
0x41: {  	s20 =	simm.s32 $0x380;
	[sflag:s4] =	ssyncadd.s32 $0xFFFFC000  }
0x42: {  	[tilespmem:s7], [sflag:$0x2] =	stream.indirect.gather [hbm4b:s2+s5], $0x80, s20, s5, $0xb8;
	[tilespmem:$0x8600] =	vst v63  }
0x43: {  	_ =	swait.ge [sflag:s8], $0x4000  }
0x44: {  	[sflag:s8] =	ssyncset.done $0x0  }
0x45: {  	s21 =	sadd.s32 $0x3000, s9;
	[sflag:s8] =	ssyncadd.s32 $0xFFFFC000  }
0x46: {  	[hbm4b:s21+s3] =	stream.linear.scatter [tilespmem:s6], [sflag:$0x3], $0x4000, $0x38;
	[tilespmem:$0x8600] =	vst v63  }
0x47: {  	_ =	swait.ge [sflag:s4], $0x4000  }
0x48: {  	[sflag:s4] =	ssyncset.done $0x0  }
0x49: {  	s22 =	simm.s32 $0x400;
	[sflag:s4] =	ssyncadd.s32 $0xFFFFC000  }
0x4a: {  	[tilespmem:s6], [sflag:$0x1] =	stream.indirect.gather [hbm4b:s2+s5], $0x80, s22, s5, $0xb8;
	[tilespmem:$0x8600] =	vst v63  }
0x4b: {  	_ =	swait.ge [sflag:s11], $0x4000  }
0x4c: {  	[sflag:s11] =	ssyncset.done $0x0  }
0x4d: {  	s23 =	sadd.s32 $0x3800, s31;
	[sflag:s11] =	ssyncadd.s32 $0xFFFFC000  }
0x4e: {  	[hbm4b:s23+s3] =	stream.linear.scatter [tilespmem:s7], [sflag:$0x3], $0x4000, $0x38;
	[tilespmem:$0x8600] =	vst v63  }
0x4f: {  	_ =	swait.ge [sflag:s4], $0x4000  }
0x50: {  	[sflag:s4] =	ssyncset.done $0x0  }
0x51: {  	s24 =	simm.s32 $0x480;
	[sflag:s4] =	ssyncadd.s32 $0xFFFFC000  }
0x52: {  	[tilespmem:s7], [sflag:$0x2] =	stream.indirect.gather [hbm4b:s2+s5], $0x80, s24, s5, $0xb8;
	[tilespmem:$0x8600] =	vst v63  }
0x53: {  	_ =	swait.ge [sflag:s8], $0x4000  }
0x54: {  	[sflag:s8] =	ssyncset.done $0x0  }
0x55: {  	s25 =	sadd.s32 $0x4000, s9;
	[sflag:s8] =	ssyncadd.s32 $0xFFFFC000  }
0x56: {  	[hbm4b:s25+s3] =	stream.linear.scatter [tilespmem:s6], [sflag:$0x3], $0x4000, $0x38;
	[tilespmem:$0x8600] =	vst v63  }
0x57: {  	_ =	swait.ge [sflag:s4], $0x4000  }
0x58: {  	[sflag:s4] =	ssyncset.done $0x0  }
0x59: {  	s26 =	simm.s32 $0x500;
	[sflag:s4] =	ssyncadd.s32 $0xFFFFC000  }
0x5a: {  	[tilespmem:s6], [sflag:$0x1] =	stream.indirect.gather [hbm4b:s2+s5], $0x80, s26, s5, $0xb8;
	[tilespmem:$0x8600] =	vst v63  }
0x5b: {  	_ =	swait.ge [sflag:s11], $0x4000  }
0x5c: {  	[sflag:s11] =	ssyncset.done $0x0  }
0x5d: {  	s28 =	sadd.s32 $0x4800, s31;
	[sflag:s11] =	ssyncadd.s32 $0xFFFFC000  }
0x5e: {  	[hbm4b:s28+s3] =	stream.linear.scatter [tilespmem:s7], [sflag:$0x3], $0x4000, $0x38;
	[tilespmem:$0x8600] =	vst v63  }
0x5f: {  	_ =	swait.ge [sflag:s4], $0x4000  }
0x60: {  	[sflag:s4] =	ssyncset.done $0x0  }
0x61: {  	s29 =	simm.s32 $0x580;
	[sflag:s4] =	ssyncadd.s32 $0xFFFFC000  }
0x62: {  	[tilespmem:s7], [sflag:$0x2] =	stream.indirect.gather [hbm4b:s2+s5], $0x80, s29, s5, $0xb8;
	[tilespmem:$0x8600] =	vst v63  }
0x63: {  	_ =	swait.ge [sflag:s8], $0x4000  }
0x64: {  	s1 =	ssub.s32 $0x2, s1;
	[sflag:s8] =	ssyncset.done $0x0  }
0x65: {  	s0 =	sshrl.u32 s1, $0x1;
	s30 =	sadd.s32 $0x5000, s9;
	[sflag:s8] =	ssyncadd.s32 $0xFFFFC000  }
0x66: {  	[hbm4b:s30+s3] =	stream.linear.scatter [tilespmem:s6], [sflag:$0x3], $0x4000, $0x38;
	[tilespmem:$0x8600] =	vst v63  }
0x67: {  	s0 =	ssub.s32 s1, s0;
	_ =	swait.ge [sflag:s4], $0x4000  }
0x68: {  	s0 =	smax.u32 s0, $0x1;
	[sflag:s4] =	ssyncset.done $0x0  }
0x69: {  	p0 =	sne.s32 s0, $0x1;
	[sflag:s4] =	ssyncadd.s32 $0xFFFFC000  }
.Ltmp0:
0x6a: {  	_ =	swait.ge [sflag:s11], $0x4000;
	(pc) =	sbr.rel @!p0 .LBB2_2-.Ltmp0, $4  }
0x6b: {  	[sflag:s11] =	ssyncset.done $0x0  }
0x6c: {  	s31 =	sadd.s32 $0x5800, s31;
	[sflag:s11] =	ssyncadd.s32 $0xFFFFC000  }
0x6d: {  	[hbm4b:s31+s3] =	stream.linear.scatter [tilespmem:s7], [sflag:$0x3], $0x4000, $0x38;
	[tilespmem:$0x8600] =	vst v63  }
0x6e: {  	s1 =	sadd.s32 $0xFFFFFFFF, s0;
	_ =	swait.ge [sflag:s4], $0x4000  }
.LBB2_1:
0x6f: {  	[sflag:s4] =	ssyncset.done $0x0  }
0x70: {  	s0 =	rddreg [dreg:$0x3];
	[sflag:s4] =	ssyncadd.s32 $0xFFFFC000  }
0x71: {  	[tilespmem:s3], [sflag:$0x3] =	stream.linear.gather [hbm4b:s0+s3], $0x600, $0x38;
	[tilespmem:$0x8600] =	vst v63  }
0x72: {  	_ =	swait.ge [sflag:s4], $0x600  }
0x73: {  	[sflag:s4] =	ssyncset.done $0x0  }
0x74: {  	[sflag:s4] =	ssyncadd.s32 $0xFFFFFA00  }
0x75: {  	[tilespmem:s6], [sflag:$0x1] =	stream.indirect.gather [hbm4b:s2+s5], $0x80, s3, s5, $0xb8;
	[tilespmem:$0x8600] =	vst v63  }
0x76: {  	_ = 	snop  }
0x77: {  	[tilespmem:s7], [sflag:$0x2] =	stream.indirect.gather [hbm4b:s2+s5], $0x80, s5, s5, $0xb8;
	[tilespmem:$0x8600] =	vst v63  }
0x78: {  	_ =	swait.ge [sflag:s8], $0x4000  }
0x79: {  	[sflag:s8] =	ssyncset.done $0x0  }
0x7a: {  	[sflag:s8] =	ssyncadd.s32 $0xFFFFC000  }
0x7b: {  	[hbm4b:s9+s3] =	stream.linear.scatter [tilespmem:s6], [sflag:$0x3], $0x4000, $0x38;
	[tilespmem:$0x8600] =	vst v63  }
0x7c: {  	_ =	swait.ge [sflag:s4], $0x4000  }
0x7d: {  	[sflag:s4] =	ssyncset.done $0x0  }
0x7e: {  	[sflag:s4] =	ssyncadd.s32 $0xFFFFC000  }
0x7f: {  	[tilespmem:s6], [sflag:$0x1] =	stream.indirect.gather [hbm4b:s2+s5], $0x80, s10, s5, $0xb8;
	[tilespmem:$0x8600] =	vst v63  }
0x80: {  	_ =	swait.ge [sflag:s11], $0x4000  }
0x81: {  	[sflag:s11] =	ssyncset.done $0x0  }
0x82: {  	s0 =	rddreg [dreg:$0x4];
	[sflag:s11] =	ssyncadd.s32 $0xFFFFC000  }
0x83: {  	[hbm4b:s0+s3] =	stream.linear.scatter [tilespmem:s7], [sflag:$0x3], $0x4000, $0x38;
	[tilespmem:$0x8600] =	vst v63  }
0x84: {  	_ =	swait.ge [sflag:s4], $0x4000  }
0x85: {  	[sflag:s4] =	ssyncset.done $0x0  }
0x86: {  	[sflag:s4] =	ssyncadd.s32 $0xFFFFC000  }
0x87: {  	[tilespmem:s7], [sflag:$0x2] =	stream.indirect.gather [hbm4b:s2+s5], $0x80, s12, s5, $0xb8;
	[tilespmem:$0x8600] =	vst v63  }
0x88: {  	_ =	swait.ge [sflag:s8], $0x4000  }
0x89: {  	[sflag:s8] =	ssyncset.done $0x0  }
0x8a: {  	[sflag:s8] =	ssyncadd.s32 $0xFFFFC000  }
0x8b: {  	[hbm4b:s13+s3] =	stream.linear.scatter [tilespmem:s6], [sflag:$0x3], $0x4000, $0x38;
	[tilespmem:$0x8600] =	vst v63  }
0x8c: {  	_ =	swait.ge [sflag:s4], $0x4000  }
0x8d: {  	[sflag:s4] =	ssyncset.done $0x0  }
0x8e: {  	[sflag:s4] =	ssyncadd.s32 $0xFFFFC000  }
0x8f: {  	[tilespmem:s6], [sflag:$0x1] =	stream.indirect.gather [hbm4b:s2+s5], $0x80, s14, s5, $0xb8;
	[tilespmem:$0x8600] =	vst v63  }
0x90: {  	_ =	swait.ge [sflag:s11], $0x4000  }
0x91: {  	[sflag:s11] =	ssyncset.done $0x0  }
0x92: {  	[sflag:s11] =	ssyncadd.s32 $0xFFFFC000  }
0x93: {  	[hbm4b:s15+s3] =	stream.linear.scatter [tilespmem:s7], [sflag:$0x3], $0x4000, $0x38;
	[tilespmem:$0x8600] =	vst v63  }
0x94: {  	_ =	swait.ge [sflag:s4], $0x4000  }
0x95: {  	[sflag:s4] =	ssyncset.done $0x0  }
0x96: {  	[sflag:s4] =	ssyncadd.s32 $0xFFFFC000  }
0x97: {  	[tilespmem:s7], [sflag:$0x2] =	stream.indirect.gather [hbm4b:s2+s5], $0x80, s16, s5, $0xb8;
	[tilespmem:$0x8600] =	vst v63  }
0x98: {  	_ =	swait.ge [sflag:s8], $0x4000  }
0x99: {  	[sflag:s8] =	ssyncset.done $0x0  }
0x9a: {  	[sflag:s8] =	ssyncadd.s32 $0xFFFFC000  }
0x9b: {  	[hbm4b:s17+s3] =	stream.linear.scatter [tilespmem:s6], [sflag:$0x3], $0x4000, $0x38;
	[tilespmem:$0x8600] =	vst v63  }
0x9c: {  	_ =	swait.ge [sflag:s4], $0x4000  }
0x9d: {  	[sflag:s4] =	ssyncset.done $0x0  }
0x9e: {  	[sflag:s4] =	ssyncadd.s32 $0xFFFFC000  }
0x9f: {  	[tilespmem:s6], [sflag:$0x1] =	stream.indirect.gather [hbm4b:s2+s5], $0x80, s18, s5, $0xb8;
	[tilespmem:$0x8600] =	vst v63  }
0xa0: {  	_ =	swait.ge [sflag:s11], $0x4000  }
0xa1: {  	[sflag:s11] =	ssyncset.done $0x0  }
0xa2: {  	[sflag:s11] =	ssyncadd.s32 $0xFFFFC000  }
0xa3: {  	[hbm4b:s19+s3] =	stream.linear.scatter [tilespmem:s7], [sflag:$0x3], $0x4000, $0x38;
	[tilespmem:$0x8600] =	vst v63  }
0xa4: {  	_ =	swait.ge [sflag:s4], $0x4000  }
0xa5: {  	[sflag:s4] =	ssyncset.done $0x0  }
0xa6: {  	[sflag:s4] =	ssyncadd.s32 $0xFFFFC000  }
0xa7: {  	[tilespmem:s7], [sflag:$0x2] =	stream.indirect.gather [hbm4b:s2+s5], $0x80, s20, s5, $0xb8;
	[tilespmem:$0x8600] =	vst v63  }
0xa8: {  	_ =	swait.ge [sflag:s8], $0x4000  }
0xa9: {  	[sflag:s8] =	ssyncset.done $0x0  }
0xaa: {  	[sflag:s8] =	ssyncadd.s32 $0xFFFFC000  }
0xab: {  	[hbm4b:s21+s3] =	stream.linear.scatter [tilespmem:s6], [sflag:$0x3], $0x4000, $0x38;
	[tilespmem:$0x8600] =	vst v63  }
0xac: {  	_ =	swait.ge [sflag:s4], $0x4000  }
0xad: {  	[sflag:s4] =	ssyncset.done $0x0  }
0xae: {  	[sflag:s4] =	ssyncadd.s32 $0xFFFFC000  }
0xaf: {  	[tilespmem:s6], [sflag:$0x1] =	stream.indirect.gather [hbm4b:s2+s5], $0x80, s22, s5, $0xb8;
	[tilespmem:$0x8600] =	vst v63  }
0xb0: {  	_ =	swait.ge [sflag:s11], $0x4000  }
0xb1: {  	[sflag:s11] =	ssyncset.done $0x0  }
0xb2: {  	[sflag:s11] =	ssyncadd.s32 $0xFFFFC000  }
0xb3: {  	[hbm4b:s23+s3] =	stream.linear.scatter [tilespmem:s7], [sflag:$0x3], $0x4000, $0x38;
	[tilespmem:$0x8600] =	vst v63  }
0xb4: {  	_ =	swait.ge [sflag:s4], $0x4000  }
0xb5: {  	[sflag:s4] =	ssyncset.done $0x0  }
0xb6: {  	[sflag:s4] =	ssyncadd.s32 $0xFFFFC000  }
0xb7: {  	[tilespmem:s7], [sflag:$0x2] =	stream.indirect.gather [hbm4b:s2+s5], $0x80, s24, s5, $0xb8;
	[tilespmem:$0x8600] =	vst v63  }
0xb8: {  	_ =	swait.ge [sflag:s8], $0x4000  }
0xb9: {  	[sflag:s8] =	ssyncset.done $0x0  }
0xba: {  	[sflag:s8] =	ssyncadd.s32 $0xFFFFC000  }
0xbb: {  	[hbm4b:s25+s3] =	stream.linear.scatter [tilespmem:s6], [sflag:$0x3], $0x4000, $0x38;
	[tilespmem:$0x8600] =	vst v63  }
0xbc: {  	_ =	swait.ge [sflag:s4], $0x4000  }
0xbd: {  	[sflag:s4] =	ssyncset.done $0x0  }
0xbe: {  	[sflag:s4] =	ssyncadd.s32 $0xFFFFC000  }
0xbf: {  	[tilespmem:s6], [sflag:$0x1] =	stream.indirect.gather [hbm4b:s2+s5], $0x80, s26, s5, $0xb8;
	[tilespmem:$0x8600] =	vst v63  }
0xc0: {  	_ =	swait.ge [sflag:s11], $0x4000  }
0xc1: {  	[sflag:s11] =	ssyncset.done $0x0  }
0xc2: {  	[sflag:s11] =	ssyncadd.s32 $0xFFFFC000  }
0xc3: {  	[hbm4b:s28+s3] =	stream.linear.scatter [tilespmem:s7], [sflag:$0x3], $0x4000, $0x38;
	[tilespmem:$0x8600] =	vst v63  }
0xc4: {  	_ =	swait.ge [sflag:s4], $0x4000  }
0xc5: {  	[sflag:s4] =	ssyncset.done $0x0  }
0xc6: {  	[sflag:s4] =	ssyncadd.s32 $0xFFFFC000  }
0xc7: {  	[tilespmem:s7], [sflag:$0x2] =	stream.indirect.gather [hbm4b:s2+s5], $0x80, s29, s5, $0xb8;
	[tilespmem:$0x8600] =	vst v63  }
0xc8: {  	_ =	swait.ge [sflag:s8], $0x4000  }
0xc9: {  	[sflag:s8] =	ssyncset.done $0x0  }
0xca: {  	[sflag:s8] =	ssyncadd.s32 $0xFFFFC000  }
0xcb: {  	[hbm4b:s30+s3] =	stream.linear.scatter [tilespmem:s6], [sflag:$0x3], $0x4000, $0x38;
	[tilespmem:$0x8600] =	vst v63  }
0xcc: {  	_ =	swait.ge [sflag:s4], $0x4000  }
0xcd: {  	[sflag:s4] =	ssyncset.done $0x0  }
0xce: {  	p0 =	sne.s32 s1, $0x1;
	[sflag:s4] =	ssyncadd.s32 $0xFFFFC000  }
.Ltmp1:
0xcf: {  	_ =	swait.ge [sflag:s11], $0x4000;
	(pc) =	sbr.rel @p0 .LBB2_1-.Ltmp1, $4  }
0xd0: {  	[sflag:s11] =	ssyncset.done $0x0  }
0xd1: {  	[sflag:s11] =	ssyncadd.s32 $0xFFFFC000  }
0xd2: {  	[hbm4b:s31+s3] =	stream.linear.scatter [tilespmem:s7], [sflag:$0x3], $0x4000, $0x38;
	[tilespmem:$0x8600] =	vst v63  }
0xd3: {  	s1 =	sadd.s32 $0xFFFFFFFF, s1;
	_ =	swait.ge [sflag:s4], $0x4000  }
.LBB2_2:
0xd4: {  	[sflag:s4] =	ssyncset.done $0x0  }
0xd5: {  	[sflag:s4] =	ssyncadd.s32 $0xFFFFC000  }
0xd6: {  	_ =	sfence.sel $0x180000  }
0xd7: {  	[bflag:$0x0] =	sbarrier.arrive $0xFFFF  }
0xd8: {  	_ =	strace $0x90000050  }
0xd9: {  	s0 =	stileid.u32;
	[bflag:$0x2] =	sbarrier.arrive $0xFFFF  }
0xda: {  	p0 =	sne.s32 s0, $0x0;
	s0 =	rddreg [dreg:$0x2]  }
0xdb: {  	s0 =	sadd.s32 @!p0 $0x100000, s0  }
0xdc: {  	[sflag:s0] =	ssyncadd.tile.s32 @!p0 $0x1;
	_ =	shalt  }
.Lfunc_end2:
_tile_overlayer_lowered:
.L_overlay_start_2:
0xdd: {  	(tag) =	ssettag $0x2  }
0xde: {  	s0 =	rddreg [dreg:$0x0];
	s2 =	stileid.u32  }
0xdf: {  	s1 =	rddreg [dreg:$0x1];
	p0 =	sne.s32 s2, $0x0  }
0xe0: {  	s3 =	rddreg [dreg:$0x2];
	[bflag:$0x3] =	sbarrier.arrive $0xFFFF;
	s2 =	simm.s32 @!p0 $0x1C03  }
0xe1: {  	[timem:s3], [sflag:s2] =	dma.local @!p0 [hbm:s0], s1  }
0xe2: {  	s0 =	simm.s32 @!p0 $0x3  }
0xe3: {  	_ =	swait.ge @!p0 [sflag:s0], s1  }
0xe4: {  	s1 =	ssub.s32 @!p0 $0x0, s1;
	[sflag:s0] =	ssyncset.done @!p0 $0x0  }
0xe5: {  	[sflag:s0] =	ssyncadd.s32 @!p0 s1  }
0xe6: {  	[bflag:$0x3] =	sbarrier.arrive $0xFFFF  }
0xe7: {  	_ =	shalt  }

// kernel: kernel.26.cloned.1.call-start
scs
__scs_entry_jumppad:
0x0: {  	(pc) =	sbr.rel $0x88, $3  }
0x1: {  	(tag) =	ssettag $0x0;
	lr =	simm.s32 $0x1  }
0x2: {  	[smem:$0x3F9D] =	sst lr;
	_ =	strace $0xD0000000  }
0x3: {  	_ = 	snop  }
0x4: {  	_ = 	snop  }
0x5: {  	_ = 	snop  }
0x6: {  	_ = 	snop  }
0x7: {  	_ = 	snop  }
__scs_overlays_trampoline_lowered:
0x8: {  	[smem:$0x3FAC] =	sst s0  }
0x9: {  	[smem:$0x3FAD] =	sst s1  }
0xa: {  	[smem:$0x3FAE] =	sst s2  }
0xb: {  	[smem:$0x3FAF] =	sst s3  }
0xc: {  	[smem:$0x3FB0] =	sst s4  }
0xd: {  	[smem:$0x3FB1] =	sst s5  }
0xe: {  	[smem:$0x3FB2] =	sst s6  }
0xf: {  	[smem:$0x3FB3] =	sst s7  }
0x10: {  	[smem:$0x3FB4] =	sst s8  }
0x11: {  	[smem:$0x3FB5] =	sst s9;
	s0 =	simm.s32 @!p0 $0x0  }
0x12: {  	s1 =	sld [smem:$0x3F9B];
	s0 =	simm.s32 @p0 $0x1  }
0x13: {  	[smem:$0x3FB6] =	sst s0;
	s0 =	simm.s32 @!p1 $0x0  }
0x14: {  	s2 =	sld [smem:$0x3F9A];
	s0 =	simm.s32 @p1 $0x1  }
0x15: {  	[smem:$0x3FB7] =	sst s0;
	s0 =	simm.s32 @!p2 $0x0  }
0x16: {  	s3 =	sld [smem:$0x3FDB];
	s0 =	simm.s32 @p2 $0x1  }
0x17: {  	s4 =	simm.s32 $0x1BF5;
	[smem:$0x3FB9] =	sst s0  }
0x18: {  	s0 =	sld [smem:$0x3F9C];
	_ =	swait.ge [sflag:s4], $0x0  }
0x19: {  	s7 =	sld [smem:$0x3F9D]  }
0x1a: {  	s8 =	sadd.s32 $0xFFFFE003, lr  }
0x1b: {  	s9 =	sadd.s32 $0xFFFFFEF7, lr;
	s5 =	simm.s32 $0xFFFFFFFF;
	p2 =	slt.u32 s8, $0xFFFFF086  }
0x1c: {  	p1 =	slt.u32 s9, $0xF7A;
	s5 =	simm.s32 @!p2 $0x0  }
0x1d: {  	s5 =	simm.s32 @p1 $0x1;
	p0 =	seq.s32 s7, s2  }
0x1e: {  	s7 =	smul.u32 @!p0 $0xF7A, s2;
	p2 =	seq.s32 @!p0 s5, $0x0  }
0x1f: {  	s9 =	smul.u32 $0xF7A, s1;
	s8 =	simm.s32 @!p0 $0x1BF5;
	p2 =	por !p2, p0  }
0x20: {  	[sflag:s8] =	ssyncset.s32 @!p0 $0xFFFFF086;
	s6 =	sadd.s32 @!p0 s3, s7;
	s7 =	simm.s32 @!p0 $0x108  }
0x21: {  	s3 =	sadd.s32 s3, s9;
	s6 =	sadd.s32 @!p0 $0x88, s6;
	s7 =	simm.s32 @p2 $0x1082  }
0x22: {  	[simem:s7], [sflag:s8] =	dma.local @!p0 [hbm:s6], $0xF7A  }
0x23: {  	s9 =	sor.u32 $0xD0000000, s2;
	s6 =	simm.s32 $0x108;
	_ =	swait.ge @!p0 [sflag:s8], $0x0  }
0x24: {  	s3 =	sadd.s32 $0x88, s3;
	s6 =	simm.s32 @!p1 $0x1082;
	[sflag:s4] =	ssyncset.s32 $0xFFFFF086  }
0x25: {  	[simem:s6], [sflag:s4] =	dma.local [hbm:s3], $0xF7A  }
0x26: {  	[smem:$0x3F9D] =	sst s1;
	(tag) =	ssettag s2;
	_ =	strace s9  }
0x27: {  	s1 =	sld [smem:$0x3FAD]  }
0x28: {  	s2 =	sld [smem:$0x3FAE]  }
0x29: {  	s4 =	sld [smem:$0x3FB0]  }
0x2a: {  	p0 =	seq.s32 s5, $0x0;
	s5 =	sld [smem:$0x3FB1]  }
0x2b: {  	s6 =	sld [smem:$0x3FB2]  }
0x2c: {  	s7 =	sld [smem:$0x3FB3]  }
0x2d: {  	s3 =	simm.s32 $0x108;
	s8 =	sld [smem:$0x3FB4]  }
0x2e: {  	s3 =	simm.s32 @!p0 $0x1082;
	s9 =	sld [smem:$0x3FB5]  }
0x2f: {  	lr =	sadd.s32 s0, s3;
	s0 =	sld [smem:$0x3FAC]  }
0x30: {  	s3 =	sld [smem:$0x3FAF]  }
0x31: {  	[smem:$0x3FB8] =	sst s10  }
0x32: {  	s10 =	sld [smem:$0x3FB6];
	_ =	sdelay $0x3  }
0x33: {  	p0 =	seq.s32 s10, $0x1;
	s10 =	sld [smem:$0x3FB8];
	_ =	sdelay $0x3  }
0x34: {  	[smem:$0x3FB8] =	sst s10  }
0x35: {  	s10 =	sld [smem:$0x3FB7];
	_ =	sdelay $0x3  }
0x36: {  	p1 =	seq.s32 s10, $0x1;
	s10 =	sld [smem:$0x3FB8];
	_ =	sdelay $0x3  }
0x37: {  	[smem:$0x3FB8] =	sst s10  }
0x38: {  	s10 =	sld [smem:$0x3FB9]  }
0x39: {  	_ = 	snop;
	(pc) =	sbr.ind lr, $3  }
0x3a: {  	_ = 	snop  }
0x3b: {  	_ = 	snop  }
0x3c: {  	p2 =	seq.s32 s10, $0x1;
	s10 =	sld [smem:$0x3FB8]  }
0x3d: {  	_ =	shalt  }
0x3e: {  	_ =	shalt  }
0x3f: {  	_ =	shalt  }
0x40: {  	_ =	shalt  }
0x41: {  	_ =	shalt  }
0x42: {  	_ =	shalt  }
0x43: {  	_ =	shalt  }
0x44: {  	_ =	shalt  }
0x45: {  	_ =	shalt  }
0x46: {  	_ =	shalt  }
0x47: {  	_ =	shalt  }
0x48: {  	_ =	shalt  }
0x49: {  	_ =	shalt  }
0x4a: {  	_ =	shalt  }
0x4b: {  	_ =	shalt  }
0x4c: {  	_ =	shalt  }
0x4d: {  	_ =	shalt  }
0x4e: {  	_ =	shalt  }
0x4f: {  	_ =	shalt  }
0x50: {  	_ =	shalt  }
0x51: {  	_ =	shalt  }
0x52: {  	_ =	shalt  }
0x53: {  	_ =	shalt  }
0x54: {  	_ =	shalt  }
0x55: {  	_ =	shalt  }
0x56: {  	_ =	shalt  }
0x57: {  	_ =	shalt  }
0x58: {  	_ =	shalt  }
0x59: {  	_ =	shalt  }
0x5a: {  	_ =	shalt  }
0x5b: {  	_ =	shalt  }
0x5c: {  	_ =	shalt  }
0x5d: {  	_ =	shalt  }
0x5e: {  	_ =	shalt  }
0x5f: {  	_ =	shalt  }
0x60: {  	_ =	shalt  }
0x61: {  	_ =	shalt  }
0x62: {  	_ =	shalt  }
0x63: {  	_ =	shalt  }
0x64: {  	_ =	shalt  }
0x65: {  	_ =	shalt  }
0x66: {  	_ =	shalt  }
0x67: {  	_ =	shalt  }
0x68: {  	_ =	shalt  }
0x69: {  	_ =	shalt  }
0x6a: {  	_ =	shalt  }
0x6b: {  	_ =	shalt  }
0x6c: {  	_ =	shalt  }
0x6d: {  	_ =	shalt  }
0x6e: {  	_ =	shalt  }
0x6f: {  	_ =	shalt  }
0x70: {  	_ =	shalt  }
0x71: {  	_ =	shalt  }
0x72: {  	_ =	shalt  }
0x73: {  	_ =	shalt  }
0x74: {  	_ =	shalt  }
0x75: {  	_ =	shalt  }
0x76: {  	_ =	shalt  }
0x77: {  	_ =	shalt  }
0x78: {  	_ =	shalt  }
0x79: {  	_ =	shalt  }
0x7a: {  	_ =	shalt  }
0x7b: {  	_ =	shalt  }
0x7c: {  	_ =	shalt  }
0x7d: {  	_ =	shalt  }
0x7e: {  	_ =	shalt  }
0x7f: {  	_ =	shalt  }
0x80: {  	_ =	shalt  }
0x81: {  	_ =	shalt  }
0x82: {  	_ =	shalt  }
0x83: {  	_ =	shalt  }
0x84: {  	_ =	shalt  }
0x85: {  	_ =	shalt  }
0x86: {  	_ =	shalt  }
0x87: {  	_ =	shalt  }
.Lfunc_end0:
.L_simem_size_0:
called_computation.4_lowered:
.L_overlay_start_0:
0x88: {  	s2 =	sld [smem:$0x3FD9]  }
0x89: {  	s3 =	sld [smem:$0x3FFE];
	_ =	sdelay $0x1  }
0x8a: {  	s1 =	srdreg.scid  }
0x8b: {  	s0 =	sand.u32 $0x1, s1  }
0x8c: {  	s17 =	sshll.u32 s0, $0xA;
	s2 =	sadd.s32 s3, s2  }
0x8d: {  	s2 =	sadd.s32 s2, s17  }
0x8e: {  	[smem:$0x3FC4] =	sst s2  }
0x8f: {  	_ = 	snop  }
0x90: {  	s18 =	sld [smem:$0x3FC8];
	(tm) =	ssettm $0x1  }
0x91: {  	s19 =	sld [smem:$0x3FFB];
	_ =	sdelay $0x3  }
0x92: {  	_ =	strace s19  }
0x93: {  	s2 =	sld [smem:$0x3FFC];
	_ =	sdelay $0x3  }
0x94: {  	_ =	strace s2  }
0x95: {  	s2 =	sld [smem:$0x3FFD];
	_ =	sdelay $0x3  }
0x96: {  	_ =	strace s2  }
0x97: {  	_ =	strace $0x8FFFFFFF  }
0x98: {  	s20 =	sld [smem:$0x3FDB];
	_ =	sdelay $0x1  }
0x99: {  	s4 =	simm.s32 $_scs_section_size  }
0x9a: {  	s5 =	simm.s32 $_size__tile_overlayer_lowered;
	s6 =	simm.s32 $_tile_overlayer_lowered  }
0x9b: {  	s7 =	simm.s32 $0x1BFF;
	s21 =	sshll.u32 s6, $0x1;
	s4 =	sadd.s32 s4, s20  }
0x9c: {  	s22 =	simm.s32 $0x0;
	s5 =	sshll.u32 s5, $0x1;
	s6 =	sadd.s32 s21, s4  }
0x9d: {  	[timem:s22], [sflag:s7] =	dma.local [hbm:s6], s5  }
0x9e: {  	_ =	swait.ge [sflag:s7], s5  }
0x9f: {  	s5 =	ssub.s32 $0x0, s5;
	[sflag:s7] =	ssyncset.done $0x0  }
0xa0: {  	[sflag:s7] =	ssyncadd.s32 s5;
	_ =	sdelay $0x1  }
0xa1: {  	s23 =	simm.s32 $0x1B8B  }
0xa2: {  	_ =	swait.ge [sflag:s23], $0x1  }
0xa3: {  	[sflag:s23] =	ssyncset.done $0x0  }
0xa4: {  	[sflag:s23] =	ssyncadd.s32 $0xFFFFFFFF  }
0xa5: {  	s5 =	sld [smem:$0x0]  }
0xa6: {  	s6 =	sand.u32 $0xFFFFFFFE, s1  }
0xa7: {  	p0 =	sne.s32 s1, s6  }
0xa8: {  	s6 =	sshll.u32 @p0 s6, $0xE  }
0xa9: {  	s6 =	sadd.s32 @p0 $0x11B8D, s6;
	s7 =	sshll.u32 @p0 s5, $0x11  }
0xaa: {  	s6 =	sor.u32 @p0 s7, s6  }
0xab: {  	[sflag:s6] =	ssyncadd.remote.s32 @p0 $0x1;
	_ =	sdelay $0x1  }
0xac: {  	s6 =	simm.s32 @p0 $0x1B8D  }
0xad: {  	_ =	swait.eq @p0 [sflag:s6], $0x1  }
0xae: {  	[sflag:s6] =	ssyncadd.s32 @p0 $0xFFFFFFFF  }
0xaf: {  	s7 =	sshll.u32 @!p0 s1, $0xE  }
0xb0: {  	s7 =	sor.u32 @!p0 $0x4000, s7;
	s6 =	simm.s32 @!p0 $0x1B8D  }
0xb1: {  	s5 =	sshll.u32 @!p0 s5, $0x11;
	s7 =	sadd.s32 @!p0 $0x11B8D, s7;
	_ =	swait.eq @!p0 [sflag:s6], $0x1  }
0xb2: {  	s5 =	sor.u32 @!p0 s5, s7;
	[sflag:s6] =	ssyncadd.s32 @!p0 $0xFFFFFFFF  }
0xb3: {  	s25 =	simm.s32 $0x1B8E;
	s24 =	sld [smem:$0x3FFE];
	[sflag:s5] =	ssyncadd.remote.s32 @!p0 $0x1  }
0xb4: {  	s26 =	simm.s32 $execute0_lowered;
	[smem:$0x3FD2] =	sst s25  }
0xb5: {  	s6 =	sshll.u32 s26, $0x1;
	_ =	strace $0x80000052;
	[dreg:$0x1] =	wrdreg $0xFFFFFFFF  }
0xb6: {  	s28 =	simm.s32 $_size_execute0_lowered;
	s4 =	sadd.s32 s4, s6;
	[dreg:$0x0] =	wrdreg $0x0  }
0xb7: {  	s6 =	sshll.u32 s28, $0x1;
	[dreg:$0x2] =	wrdreg s4  }
0xb8: {  	[dreg:$0x3] =	wrdreg s6  }
0xb9: {  	[dreg:$0x4] =	wrdreg $0xC0  }
0xba: {  	_ =	task [dreg:s22], $0x5FFFF  }
0xbb: {  	[dreg:$0x1] =	wrdreg $0xFFFFFFFF  }
0xbc: {  	[dreg:$0x0] =	wrdreg $0x60  }
0xbd: {  	[dreg:$0x2] =	wrdreg s24  }
0xbe: {  	[dreg:$0x3] =	wrdreg s18  }
0xbf: {  	[dreg:$0x4] =	wrdreg $0xD  }
0xc0: {  	_ =	task.clear_ibuf [dreg:s22], $0x5FFFF;
	_ =	strace $0x90000052  }
0xc1: {  	s29 =	simm.s32 $0xD;
	_ =	strace $0x80000054  }
0xc2: {  	_ =	swait.ge [sflag:s29], $0x1  }
0xc3: {  	[sflag:s29] =	ssyncadd.s32 $0xFFFFFFFF  }
0xc4: {  	_ =	strace $0x90000054  }
0xc5: {  	_ =	sfence  }
0xc6: {  	s30 =	sld [smem:$0x0];
	_ =	sdelay $0x2  }
0xc7: {  	s31 =	sshll.u32 s1, $0xD;
	s1 =	sshrl.u32 s1, $0x2  }
0xc8: {  	s4 =	sand.u32 $0x4000, s31;
	s1 =	sadd.s32 s1, s30  }
0xc9: {  	s0 =	sor.u32 s4, s0;
	s1 =	sshll.u32 s1, $0x11  }
0xca: {  	s0 =	sor.u32 s1, s0  }
0xcb: {  	s0 =	sadd.s32 $0x8F2B, s0  }
0xcc: {  	[sflag:s0] =	ssyncadd.remote.s32 $0x1  }
0xcd: {  	_ =	sfence.sel $0xFFFF  }
0xce: {  	[dreg:$0x0] =	wrdreg $0xFFFFFFFF;
	(pc) =	sbr.abs _section_cstart, $3  }
0xcf: {  	[dreg:$0x1] =	wrdreg $0xFFFFFFFF  }
0xd0: {  	_ =	task.clear_ibuf [dreg:s22], $0x2FFFF;
	_ =	strace $0x9FFFFFFF  }
0xd1: {  	(tm) =	ssettm $0x7FFFFFFF  }
tec
execute0_lowered:
.L_overlay_start_1:
0x0: {  	(tag) =	ssettag $0x1  }
0x1: {  	s1 =	srdreg.scid;
	s0 =	stileid.u32  }
0x2: {  	s1 =	sand.u32 $0x1, s1;
	s2 =	sshll.u32 s0, $0x1  }
0x3: {  	s5 =	sor.u32 s1, s2  }
0x4: {  	s6 =	smul.u32 $0x700, s5  }
0x5: {  	s7 =	smul.u32 $0x38000, s5  }
0x6: {  	s4 =	rddreg [dreg:$0x0];
	s5 =	smul.u32 $0x7000, s5  }
0x7: {  	s3 =	simm.s32 $0x0;
	s8 =	sadd.s32 $0x188800, s4  }
0x8: {  	[smem:$0x7FF] =	sst s3;
	s31 =	sadd.s32 s8, s5  }
0x9: {  	s2 =	rddreg [dreg:$0x1];
	_ =	strace $0x80000053;
	s5 =	sadd.s32 $0x800, s31  }
0xa: {  	s6 =	sshrl.u32 s6, $0x3;
	s23 =	sadd.s32 $0x1800, s31;
	[dreg:$0x4] =	wrdreg s5  }
0xb: {  	s4 =	sadd.s32 s4, s6;
	s26 =	sadd.s32 $0x2800, s31;
	[dreg:$0x6] =	wrdreg s23  }
0xc: {  	s21 =	sshrl.u32 s7, $0x3;
	s4 =	sadd.s32 $0x5800, s4;
	[dreg:$0x8] =	wrdreg s26  }
0xd: {  	[dreg:$0x3] =	wrdreg s4;
	s4 =	sadd.s32 s8, s21  }
0xe: {  	s22 =	sadd.s32 $0x1000, s4;
	s25 =	rddreg [dreg:$0x3]  }
0xf: {  	s24 =	sadd.s32 $0x2000, s4;
	[dreg:$0x5] =	wrdreg s22  }
0x10: {  	s5 =	simm.s32 $0x3;
	[dreg:$0x7] =	wrdreg s24  }
0x11: {  	[tilespmem:s3], [sflag:$0x3] =	stream.linear.gather [hbm4b:s25+s3], $0x700, $0x38;
	[tilespmem:$0x8700] =	vst v63  }
0x12: {  	_ =	swait.ge [sflag:s5], $0x700  }
0x13: {  	[sflag:s5] =	ssyncset.done $0x0  }
0x14: {  	s7 =	simm.s32 $0x700;
	s6 =	simm.s32 $0x80;
	[sflag:s5] =	ssyncadd.s32 $0xFFFFF900  }
0x15: {  	[tilespmem:s7], [sflag:$0x1] =	stream.indirect.gather [hbm4b:s2+s6], $0x80, s3, s6, $0xb8;
	[tilespmem:$0x8700] =	vst v63  }
0x16: {  	s9 =	simm.s32 $0x1;
	s8 =	simm.s32 $0x4700  }
0x17: {  	[tilespmem:s8], [sflag:$0x2] =	stream.indirect.gather [hbm4b:s2+s6], $0x80, s6, s6, $0xb8;
	[tilespmem:$0x8700] =	vst v63  }
0x18: {  	_ =	swait.ge [sflag:s9], $0x4000  }
0x19: {  	[sflag:s9] =	ssyncset.done $0x0  }
0x1a: {  	[sflag:s9] =	ssyncadd.s32 $0xFFFFC000  }
0x1b: {  	[hbm4b:s4+s3] =	stream.linear.scatter [tilespmem:s7], [sflag:$0x3], $0x4000, $0x38;
	[tilespmem:$0x8700] =	vst v63  }
0x1c: {  	_ =	swait.ge [sflag:s5], $0x4000  }
0x1d: {  	[sflag:s5] =	ssyncset.done $0x0  }
0x1e: {  	s10 =	simm.s32 $0x100;
	s11 =	simm.s32 $0x2;
	[sflag:s5] =	ssyncadd.s32 $0xFFFFC000  }
0x1f: {  	[tilespmem:s7], [sflag:$0x1] =	stream.indirect.gather [hbm4b:s2+s6], $0x80, s10, s6, $0xb8;
	[tilespmem:$0x8700] =	vst v63  }
0x20: {  	_ =	swait.ge [sflag:s11], $0x4000  }
0x21: {  	[sflag:s11] =	ssyncset.done $0x0  }
0x22: {  	s12 =	rddreg [dreg:$0x4];
	[sflag:s11] =	ssyncadd.s32 $0xFFFFC000  }
0x23: {  	[hbm4b:s12+s3] =	stream.linear.scatter [tilespmem:s8], [sflag:$0x3], $0x4000, $0x38;
	[tilespmem:$0x8700] =	vst v63  }
0x24: {  	_ =	swait.ge [sflag:s5], $0x4000  }
0x25: {  	[sflag:s5] =	ssyncset.done $0x0  }
0x26: {  	s12 =	simm.s32 $0x180;
	[sflag:s5] =	ssyncadd.s32 $0xFFFFC000  }
0x27: {  	[tilespmem:s8], [sflag:$0x2] =	stream.indirect.gather [hbm4b:s2+s6], $0x80, s12, s6, $0xb8;
	[tilespmem:$0x8700] =	vst v63  }
0x28: {  	_ =	swait.ge [sflag:s9], $0x4000  }
0x29: {  	[sflag:s9] =	ssyncset.done $0x0  }
0x2a: {  	s13 =	rddreg [dreg:$0x5];
	[sflag:s9] =	ssyncadd.s32 $0xFFFFC000  }
0x2b: {  	[hbm4b:s13+s3] =	stream.linear.scatter [tilespmem:s7], [sflag:$0x3], $0x4000, $0x38;
	[tilespmem:$0x8700] =	vst v63  }
0x2c: {  	_ =	swait.ge [sflag:s5], $0x4000  }
0x2d: {  	[sflag:s5] =	ssyncset.done $0x0  }
0x2e: {  	s13 =	simm.s32 $0x200;
	[sflag:s5] =	ssyncadd.s32 $0xFFFFC000  }
0x2f: {  	[tilespmem:s7], [sflag:$0x1] =	stream.indirect.gather [hbm4b:s2+s6], $0x80, s13, s6, $0xb8;
	[tilespmem:$0x8700] =	vst v63  }
0x30: {  	_ =	swait.ge [sflag:s11], $0x4000  }
0x31: {  	[sflag:s11] =	ssyncset.done $0x0  }
0x32: {  	s14 =	rddreg [dreg:$0x6];
	[sflag:s11] =	ssyncadd.s32 $0xFFFFC000  }
0x33: {  	[hbm4b:s14+s3] =	stream.linear.scatter [tilespmem:s8], [sflag:$0x3], $0x4000, $0x38;
	[tilespmem:$0x8700] =	vst v63  }
0x34: {  	_ =	swait.ge [sflag:s5], $0x4000  }
0x35: {  	[sflag:s5] =	ssyncset.done $0x0  }
0x36: {  	s14 =	simm.s32 $0x280;
	[sflag:s5] =	ssyncadd.s32 $0xFFFFC000  }
0x37: {  	[tilespmem:s8], [sflag:$0x2] =	stream.indirect.gather [hbm4b:s2+s6], $0x80, s14, s6, $0xb8;
	[tilespmem:$0x8700] =	vst v63  }
0x38: {  	_ =	swait.ge [sflag:s9], $0x4000  }
0x39: {  	[sflag:s9] =	ssyncset.done $0x0  }
0x3a: {  	s15 =	rddreg [dreg:$0x7];
	[sflag:s9] =	ssyncadd.s32 $0xFFFFC000  }
0x3b: {  	[hbm4b:s15+s3] =	stream.linear.scatter [tilespmem:s7], [sflag:$0x3], $0x4000, $0x38;
	[tilespmem:$0x8700] =	vst v63  }
0x3c: {  	_ =	swait.ge [sflag:s5], $0x4000  }
0x3d: {  	[sflag:s5] =	ssyncset.done $0x0  }
0x3e: {  	s15 =	simm.s32 $0x300;
	[sflag:s5] =	ssyncadd.s32 $0xFFFFC000  }
0x3f: {  	[tilespmem:s7], [sflag:$0x1] =	stream.indirect.gather [hbm4b:s2+s6], $0x80, s15, s6, $0xb8;
	[tilespmem:$0x8700] =	vst v63  }
0x40: {  	_ =	swait.ge [sflag:s11], $0x4000  }
0x41: {  	[sflag:s11] =	ssyncset.done $0x0  }
0x42: {  	s16 =	rddreg [dreg:$0x8];
	[sflag:s11] =	ssyncadd.s32 $0xFFFFC000  }
0x43: {  	[hbm4b:s16+s3] =	stream.linear.scatter [tilespmem:s8], [sflag:$0x3], $0x4000, $0x38;
	[tilespmem:$0x8700] =	vst v63  }
0x44: {  	_ =	swait.ge [sflag:s5], $0x4000  }
0x45: {  	[sflag:s5] =	ssyncset.done $0x0  }
0x46: {  	s16 =	simm.s32 $0x380;
	[sflag:s5] =	ssyncadd.s32 $0xFFFFC000  }
0x47: {  	[tilespmem:s8], [sflag:$0x2] =	stream.indirect.gather [hbm4b:s2+s6], $0x80, s16, s6, $0xb8;
	[tilespmem:$0x8700] =	vst v63  }
0x48: {  	_ =	swait.ge [sflag:s9], $0x4000  }
0x49: {  	[sflag:s9] =	ssyncset.done $0x0  }
0x4a: {  	s17 =	sadd.s32 $0x3000, s4;
	[sflag:s9] =	ssyncadd.s32 $0xFFFFC000  }
0x4b: {  	[hbm4b:s17+s3] =	stream.linear.scatter [tilespmem:s7], [sflag:$0x3], $0x4000, $0x38;
	[tilespmem:$0x8700] =	vst v63  }
0x4c: {  	_ =	swait.ge [sflag:s5], $0x4000  }
0x4d: {  	[sflag:s5] =	ssyncset.done $0x0  }
0x4e: {  	s18 =	simm.s32 $0x400;
	[sflag:s5] =	ssyncadd.s32 $0xFFFFC000  }
0x4f: {  	[tilespmem:s7], [sflag:$0x1] =	stream.indirect.gather [hbm4b:s2+s6], $0x80, s18, s6, $0xb8;
	[tilespmem:$0x8700] =	vst v63  }
0x50: {  	_ =	swait.ge [sflag:s11], $0x4000  }
0x51: {  	[sflag:s11] =	ssyncset.done $0x0  }
0x52: {  	s19 =	sadd.s32 $0x3800, s31;
	[sflag:s11] =	ssyncadd.s32 $0xFFFFC000  }
0x53: {  	[hbm4b:s19+s3] =	stream.linear.scatter [tilespmem:s8], [sflag:$0x3], $0x4000, $0x38;
	[tilespmem:$0x8700] =	vst v63  }
0x54: {  	_ =	swait.ge [sflag:s5], $0x4000  }
0x55: {  	[sflag:s5] =	ssyncset.done $0x0  }
0x56: {  	s20 =	simm.s32 $0x480;
	[sflag:s5] =	ssyncadd.s32 $0xFFFFC000  }
0x57: {  	[tilespmem:s8], [sflag:$0x2] =	stream.indirect.gather [hbm4b:s2+s6], $0x80, s20, s6, $0xb8;
	[tilespmem:$0x8700] =	vst v63  }
0x58: {  	_ =	swait.ge [sflag:s9], $0x4000  }
0x59: {  	[sflag:s9] =	ssyncset.done $0x0  }
0x5a: {  	s21 =	sadd.s32 $0x4000, s4;
	[sflag:s9] =	ssyncadd.s32 $0xFFFFC000  }
0x5b: {  	[hbm4b:s21+s3] =	stream.linear.scatter [tilespmem:s7], [sflag:$0x3], $0x4000, $0x38;
	[tilespmem:$0x8700] =	vst v63  }
0x5c: {  	_ =	swait.ge [sflag:s5], $0x4000  }
0x5d: {  	[sflag:s5] =	ssyncset.done $0x0  }
0x5e: {  	s22 =	simm.s32 $0x500;
	[sflag:s5] =	ssyncadd.s32 $0xFFFFC000  }
0x5f: {  	[tilespmem:s7], [sflag:$0x1] =	stream.indirect.gather [hbm4b:s2+s6], $0x80, s22, s6, $0xb8;
	[tilespmem:$0x8700] =	vst v63  }
0x60: {  	_ =	swait.ge [sflag:s11], $0x4000  }
0x61: {  	[sflag:s11] =	ssyncset.done $0x0  }
0x62: {  	s23 =	sadd.s32 $0x4800, s31;
	[sflag:s11] =	ssyncadd.s32 $0xFFFFC000  }
0x63: {  	[hbm4b:s23+s3] =	stream.linear.scatter [tilespmem:s8], [sflag:$0x3], $0x4000, $0x38;
	[tilespmem:$0x8700] =	vst v63  }
0x64: {  	_ =	swait.ge [sflag:s5], $0x4000  }
0x65: {  	[sflag:s5] =	ssyncset.done $0x0  }
0x66: {  	s24 =	simm.s32 $0x580;
	[sflag:s5] =	ssyncadd.s32 $0xFFFFC000  }
0x67: {  	[tilespmem:s8], [sflag:$0x2] =	stream.indirect.gather [hbm4b:s2+s6], $0x80, s24, s6, $0xb8;
	[tilespmem:$0x8700] =	vst v63  }
0x68: {  	_ =	swait.ge [sflag:s9], $0x4000  }
0x69: {  	[sflag:s9] =	ssyncset.done $0x0  }
0x6a: {  	s25 =	sadd.s32 $0x5000, s4;
	[sflag:s9] =	ssyncadd.s32 $0xFFFFC000  }
0x6b: {  	[hbm4b:s25+s3] =	stream.linear.scatter [tilespmem:s7], [sflag:$0x3], $0x4000, $0x38;
	[tilespmem:$0x8700] =	vst v63  }
0x6c: {  	_ =	swait.ge [sflag:s5], $0x4000  }
0x6d: {  	[sflag:s5] =	ssyncset.done $0x0  }
0x6e: {  	s26 =	simm.s32 $0x600;
	[sflag:s5] =	ssyncadd.s32 $0xFFFFC000  }
0x6f: {  	[tilespmem:s7], [sflag:$0x1] =	stream.indirect.gather [hbm4b:s2+s6], $0x80, s26, s6, $0xb8;
	[tilespmem:$0x8700] =	vst v63  }
0x70: {  	_ =	swait.ge [sflag:s11], $0x4000  }
0x71: {  	[sflag:s11] =	ssyncset.done $0x0  }
0x72: {  	s28 =	sadd.s32 $0x5800, s31;
	[sflag:s11] =	ssyncadd.s32 $0xFFFFC000  }
0x73: {  	[hbm4b:s28+s3] =	stream.linear.scatter [tilespmem:s8], [sflag:$0x3], $0x4000, $0x38;
	[tilespmem:$0x8700] =	vst v63  }
0x74: {  	_ =	swait.ge [sflag:s5], $0x4000  }
0x75: {  	[sflag:s5] =	ssyncset.done $0x0  }
0x76: {  	s29 =	simm.s32 $0x680;
	[sflag:s5] =	ssyncadd.s32 $0xFFFFC000  }
0x77: {  	[tilespmem:s8], [sflag:$0x2] =	stream.indirect.gather [hbm4b:s2+s6], $0x80, s29, s6, $0xb8;
	[tilespmem:$0x8700] =	vst v63  }
0x78: {  	_ =	swait.ge [sflag:s9], $0x4000  }
0x79: {  	s1 =	ssub.s32 $0x2, s1;
	[sflag:s9] =	ssyncset.done $0x0  }
0x7a: {  	s0 =	sshrl.u32 s1, $0x1;
	s30 =	sadd.s32 $0x6000, s4;
	[sflag:s9] =	ssyncadd.s32 $0xFFFFC000  }
0x7b: {  	[hbm4b:s30+s3] =	stream.linear.scatter [tilespmem:s7], [sflag:$0x3], $0x4000, $0x38;
	[tilespmem:$0x8700] =	vst v63  }
0x7c: {  	s0 =	ssub.s32 s1, s0;
	_ =	swait.ge [sflag:s5], $0x4000  }
0x7d: {  	s0 =	smax.u32 s0, $0x1;
	[sflag:s5] =	ssyncset.done $0x0  }
0x7e: {  	p0 =	sne.s32 s0, $0x1;
	[sflag:s5] =	ssyncadd.s32 $0xFFFFC000  }
.Ltmp0:
0x7f: {  	_ =	swait.ge [sflag:s11], $0x4000;
	(pc) =	sbr.rel @!p0 .LBB2_2-.Ltmp0, $4  }
0x80: {  	[sflag:s11] =	ssyncset.done $0x0  }
0x81: {  	s31 =	sadd.s32 $0x6800, s31;
	[sflag:s11] =	ssyncadd.s32 $0xFFFFC000  }
0x82: {  	[hbm4b:s31+s3] =	stream.linear.scatter [tilespmem:s8], [sflag:$0x3], $0x4000, $0x38;
	[tilespmem:$0x8700] =	vst v63  }
0x83: {  	s1 =	sadd.s32 $0xFFFFFFFF, s0;
	_ =	swait.ge [sflag:s5], $0x4000  }
.LBB2_1:
0x84: {  	[sflag:s5] =	ssyncset.done $0x0  }
0x85: {  	s0 =	rddreg [dreg:$0x3];
	[sflag:s5] =	ssyncadd.s32 $0xFFFFC000  }
0x86: {  	[tilespmem:s3], [sflag:$0x3] =	stream.linear.gather [hbm4b:s0+s3], $0x700, $0x38;
	[tilespmem:$0x8700] =	vst v63  }
0x87: {  	_ =	swait.ge [sflag:s5], $0x700  }
0x88: {  	[sflag:s5] =	ssyncset.done $0x0  }
0x89: {  	[sflag:s5] =	ssyncadd.s32 $0xFFFFF900  }
0x8a: {  	[tilespmem:s7], [sflag:$0x1] =	stream.indirect.gather [hbm4b:s2+s6], $0x80, s3, s6, $0xb8;
	[tilespmem:$0x8700] =	vst v63  }
0x8b: {  	_ = 	snop  }
0x8c: {  	[tilespmem:s8], [sflag:$0x2] =	stream.indirect.gather [hbm4b:s2+s6], $0x80, s6, s6, $0xb8;
	[tilespmem:$0x8700] =	vst v63  }
0x8d: {  	_ =	swait.ge [sflag:s9], $0x4000  }
0x8e: {  	[sflag:s9] =	ssyncset.done $0x0  }
0x8f: {  	[sflag:s9] =	ssyncadd.s32 $0xFFFFC000  }
0x90: {  	[hbm4b:s4+s3] =	stream.linear.scatter [tilespmem:s7], [sflag:$0x3], $0x4000, $0x38;
	[tilespmem:$0x8700] =	vst v63  }
0x91: {  	_ =	swait.ge [sflag:s5], $0x4000  }
0x92: {  	[sflag:s5] =	ssyncset.done $0x0  }
0x93: {  	[sflag:s5] =	ssyncadd.s32 $0xFFFFC000  }
0x94: {  	[tilespmem:s7], [sflag:$0x1] =	stream.indirect.gather [hbm4b:s2+s6], $0x80, s10, s6, $0xb8;
	[tilespmem:$0x8700] =	vst v63  }
0x95: {  	_ =	swait.ge [sflag:s11], $0x4000  }
0x96: {  	[sflag:s11] =	ssyncset.done $0x0  }
0x97: {  	s0 =	rddreg [dreg:$0x4];
	[sflag:s11] =	ssyncadd.s32 $0xFFFFC000  }
0x98: {  	[hbm4b:s0+s3] =	stream.linear.scatter [tilespmem:s8], [sflag:$0x3], $0x4000, $0x38;
	[tilespmem:$0x8700] =	vst v63  }
0x99: {  	_ =	swait.ge [sflag:s5], $0x4000  }
0x9a: {  	[sflag:s5] =	ssyncset.done $0x0  }
0x9b: {  	[sflag:s5] =	ssyncadd.s32 $0xFFFFC000  }
0x9c: {  	[tilespmem:s8], [sflag:$0x2] =	stream.indirect.gather [hbm4b:s2+s6], $0x80, s12, s6, $0xb8;
	[tilespmem:$0x8700] =	vst v63  }
0x9d: {  	_ =	swait.ge [sflag:s9], $0x4000  }
0x9e: {  	[sflag:s9] =	ssyncset.done $0x0  }
0x9f: {  	s0 =	rddreg [dreg:$0x5];
	[sflag:s9] =	ssyncadd.s32 $0xFFFFC000  }
0xa0: {  	[hbm4b:s0+s3] =	stream.linear.scatter [tilespmem:s7], [sflag:$0x3], $0x4000, $0x38;
	[tilespmem:$0x8700] =	vst v63  }
0xa1: {  	_ =	swait.ge [sflag:s5], $0x4000  }
0xa2: {  	[sflag:s5] =	ssyncset.done $0x0  }
0xa3: {  	[sflag:s5] =	ssyncadd.s32 $0xFFFFC000  }
0xa4: {  	[tilespmem:s7], [sflag:$0x1] =	stream.indirect.gather [hbm4b:s2+s6], $0x80, s13, s6, $0xb8;
	[tilespmem:$0x8700] =	vst v63  }
0xa5: {  	_ =	swait.ge [sflag:s11], $0x4000  }
0xa6: {  	[sflag:s11] =	ssyncset.done $0x0  }
0xa7: {  	s0 =	rddreg [dreg:$0x6];
	[sflag:s11] =	ssyncadd.s32 $0xFFFFC000  }
0xa8: {  	[hbm4b:s0+s3] =	stream.linear.scatter [tilespmem:s8], [sflag:$0x3], $0x4000, $0x38;
	[tilespmem:$0x8700] =	vst v63  }
0xa9: {  	_ =	swait.ge [sflag:s5], $0x4000  }
0xaa: {  	[sflag:s5] =	ssyncset.done $0x0  }
0xab: {  	[sflag:s5] =	ssyncadd.s32 $0xFFFFC000  }
0xac: {  	[tilespmem:s8], [sflag:$0x2] =	stream.indirect.gather [hbm4b:s2+s6], $0x80, s14, s6, $0xb8;
	[tilespmem:$0x8700] =	vst v63  }
0xad: {  	_ =	swait.ge [sflag:s9], $0x4000  }
0xae: {  	[sflag:s9] =	ssyncset.done $0x0  }
0xaf: {  	s0 =	rddreg [dreg:$0x7];
	[sflag:s9] =	ssyncadd.s32 $0xFFFFC000  }
0xb0: {  	[hbm4b:s0+s3] =	stream.linear.scatter [tilespmem:s7], [sflag:$0x3], $0x4000, $0x38;
	[tilespmem:$0x8700] =	vst v63  }
0xb1: {  	_ =	swait.ge [sflag:s5], $0x4000  }
0xb2: {  	[sflag:s5] =	ssyncset.done $0x0  }
0xb3: {  	[sflag:s5] =	ssyncadd.s32 $0xFFFFC000  }
0xb4: {  	[tilespmem:s7], [sflag:$0x1] =	stream.indirect.gather [hbm4b:s2+s6], $0x80, s15, s6, $0xb8;
	[tilespmem:$0x8700] =	vst v63  }
0xb5: {  	_ =	swait.ge [sflag:s11], $0x4000  }
0xb6: {  	[sflag:s11] =	ssyncset.done $0x0  }
0xb7: {  	s0 =	rddreg [dreg:$0x8];
	[sflag:s11] =	ssyncadd.s32 $0xFFFFC000  }
0xb8: {  	[hbm4b:s0+s3] =	stream.linear.scatter [tilespmem:s8], [sflag:$0x3], $0x4000, $0x38;
	[tilespmem:$0x8700] =	vst v63  }
0xb9: {  	_ =	swait.ge [sflag:s5], $0x4000  }
0xba: {  	[sflag:s5] =	ssyncset.done $0x0  }
0xbb: {  	[sflag:s5] =	ssyncadd.s32 $0xFFFFC000  }
0xbc: {  	[tilespmem:s8], [sflag:$0x2] =	stream.indirect.gather [hbm4b:s2+s6], $0x80, s16, s6, $0xb8;
	[tilespmem:$0x8700] =	vst v63  }
0xbd: {  	_ =	swait.ge [sflag:s9], $0x4000  }
0xbe: {  	[sflag:s9] =	ssyncset.done $0x0  }
0xbf: {  	[sflag:s9] =	ssyncadd.s32 $0xFFFFC000  }
0xc0: {  	[hbm4b:s17+s3] =	stream.linear.scatter [tilespmem:s7], [sflag:$0x3], $0x4000, $0x38;
	[tilespmem:$0x8700] =	vst v63  }
0xc1: {  	_ =	swait.ge [sflag:s5], $0x4000  }
0xc2: {  	[sflag:s5] =	ssyncset.done $0x0  }
0xc3: {  	[sflag:s5] =	ssyncadd.s32 $0xFFFFC000  }
0xc4: {  	[tilespmem:s7], [sflag:$0x1] =	stream.indirect.gather [hbm4b:s2+s6], $0x80, s18, s6, $0xb8;
	[tilespmem:$0x8700] =	vst v63  }
0xc5: {  	_ =	swait.ge [sflag:s11], $0x4000  }
0xc6: {  	[sflag:s11] =	ssyncset.done $0x0  }
0xc7: {  	[sflag:s11] =	ssyncadd.s32 $0xFFFFC000  }
0xc8: {  	[hbm4b:s19+s3] =	stream.linear.scatter [tilespmem:s8], [sflag:$0x3], $0x4000, $0x38;
	[tilespmem:$0x8700] =	vst v63  }
0xc9: {  	_ =	swait.ge [sflag:s5], $0x4000  }
0xca: {  	[sflag:s5] =	ssyncset.done $0x0  }
0xcb: {  	[sflag:s5] =	ssyncadd.s32 $0xFFFFC000  }
0xcc: {  	[tilespmem:s8], [sflag:$0x2] =	stream.indirect.gather [hbm4b:s2+s6], $0x80, s20, s6, $0xb8;
	[tilespmem:$0x8700] =	vst v63  }
0xcd: {  	_ =	swait.ge [sflag:s9], $0x4000  }
0xce: {  	[sflag:s9] =	ssyncset.done $0x0  }
0xcf: {  	[sflag:s9] =	ssyncadd.s32 $0xFFFFC000  }
0xd0: {  	[hbm4b:s21+s3] =	stream.linear.scatter [tilespmem:s7], [sflag:$0x3], $0x4000, $0x38;
	[tilespmem:$0x8700] =	vst v63  }
0xd1: {  	_ =	swait.ge [sflag:s5], $0x4000  }
0xd2: {  	[sflag:s5] =	ssyncset.done $0x0  }
0xd3: {  	[sflag:s5] =	ssyncadd.s32 $0xFFFFC000  }
0xd4: {  	[tilespmem:s7], [sflag:$0x1] =	stream.indirect.gather [hbm4b:s2+s6], $0x80, s22, s6, $0xb8;
	[tilespmem:$0x8700] =	vst v63  }
0xd5: {  	_ =	swait.ge [sflag:s11], $0x4000  }
0xd6: {  	[sflag:s11] =	ssyncset.done $0x0  }
0xd7: {  	[sflag:s11] =	ssyncadd.s32 $0xFFFFC000  }
0xd8: {  	[hbm4b:s23+s3] =	stream.linear.scatter [tilespmem:s8], [sflag:$0x3], $0x4000, $0x38;
	[tilespmem:$0x8700] =	vst v63  }
0xd9: {  	_ =	swait.ge [sflag:s5], $0x4000  }
0xda: {  	[sflag:s5] =	ssyncset.done $0x0  }
0xdb: {  	[sflag:s5] =	ssyncadd.s32 $0xFFFFC000  }
0xdc: {  	[tilespmem:s8], [sflag:$0x2] =	stream.indirect.gather [hbm4b:s2+s6], $0x80, s24, s6, $0xb8;
	[tilespmem:$0x8700] =	vst v63  }
0xdd: {  	_ =	swait.ge [sflag:s9], $0x4000  }
0xde: {  	[sflag:s9] =	ssyncset.done $0x0  }
0xdf: {  	[sflag:s9] =	ssyncadd.s32 $0xFFFFC000  }
0xe0: {  	[hbm4b:s25+s3] =	stream.linear.scatter [tilespmem:s7], [sflag:$0x3], $0x4000, $0x38;
	[tilespmem:$0x8700] =	vst v63  }
0xe1: {  	_ =	swait.ge [sflag:s5], $0x4000  }
0xe2: {  	[sflag:s5] =	ssyncset.done $0x0  }
0xe3: {  	[sflag:s5] =	ssyncadd.s32 $0xFFFFC000  }
0xe4: {  	[tilespmem:s7], [sflag:$0x1] =	stream.indirect.gather [hbm4b:s2+s6], $0x80, s26, s6, $0xb8;
	[tilespmem:$0x8700] =	vst v63  }
0xe5: {  	_ =	swait.ge [sflag:s11], $0x4000  }
0xe6: {  	[sflag:s11] =	ssyncset.done $0x0  }
0xe7: {  	[sflag:s11] =	ssyncadd.s32 $0xFFFFC000  }
0xe8: {  	[hbm4b:s28+s3] =	stream.linear.scatter [tilespmem:s8], [sflag:$0x3], $0x4000, $0x38;
	[tilespmem:$0x8700] =	vst v63  }
0xe9: {  	_ =	swait.ge [sflag:s5], $0x4000  }
0xea: {  	[sflag:s5] =	ssyncset.done $0x0  }
0xeb: {  	[sflag:s5] =	ssyncadd.s32 $0xFFFFC000  }
0xec: {  	[tilespmem:s8], [sflag:$0x2] =	stream.indirect.gather [hbm4b:s2+s6], $0x80, s29, s6, $0xb8;
	[tilespmem:$0x8700] =	vst v63  }
0xed: {  	_ =	swait.ge [sflag:s9], $0x4000  }
0xee: {  	[sflag:s9] =	ssyncset.done $0x0  }
0xef: {  	[sflag:s9] =	ssyncadd.s32 $0xFFFFC000  }
0xf0: {  	[hbm4b:s30+s3] =	stream.linear.scatter [tilespmem:s7], [sflag:$0x3], $0x4000, $0x38;
	[tilespmem:$0x8700] =	vst v63  }
0xf1: {  	_ =	swait.ge [sflag:s5], $0x4000  }
0xf2: {  	[sflag:s5] =	ssyncset.done $0x0  }
0xf3: {  	p0 =	sne.s32 s1, $0x1;
	[sflag:s5] =	ssyncadd.s32 $0xFFFFC000  }
.Ltmp1:
0xf4: {  	_ =	swait.ge [sflag:s11], $0x4000;
	(pc) =	sbr.rel @p0 .LBB2_1-.Ltmp1, $4  }
0xf5: {  	[sflag:s11] =	ssyncset.done $0x0  }
0xf6: {  	[sflag:s11] =	ssyncadd.s32 $0xFFFFC000  }
0xf7: {  	[hbm4b:s31+s3] =	stream.linear.scatter [tilespmem:s8], [sflag:$0x3], $0x4000, $0x38;
	[tilespmem:$0x8700] =	vst v63  }
0xf8: {  	s1 =	sadd.s32 $0xFFFFFFFF, s1;
	_ =	swait.ge [sflag:s5], $0x4000  }
.LBB2_2:
0xf9: {  	[sflag:s5] =	ssyncset.done $0x0  }
0xfa: {  	[sflag:s5] =	ssyncadd.s32 $0xFFFFC000  }
0xfb: {  	_ =	sfence.sel $0x180000  }
0xfc: {  	[bflag:$0x0] =	sbarrier.arrive $0xFFFF  }
0xfd: {  	_ =	strace $0x90000053  }
0xfe: {  	s0 =	stileid.u32;
	[bflag:$0x2] =	sbarrier.arrive $0xFFFF  }
0xff: {  	p0 =	sne.s32 s0, $0x0;
	s0 =	rddreg [dreg:$0x2]  }
0x100: {  	s0 =	sadd.s32 @!p0 $0x100000, s0  }
0x101: {  	[sflag:s0] =	ssyncadd.tile.s32 @!p0 $0x1;
	_ =	shalt  }
.Lfunc_end2:
_tile_overlayer_lowered:
.L_overlay_start_2:
0x102: {  	(tag) =	ssettag $0x2  }
0x103: {  	s0 =	rddreg [dreg:$0x0];
	s2 =	stileid.u32  }
0x104: {  	s1 =	rddreg [dreg:$0x1];
	p0 =	sne.s32 s2, $0x0  }
0x105: {  	s3 =	rddreg [dreg:$0x2];
	[bflag:$0x3] =	sbarrier.arrive $0xFFFF;
	s2 =	simm.s32 @!p0 $0x1C03  }
0x106: {  	[timem:s3], [sflag:s2] =	dma.local @!p0 [hbm:s0], s1  }
0x107: {  	s0 =	simm.s32 @!p0 $0x3  }
0x108: {  	_ =	swait.ge @!p0 [sflag:s0], s1  }
0x109: {  	s1 =	ssub.s32 @!p0 $0x0, s1;
	[sflag:s0] =	ssyncset.done @!p0 $0x0  }
0x10a: {  	[sflag:s0] =	ssyncadd.s32 @!p0 s1  }
0x10b: {  	[bflag:$0x3] =	sbarrier.arrive $0xFFFF  }
0x10c: {  	_ =	shalt  }

// kernel: kernel.29.cloned.1.call-start
scs
__scs_entry_jumppad:
0x0: {  	(pc) =	sbr.rel $0x88, $3  }
0x1: {  	(tag) =	ssettag $0x0;
	lr =	simm.s32 $0x1  }
0x2: {  	[smem:$0x3F9D] =	sst lr;
	_ =	strace $0xD0000000  }
0x3: {  	_ = 	snop  }
0x4: {  	_ = 	snop  }
0x5: {  	_ = 	snop  }
0x6: {  	_ = 	snop  }
0x7: {  	_ = 	snop  }
__scs_overlays_trampoline_lowered:
0x8: {  	[smem:$0x3FAC] =	sst s0  }
0x9: {  	[smem:$0x3FAD] =	sst s1  }
0xa: {  	[smem:$0x3FAE] =	sst s2  }
0xb: {  	[smem:$0x3FAF] =	sst s3  }
0xc: {  	[smem:$0x3FB0] =	sst s4  }
0xd: {  	[smem:$0x3FB1] =	sst s5  }
0xe: {  	[smem:$0x3FB2] =	sst s6  }
0xf: {  	[smem:$0x3FB3] =	sst s7  }
0x10: {  	[smem:$0x3FB4] =	sst s8  }
0x11: {  	[smem:$0x3FB5] =	sst s9;
	s0 =	simm.s32 @!p0 $0x0  }
0x12: {  	s1 =	sld [smem:$0x3F9B];
	s0 =	simm.s32 @p0 $0x1  }
0x13: {  	[smem:$0x3FB6] =	sst s0;
	s0 =	simm.s32 @!p1 $0x0  }
0x14: {  	s2 =	sld [smem:$0x3F9A];
	s0 =	simm.s32 @p1 $0x1  }
0x15: {  	[smem:$0x3FB7] =	sst s0;
	s0 =	simm.s32 @!p2 $0x0  }
0x16: {  	s3 =	sld [smem:$0x3FDB];
	s0 =	simm.s32 @p2 $0x1  }
0x17: {  	s4 =	simm.s32 $0x1BF5;
	[smem:$0x3FB9] =	sst s0  }
0x18: {  	s0 =	sld [smem:$0x3F9C];
	_ =	swait.ge [sflag:s4], $0x0  }
0x19: {  	s7 =	sld [smem:$0x3F9D]  }
0x1a: {  	s8 =	sadd.s32 $0xFFFFE003, lr  }
0x1b: {  	s9 =	sadd.s32 $0xFFFFFEF7, lr;
	s5 =	simm.s32 $0xFFFFFFFF;
	p2 =	slt.u32 s8, $0xFFFFF086  }
0x1c: {  	p1 =	slt.u32 s9, $0xF7A;
	s5 =	simm.s32 @!p2 $0x0  }
0x1d: {  	s5 =	simm.s32 @p1 $0x1;
	p0 =	seq.s32 s7, s2  }
0x1e: {  	s7 =	smul.u32 @!p0 $0xF7A, s2;
	p2 =	seq.s32 @!p0 s5, $0x0  }
0x1f: {  	s9 =	smul.u32 $0xF7A, s1;
	s8 =	simm.s32 @!p0 $0x1BF5;
	p2 =	por !p2, p0  }
0x20: {  	[sflag:s8] =	ssyncset.s32 @!p0 $0xFFFFF086;
	s6 =	sadd.s32 @!p0 s3, s7;
	s7 =	simm.s32 @!p0 $0x108  }
0x21: {  	s3 =	sadd.s32 s3, s9;
	s6 =	sadd.s32 @!p0 $0x88, s6;
	s7 =	simm.s32 @p2 $0x1082  }
0x22: {  	[simem:s7], [sflag:s8] =	dma.local @!p0 [hbm:s6], $0xF7A  }
0x23: {  	s9 =	sor.u32 $0xD0000000, s2;
	s6 =	simm.s32 $0x108;
	_ =	swait.ge @!p0 [sflag:s8], $0x0  }
0x24: {  	s3 =	sadd.s32 $0x88, s3;
	s6 =	simm.s32 @!p1 $0x1082;
	[sflag:s4] =	ssyncset.s32 $0xFFFFF086  }
0x25: {  	[simem:s6], [sflag:s4] =	dma.local [hbm:s3], $0xF7A  }
0x26: {  	[smem:$0x3F9D] =	sst s1;
	(tag) =	ssettag s2;
	_ =	strace s9  }
0x27: {  	s1 =	sld [smem:$0x3FAD]  }
0x28: {  	s2 =	sld [smem:$0x3FAE]  }
0x29: {  	s4 =	sld [smem:$0x3FB0]  }
0x2a: {  	p0 =	seq.s32 s5, $0x0;
	s5 =	sld [smem:$0x3FB1]  }
0x2b: {  	s6 =	sld [smem:$0x3FB2]  }
0x2c: {  	s7 =	sld [smem:$0x3FB3]  }
0x2d: {  	s3 =	simm.s32 $0x108;
	s8 =	sld [smem:$0x3FB4]  }
0x2e: {  	s3 =	simm.s32 @!p0 $0x1082;
	s9 =	sld [smem:$0x3FB5]  }
0x2f: {  	lr =	sadd.s32 s0, s3;
	s0 =	sld [smem:$0x3FAC]  }
0x30: {  	s3 =	sld [smem:$0x3FAF]  }
0x31: {  	[smem:$0x3FB8] =	sst s10  }
0x32: {  	s10 =	sld [smem:$0x3FB6];
	_ =	sdelay $0x3  }
0x33: {  	p0 =	seq.s32 s10, $0x1;
	s10 =	sld [smem:$0x3FB8];
	_ =	sdelay $0x3  }
0x34: {  	[smem:$0x3FB8] =	sst s10  }
0x35: {  	s10 =	sld [smem:$0x3FB7];
	_ =	sdelay $0x3  }
0x36: {  	p1 =	seq.s32 s10, $0x1;
	s10 =	sld [smem:$0x3FB8];
	_ =	sdelay $0x3  }
0x37: {  	[smem:$0x3FB8] =	sst s10  }
0x38: {  	s10 =	sld [smem:$0x3FB9]  }
0x39: {  	_ = 	snop;
	(pc) =	sbr.ind lr, $3  }
0x3a: {  	_ = 	snop  }
0x3b: {  	_ = 	snop  }
0x3c: {  	p2 =	seq.s32 s10, $0x1;
	s10 =	sld [smem:$0x3FB8]  }
0x3d: {  	_ =	shalt  }
0x3e: {  	_ =	shalt  }
0x3f: {  	_ =	shalt  }
0x40: {  	_ =	shalt  }
0x41: {  	_ =	shalt  }
0x42: {  	_ =	shalt  }
0x43: {  	_ =	shalt  }
0x44: {  	_ =	shalt  }
0x45: {  	_ =	shalt  }
0x46: {  	_ =	shalt  }
0x47: {  	_ =	shalt  }
0x48: {  	_ =	shalt  }
0x49: {  	_ =	shalt  }
0x4a: {  	_ =	shalt  }
0x4b: {  	_ =	shalt  }
0x4c: {  	_ =	shalt  }
0x4d: {  	_ =	shalt  }
0x4e: {  	_ =	shalt  }
0x4f: {  	_ =	shalt  }
0x50: {  	_ =	shalt  }
0x51: {  	_ =	shalt  }
0x52: {  	_ =	shalt  }
0x53: {  	_ =	shalt  }
0x54: {  	_ =	shalt  }
0x55: {  	_ =	shalt  }
0x56: {  	_ =	shalt  }
0x57: {  	_ =	shalt  }
0x58: {  	_ =	shalt  }
0x59: {  	_ =	shalt  }
0x5a: {  	_ =	shalt  }
0x5b: {  	_ =	shalt  }
0x5c: {  	_ =	shalt  }
0x5d: {  	_ =	shalt  }
0x5e: {  	_ =	shalt  }
0x5f: {  	_ =	shalt  }
0x60: {  	_ =	shalt  }
0x61: {  	_ =	shalt  }
0x62: {  	_ =	shalt  }
0x63: {  	_ =	shalt  }
0x64: {  	_ =	shalt  }
0x65: {  	_ =	shalt  }
0x66: {  	_ =	shalt  }
0x67: {  	_ =	shalt  }
0x68: {  	_ =	shalt  }
0x69: {  	_ =	shalt  }
0x6a: {  	_ =	shalt  }
0x6b: {  	_ =	shalt  }
0x6c: {  	_ =	shalt  }
0x6d: {  	_ =	shalt  }
0x6e: {  	_ =	shalt  }
0x6f: {  	_ =	shalt  }
0x70: {  	_ =	shalt  }
0x71: {  	_ =	shalt  }
0x72: {  	_ =	shalt  }
0x73: {  	_ =	shalt  }
0x74: {  	_ =	shalt  }
0x75: {  	_ =	shalt  }
0x76: {  	_ =	shalt  }
0x77: {  	_ =	shalt  }
0x78: {  	_ =	shalt  }
0x79: {  	_ =	shalt  }
0x7a: {  	_ =	shalt  }
0x7b: {  	_ =	shalt  }
0x7c: {  	_ =	shalt  }
0x7d: {  	_ =	shalt  }
0x7e: {  	_ =	shalt  }
0x7f: {  	_ =	shalt  }
0x80: {  	_ =	shalt  }
0x81: {  	_ =	shalt  }
0x82: {  	_ =	shalt  }
0x83: {  	_ =	shalt  }
0x84: {  	_ =	shalt  }
0x85: {  	_ =	shalt  }
0x86: {  	_ =	shalt  }
0x87: {  	_ =	shalt  }
.Lfunc_end0:
.L_simem_size_0:
called_computation.5_lowered:
.L_overlay_start_0:
0x88: {  	s2 =	sld [smem:$0x3FD9]  }
0x89: {  	s3 =	sld [smem:$0x3FFE];
	_ =	sdelay $0x1  }
0x8a: {  	s1 =	srdreg.scid  }
0x8b: {  	s0 =	sand.u32 $0x1, s1  }
0x8c: {  	s17 =	sshll.u32 s0, $0xA;
	s2 =	sadd.s32 s3, s2  }
0x8d: {  	s2 =	sadd.s32 s2, s17  }
0x8e: {  	[smem:$0x3FC4] =	sst s2  }
0x8f: {  	_ = 	snop  }
0x90: {  	s18 =	sld [smem:$0x3FC8];
	(tm) =	ssettm $0x1  }
0x91: {  	s19 =	sld [smem:$0x3FFB];
	_ =	sdelay $0x3  }
0x92: {  	_ =	strace s19  }
0x93: {  	s2 =	sld [smem:$0x3FFC];
	_ =	sdelay $0x3  }
0x94: {  	_ =	strace s2  }
0x95: {  	s2 =	sld [smem:$0x3FFD];
	_ =	sdelay $0x3  }
0x96: {  	_ =	strace s2  }
0x97: {  	_ =	strace $0x8FFFFFFF  }
0x98: {  	s20 =	sld [smem:$0x3FDB];
	_ =	sdelay $0x1  }
0x99: {  	s4 =	simm.s32 $_scs_section_size  }
0x9a: {  	s5 =	simm.s32 $_size__tile_overlayer_lowered;
	s6 =	simm.s32 $_tile_overlayer_lowered  }
0x9b: {  	s7 =	simm.s32 $0x1BFF;
	s21 =	sshll.u32 s6, $0x1;
	s4 =	sadd.s32 s4, s20  }
0x9c: {  	s22 =	simm.s32 $0x0;
	s5 =	sshll.u32 s5, $0x1;
	s6 =	sadd.s32 s21, s4  }
0x9d: {  	[timem:s22], [sflag:s7] =	dma.local [hbm:s6], s5  }
0x9e: {  	_ =	swait.ge [sflag:s7], s5  }
0x9f: {  	s5 =	ssub.s32 $0x0, s5;
	[sflag:s7] =	ssyncset.done $0x0  }
0xa0: {  	[sflag:s7] =	ssyncadd.s32 s5;
	_ =	sdelay $0x1  }
0xa1: {  	s23 =	simm.s32 $0x1B8B  }
0xa2: {  	_ =	swait.ge [sflag:s23], $0x1  }
0xa3: {  	[sflag:s23] =	ssyncset.done $0x0  }
0xa4: {  	[sflag:s23] =	ssyncadd.s32 $0xFFFFFFFF  }
0xa5: {  	s5 =	sld [smem:$0x0]  }
0xa6: {  	s6 =	sand.u32 $0xFFFFFFFE, s1  }
0xa7: {  	p0 =	sne.s32 s1, s6  }
0xa8: {  	s6 =	sshll.u32 @p0 s6, $0xE  }
0xa9: {  	s6 =	sadd.s32 @p0 $0x11B8D, s6;
	s7 =	sshll.u32 @p0 s5, $0x11  }
0xaa: {  	s6 =	sor.u32 @p0 s7, s6  }
0xab: {  	[sflag:s6] =	ssyncadd.remote.s32 @p0 $0x1;
	_ =	sdelay $0x1  }
0xac: {  	s6 =	simm.s32 @p0 $0x1B8D  }
0xad: {  	_ =	swait.eq @p0 [sflag:s6], $0x1  }
0xae: {  	[sflag:s6] =	ssyncadd.s32 @p0 $0xFFFFFFFF  }
0xaf: {  	s7 =	sshll.u32 @!p0 s1, $0xE  }
0xb0: {  	s7 =	sor.u32 @!p0 $0x4000, s7;
	s6 =	simm.s32 @!p0 $0x1B8D  }
0xb1: {  	s5 =	sshll.u32 @!p0 s5, $0x11;
	s7 =	sadd.s32 @!p0 $0x11B8D, s7;
	_ =	swait.eq @!p0 [sflag:s6], $0x1  }
0xb2: {  	s5 =	sor.u32 @!p0 s5, s7;
	[sflag:s6] =	ssyncadd.s32 @!p0 $0xFFFFFFFF  }
0xb3: {  	s25 =	simm.s32 $0x1B8E;
	s24 =	sld [smem:$0x3FFE];
	[sflag:s5] =	ssyncadd.remote.s32 @!p0 $0x1  }
0xb4: {  	s26 =	simm.s32 $execute0_lowered;
	[smem:$0x3FD2] =	sst s25  }
0xb5: {  	s6 =	sshll.u32 s26, $0x1;
	_ =	strace $0x80000055;
	[dreg:$0x1] =	wrdreg $0xFFFFFFFF  }
0xb6: {  	s28 =	simm.s32 $_size_execute0_lowered;
	s4 =	sadd.s32 s4, s6;
	[dreg:$0x0] =	wrdreg $0x0  }
0xb7: {  	s6 =	sshll.u32 s28, $0x1;
	[dreg:$0x2] =	wrdreg s4  }
0xb8: {  	[dreg:$0x3] =	wrdreg s6  }
0xb9: {  	[dreg:$0x4] =	wrdreg $0xC0  }
0xba: {  	_ =	task [dreg:s22], $0x5FFFF  }
0xbb: {  	[dreg:$0x1] =	wrdreg $0xFFFFFFFF  }
0xbc: {  	[dreg:$0x0] =	wrdreg $0x60  }
0xbd: {  	[dreg:$0x2] =	wrdreg s24  }
0xbe: {  	[dreg:$0x3] =	wrdreg s18  }
0xbf: {  	[dreg:$0x4] =	wrdreg $0xE  }
0xc0: {  	_ =	task.clear_ibuf [dreg:s22], $0x5FFFF;
	_ =	strace $0x90000055  }
0xc1: {  	s29 =	simm.s32 $0xE;
	_ =	strace $0x80000057  }
0xc2: {  	_ =	swait.ge [sflag:s29], $0x1  }
0xc3: {  	[sflag:s29] =	ssyncadd.s32 $0xFFFFFFFF  }
0xc4: {  	_ =	strace $0x90000057  }
0xc5: {  	_ =	sfence  }
0xc6: {  	s30 =	sld [smem:$0x0];
	_ =	sdelay $0x2  }
0xc7: {  	s31 =	sshll.u32 s1, $0xD;
	s1 =	sshrl.u32 s1, $0x2  }
0xc8: {  	s4 =	sand.u32 $0x4000, s31;
	s1 =	sadd.s32 s1, s30  }
0xc9: {  	s0 =	sor.u32 s4, s0;
	s1 =	sshll.u32 s1, $0x11  }
0xca: {  	s0 =	sor.u32 s1, s0  }
0xcb: {  	s0 =	sadd.s32 $0x8F2B, s0  }
0xcc: {  	[sflag:s0] =	ssyncadd.remote.s32 $0x1  }
0xcd: {  	_ =	sfence.sel $0xFFFF  }
0xce: {  	[dreg:$0x0] =	wrdreg $0xFFFFFFFF;
	(pc) =	sbr.abs _section_cstart, $3  }
0xcf: {  	[dreg:$0x1] =	wrdreg $0xFFFFFFFF  }
0xd0: {  	_ =	task.clear_ibuf [dreg:s22], $0x2FFFF;
	_ =	strace $0x9FFFFFFF  }
0xd1: {  	(tm) =	ssettm $0x7FFFFFFF  }
tec
execute0_lowered:
.L_overlay_start_1:
0x0: {  	(tag) =	ssettag $0x1  }
0x1: {  	s1 =	srdreg.scid;
	s0 =	stileid.u32  }
0x2: {  	s29 =	sand.u32 $0x1, s1;
	s26 =	sshll.u32 s0, $0x1  }
0x3: {  	s11 =	sor.u32 s29, s26  }
0x4: {  	s10 =	rddreg [dreg:$0x0];
	s4 =	smul.u32 $0x500, s11  }
0x5: {  	s2 =	rddreg [dreg:$0x1]  }
0x6: {  	s3 =	simm.s32 $0x0;
	s1 =	rddreg [dreg:$0x2];
	s4 =	sshrl.u32 s4, $0x3  }
0x7: {  	[smem:$0x7FF] =	sst s3;
	s4 =	sadd.s32 s10, s4  }
0x8: {  	_ =	strace $0x80000056;
	s5 =	sadd.s32 $0x7400, s4;
	s4 =	simm.s32 $0x3  }
0x9: {  	[tilespmem:s3], [sflag:$0x3] =	stream.linear.gather [hbm4b:s5+s3], $0x500, $0x38;
	[tilespmem:$0x8500] =	vst v63  }
0xa: {  	_ =	swait.ge [sflag:s4], $0x500  }
0xb: {  	[sflag:s4] =	ssyncset.done $0x0  }
0xc: {  	s6 =	simm.s32 $0x80;
	s7 =	simm.s32 $0x500;
	[sflag:s4] =	ssyncadd.s32 $0xFFFFFB00  }
0xd: {  	[tilespmem:s7], [sflag:$0x1] =	stream.indirect.gather [hbm4b:s2+s6], $0x80, s3, s6, $0xb8;
	[tilespmem:$0x8500] =	vst v63  }
0xe: {  	s8 =	simm.s32 $0x4500;
	s9 =	simm.s32 $0x1;
	s12 =	smul.u32 $0x28000, s11  }
0xf: {  	[tilespmem:s8], [sflag:$0x2] =	stream.indirect.gather [hbm4b:s2+s6], $0x80, s6, s6, $0xb8;
	[tilespmem:$0x8500] =	vst v63  }
0x10: {  	_ =	swait.ge [sflag:s9], $0x4000  }
0x11: {  	s13 =	sadd.s32 $0x268800, s10;
	s31 =	sshrl.u32 s12, $0x3;
	[sflag:s9] =	ssyncset.done $0x0  }
0x12: {  	s10 =	sadd.s32 s13, s31;
	[sflag:s9] =	ssyncadd.s32 $0xFFFFC000  }
0x13: {  	[hbm4b:s10+s3] =	stream.linear.scatter [tilespmem:s7], [sflag:$0x3], $0x4000, $0x38;
	[tilespmem:$0x8500] =	vst v63  }
0x14: {  	_ =	swait.ge [sflag:s4], $0x4000  }
0x15: {  	s14 =	smul.u32 $0x5000, s11;
	[sflag:s4] =	ssyncset.done $0x0  }
0x16: {  	s11 =	simm.s32 $0x100;
	s12 =	simm.s32 $0x2;
	[sflag:s4] =	ssyncadd.s32 $0xFFFFC000  }
0x17: {  	[tilespmem:s7], [sflag:$0x1] =	stream.indirect.gather [hbm4b:s2+s6], $0x80, s11, s6, $0xb8;
	[tilespmem:$0x8500] =	vst v63  }
0x18: {  	_ =	swait.ge [sflag:s12], $0x4000  }
0x19: {  	s30 =	sadd.s32 s13, s14;
	[sflag:s12] =	ssyncset.done $0x0  }
0x1a: {  	s13 =	sadd.s32 $0x800, s30;
	[sflag:s12] =	ssyncadd.s32 $0xFFFFC000  }
0x1b: {  	[hbm4b:s13+s3] =	stream.linear.scatter [tilespmem:s8], [sflag:$0x3], $0x4000, $0x38;
	[tilespmem:$0x8500] =	vst v63  }
0x1c: {  	_ =	swait.ge [sflag:s4], $0x4000  }
0x1d: {  	[sflag:s4] =	ssyncset.done $0x0  }
0x1e: {  	s14 =	simm.s32 $0x180;
	[sflag:s4] =	ssyncadd.s32 $0xFFFFC000  }
0x1f: {  	[tilespmem:s8], [sflag:$0x2] =	stream.indirect.gather [hbm4b:s2+s6], $0x80, s14, s6, $0xb8;
	[tilespmem:$0x8500] =	vst v63  }
0x20: {  	_ =	swait.ge [sflag:s9], $0x4000  }
0x21: {  	[sflag:s9] =	ssyncset.done $0x0  }
0x22: {  	s15 =	sadd.s32 $0x1000, s10;
	[sflag:s9] =	ssyncadd.s32 $0xFFFFC000  }
0x23: {  	[hbm4b:s15+s3] =	stream.linear.scatter [tilespmem:s7], [sflag:$0x3], $0x4000, $0x38;
	[tilespmem:$0x8500] =	vst v63  }
0x24: {  	_ =	swait.ge [sflag:s4], $0x4000  }
0x25: {  	[sflag:s4] =	ssyncset.done $0x0  }
0x26: {  	s16 =	simm.s32 $0x200;
	[sflag:s4] =	ssyncadd.s32 $0xFFFFC000  }
0x27: {  	[tilespmem:s7], [sflag:$0x1] =	stream.indirect.gather [hbm4b:s2+s6], $0x80, s16, s6, $0xb8;
	[tilespmem:$0x8500] =	vst v63  }
0x28: {  	_ =	swait.ge [sflag:s12], $0x4000  }
0x29: {  	[sflag:s12] =	ssyncset.done $0x0  }
0x2a: {  	s17 =	sadd.s32 $0x1800, s30;
	[sflag:s12] =	ssyncadd.s32 $0xFFFFC000  }
0x2b: {  	[hbm4b:s17+s3] =	stream.linear.scatter [tilespmem:s8], [sflag:$0x3], $0x4000, $0x38;
	[tilespmem:$0x8500] =	vst v63  }
0x2c: {  	_ =	swait.ge [sflag:s4], $0x4000  }
0x2d: {  	[sflag:s4] =	ssyncset.done $0x0  }
0x2e: {  	s18 =	simm.s32 $0x280;
	[sflag:s4] =	ssyncadd.s32 $0xFFFFC000  }
0x2f: {  	[tilespmem:s8], [sflag:$0x2] =	stream.indirect.gather [hbm4b:s2+s6], $0x80, s18, s6, $0xb8;
	[tilespmem:$0x8500] =	vst v63  }
0x30: {  	_ =	swait.ge [sflag:s9], $0x4000  }
0x31: {  	[sflag:s9] =	ssyncset.done $0x0  }
0x32: {  	s19 =	sadd.s32 $0x2000, s10;
	[sflag:s9] =	ssyncadd.s32 $0xFFFFC000  }
0x33: {  	[hbm4b:s19+s3] =	stream.linear.scatter [tilespmem:s7], [sflag:$0x3], $0x4000, $0x38;
	[tilespmem:$0x8500] =	vst v63  }
0x34: {  	_ =	swait.ge [sflag:s4], $0x4000  }
0x35: {  	[sflag:s4] =	ssyncset.done $0x0  }
0x36: {  	s20 =	simm.s32 $0x300;
	[sflag:s4] =	ssyncadd.s32 $0xFFFFC000  }
0x37: {  	[tilespmem:s7], [sflag:$0x1] =	stream.indirect.gather [hbm4b:s2+s6], $0x80, s20, s6, $0xb8;
	[tilespmem:$0x8500] =	vst v63  }
0x38: {  	_ =	swait.ge [sflag:s12], $0x4000  }
0x39: {  	[sflag:s12] =	ssyncset.done $0x0  }
0x3a: {  	s21 =	sadd.s32 $0x2800, s30;
	[sflag:s12] =	ssyncadd.s32 $0xFFFFC000  }
0x3b: {  	[hbm4b:s21+s3] =	stream.linear.scatter [tilespmem:s8], [sflag:$0x3], $0x4000, $0x38;
	[tilespmem:$0x8500] =	vst v63  }
0x3c: {  	_ =	swait.ge [sflag:s4], $0x4000  }
0x3d: {  	[sflag:s4] =	ssyncset.done $0x0  }
0x3e: {  	s22 =	simm.s32 $0x380;
	[sflag:s4] =	ssyncadd.s32 $0xFFFFC000  }
0x3f: {  	[tilespmem:s8], [sflag:$0x2] =	stream.indirect.gather [hbm4b:s2+s6], $0x80, s22, s6, $0xb8;
	[tilespmem:$0x8500] =	vst v63  }
0x40: {  	_ =	swait.ge [sflag:s9], $0x4000  }
0x41: {  	[sflag:s9] =	ssyncset.done $0x0  }
0x42: {  	s23 =	sadd.s32 $0x3000, s10;
	[sflag:s9] =	ssyncadd.s32 $0xFFFFC000  }
0x43: {  	[hbm4b:s23+s3] =	stream.linear.scatter [tilespmem:s7], [sflag:$0x3], $0x4000, $0x38;
	[tilespmem:$0x8500] =	vst v63  }
0x44: {  	_ =	swait.ge [sflag:s4], $0x4000  }
0x45: {  	[sflag:s4] =	ssyncset.done $0x0  }
0x46: {  	s24 =	simm.s32 $0x400;
	[sflag:s4] =	ssyncadd.s32 $0xFFFFC000  }
0x47: {  	[tilespmem:s7], [sflag:$0x1] =	stream.indirect.gather [hbm4b:s2+s6], $0x80, s24, s6, $0xb8;
	[tilespmem:$0x8500] =	vst v63  }
0x48: {  	_ =	swait.ge [sflag:s12], $0x4000  }
0x49: {  	[sflag:s12] =	ssyncset.done $0x0  }
0x4a: {  	s25 =	sadd.s32 $0x3800, s30;
	[sflag:s12] =	ssyncadd.s32 $0xFFFFC000  }
0x4b: {  	[hbm4b:s25+s3] =	stream.linear.scatter [tilespmem:s8], [sflag:$0x3], $0x4000, $0x38;
	[tilespmem:$0x8500] =	vst v63  }
0x4c: {  	_ =	swait.ge [sflag:s4], $0x4000  }
0x4d: {  	[sflag:s4] =	ssyncset.done $0x0  }
0x4e: {  	s26 =	simm.s32 $0x480;
	[sflag:s4] =	ssyncadd.s32 $0xFFFFC000  }
0x4f: {  	[tilespmem:s8], [sflag:$0x2] =	stream.indirect.gather [hbm4b:s2+s6], $0x80, s26, s6, $0xb8;
	[tilespmem:$0x8500] =	vst v63  }
0x50: {  	_ =	swait.ge [sflag:s9], $0x4000  }
0x51: {  	[sflag:s9] =	ssyncset.done $0x0  }
0x52: {  	s29 =	ssub.s32 $0x2, s29;
	s28 =	sadd.s32 $0x4000, s10;
	[sflag:s9] =	ssyncadd.s32 $0xFFFFC000  }
0x53: {  	[hbm4b:s28+s3] =	stream.linear.scatter [tilespmem:s7], [sflag:$0x3], $0x4000, $0x38;
	[tilespmem:$0x8500] =	vst v63  }
0x54: {  	s31 =	sshrl.u32 s29, $0x1;
	_ =	swait.ge [sflag:s4], $0x4000  }
0x55: {  	s29 =	ssub.s32 s29, s31;
	[sflag:s4] =	ssyncset.done $0x0  }
0x56: {  	s31 =	smax.u32 s29, $0x1;
	[sflag:s4] =	ssyncadd.s32 $0xFFFFC000  }
0x57: {  	p0 =	sne.s32 s31, $0x1;
	_ =	swait.ge [sflag:s12], $0x4000  }
.Ltmp0:
0x58: {  	[sflag:s12] =	ssyncset.done $0x0;
	(pc) =	sbr.rel @!p0 .LBB2_2-.Ltmp0, $4  }
0x59: {  	s29 =	sadd.s32 $0x4800, s30;
	[sflag:s12] =	ssyncadd.s32 $0xFFFFC000  }
0x5a: {  	[hbm4b:s29+s3] =	stream.linear.scatter [tilespmem:s8], [sflag:$0x3], $0x4000, $0x38;
	[tilespmem:$0x8500] =	vst v63  }
0x5b: {  	_ =	swait.ge [sflag:s4], $0x4000  }
0x5c: {  	s30 =	sadd.s32 $0xFFFFFFFF, s31;
	[sflag:s4] =	ssyncset.done $0x0  }
.LBB2_1:
0x5d: {  	p0 =	sne.s32 s30, $0x1;
	s30 =	sadd.s32 $0xFFFFFFFF, s30;
	[sflag:s4] =	ssyncadd.s32 $0xFFFFC000  }
0x5e: {  	[tilespmem:s3], [sflag:$0x3] =	stream.linear.gather [hbm4b:s5+s3], $0x500, $0x38;
	[tilespmem:$0x8500] =	vst v63  }
0x5f: {  	_ =	swait.ge [sflag:s4], $0x500  }
0x60: {  	[sflag:s4] =	ssyncset.done $0x0  }
0x61: {  	[sflag:s4] =	ssyncadd.s32 $0xFFFFFB00  }
0x62: {  	[tilespmem:s7], [sflag:$0x1] =	stream.indirect.gather [hbm4b:s2+s6], $0x80, s3, s6, $0xb8;
	[tilespmem:$0x8500] =	vst v63  }
0x63: {  	_ = 	snop  }
0x64: {  	[tilespmem:s8], [sflag:$0x2] =	stream.indirect.gather [hbm4b:s2+s6], $0x80, s6, s6, $0xb8;
	[tilespmem:$0x8500] =	vst v63  }
0x65: {  	_ =	swait.ge [sflag:s9], $0x4000  }
0x66: {  	[sflag:s9] =	ssyncset.done $0x0  }
0x67: {  	[sflag:s9] =	ssyncadd.s32 $0xFFFFC000  }
0x68: {  	[hbm4b:s10+s3] =	stream.linear.scatter [tilespmem:s7], [sflag:$0x3], $0x4000, $0x38;
	[tilespmem:$0x8500] =	vst v63  }
0x69: {  	_ =	swait.ge [sflag:s4], $0x4000  }
0x6a: {  	[sflag:s4] =	ssyncset.done $0x0  }
0x6b: {  	[sflag:s4] =	ssyncadd.s32 $0xFFFFC000  }
0x6c: {  	[tilespmem:s7], [sflag:$0x1] =	stream.indirect.gather [hbm4b:s2+s6], $0x80, s11, s6, $0xb8;
	[tilespmem:$0x8500] =	vst v63  }
0x6d: {  	_ =	swait.ge [sflag:s12], $0x4000  }
0x6e: {  	[sflag:s12] =	ssyncset.done $0x0  }
0x6f: {  	[sflag:s12] =	ssyncadd.s32 $0xFFFFC000  }
0x70: {  	[hbm4b:s13+s3] =	stream.linear.scatter [tilespmem:s8], [sflag:$0x3], $0x4000, $0x38;
	[tilespmem:$0x8500] =	vst v63  }
0x71: {  	_ =	swait.ge [sflag:s4], $0x4000  }
0x72: {  	[sflag:s4] =	ssyncset.done $0x0  }
0x73: {  	[sflag:s4] =	ssyncadd.s32 $0xFFFFC000  }
0x74: {  	[tilespmem:s8], [sflag:$0x2] =	stream.indirect.gather [hbm4b:s2+s6], $0x80, s14, s6, $0xb8;
	[tilespmem:$0x8500] =	vst v63  }
0x75: {  	_ =	swait.ge [sflag:s9], $0x4000  }
0x76: {  	[sflag:s9] =	ssyncset.done $0x0  }
0x77: {  	[sflag:s9] =	ssyncadd.s32 $0xFFFFC000  }
0x78: {  	[hbm4b:s15+s3] =	stream.linear.scatter [tilespmem:s7], [sflag:$0x3], $0x4000, $0x38;
	[tilespmem:$0x8500] =	vst v63  }
0x79: {  	_ =	swait.ge [sflag:s4], $0x4000  }
0x7a: {  	[sflag:s4] =	ssyncset.done $0x0  }
0x7b: {  	[sflag:s4] =	ssyncadd.s32 $0xFFFFC000  }
0x7c: {  	[tilespmem:s7], [sflag:$0x1] =	stream.indirect.gather [hbm4b:s2+s6], $0x80, s16, s6, $0xb8;
	[tilespmem:$0x8500] =	vst v63  }
0x7d: {  	_ =	swait.ge [sflag:s12], $0x4000  }
0x7e: {  	[sflag:s12] =	ssyncset.done $0x0  }
0x7f: {  	[sflag:s12] =	ssyncadd.s32 $0xFFFFC000  }
0x80: {  	[hbm4b:s17+s3] =	stream.linear.scatter [tilespmem:s8], [sflag:$0x3], $0x4000, $0x38;
	[tilespmem:$0x8500] =	vst v63  }
0x81: {  	_ =	swait.ge [sflag:s4], $0x4000  }
0x82: {  	[sflag:s4] =	ssyncset.done $0x0  }
0x83: {  	[sflag:s4] =	ssyncadd.s32 $0xFFFFC000  }
0x84: {  	[tilespmem:s8], [sflag:$0x2] =	stream.indirect.gather [hbm4b:s2+s6], $0x80, s18, s6, $0xb8;
	[tilespmem:$0x8500] =	vst v63  }
0x85: {  	_ =	swait.ge [sflag:s9], $0x4000  }
0x86: {  	[sflag:s9] =	ssyncset.done $0x0  }
0x87: {  	[sflag:s9] =	ssyncadd.s32 $0xFFFFC000  }
0x88: {  	[hbm4b:s19+s3] =	stream.linear.scatter [tilespmem:s7], [sflag:$0x3], $0x4000, $0x38;
	[tilespmem:$0x8500] =	vst v63  }
0x89: {  	_ =	swait.ge [sflag:s4], $0x4000  }
0x8a: {  	[sflag:s4] =	ssyncset.done $0x0  }
0x8b: {  	[sflag:s4] =	ssyncadd.s32 $0xFFFFC000  }
0x8c: {  	[tilespmem:s7], [sflag:$0x1] =	stream.indirect.gather [hbm4b:s2+s6], $0x80, s20, s6, $0xb8;
	[tilespmem:$0x8500] =	vst v63  }
0x8d: {  	_ =	swait.ge [sflag:s12], $0x4000  }
0x8e: {  	[sflag:s12] =	ssyncset.done $0x0  }
0x8f: {  	[sflag:s12] =	ssyncadd.s32 $0xFFFFC000  }
0x90: {  	[hbm4b:s21+s3] =	stream.linear.scatter [tilespmem:s8], [sflag:$0x3], $0x4000, $0x38;
	[tilespmem:$0x8500] =	vst v63  }
0x91: {  	_ =	swait.ge [sflag:s4], $0x4000  }
0x92: {  	[sflag:s4] =	ssyncset.done $0x0  }
0x93: {  	[sflag:s4] =	ssyncadd.s32 $0xFFFFC000  }
0x94: {  	[tilespmem:s8], [sflag:$0x2] =	stream.indirect.gather [hbm4b:s2+s6], $0x80, s22, s6, $0xb8;
	[tilespmem:$0x8500] =	vst v63  }
0x95: {  	_ =	swait.ge [sflag:s9], $0x4000  }
0x96: {  	[sflag:s9] =	ssyncset.done $0x0  }
0x97: {  	[sflag:s9] =	ssyncadd.s32 $0xFFFFC000  }
0x98: {  	[hbm4b:s23+s3] =	stream.linear.scatter [tilespmem:s7], [sflag:$0x3], $0x4000, $0x38;
	[tilespmem:$0x8500] =	vst v63  }
0x99: {  	_ =	swait.ge [sflag:s4], $0x4000  }
0x9a: {  	[sflag:s4] =	ssyncset.done $0x0  }
0x9b: {  	[sflag:s4] =	ssyncadd.s32 $0xFFFFC000  }
0x9c: {  	[tilespmem:s7], [sflag:$0x1] =	stream.indirect.gather [hbm4b:s2+s6], $0x80, s24, s6, $0xb8;
	[tilespmem:$0x8500] =	vst v63  }
0x9d: {  	_ =	swait.ge [sflag:s12], $0x4000  }
0x9e: {  	[sflag:s12] =	ssyncset.done $0x0  }
0x9f: {  	[sflag:s12] =	ssyncadd.s32 $0xFFFFC000  }
0xa0: {  	[hbm4b:s25+s3] =	stream.linear.scatter [tilespmem:s8], [sflag:$0x3], $0x4000, $0x38;
	[tilespmem:$0x8500] =	vst v63  }
0xa1: {  	_ =	swait.ge [sflag:s4], $0x4000  }
0xa2: {  	[sflag:s4] =	ssyncset.done $0x0  }
0xa3: {  	[sflag:s4] =	ssyncadd.s32 $0xFFFFC000  }
0xa4: {  	[tilespmem:s8], [sflag:$0x2] =	stream.indirect.gather [hbm4b:s2+s6], $0x80, s26, s6, $0xb8;
	[tilespmem:$0x8500] =	vst v63  }
0xa5: {  	_ =	swait.ge [sflag:s9], $0x4000  }
0xa6: {  	[sflag:s9] =	ssyncset.done $0x0  }
0xa7: {  	[sflag:s9] =	ssyncadd.s32 $0xFFFFC000  }
0xa8: {  	[hbm4b:s28+s3] =	stream.linear.scatter [tilespmem:s7], [sflag:$0x3], $0x4000, $0x38;
	[tilespmem:$0x8500] =	vst v63  }
0xa9: {  	_ =	swait.ge [sflag:s4], $0x4000  }
0xaa: {  	[sflag:s4] =	ssyncset.done $0x0  }
0xab: {  	[sflag:s4] =	ssyncadd.s32 $0xFFFFC000  }
0xac: {  	_ =	swait.ge [sflag:s12], $0x4000  }
.Ltmp1:
0xad: {  	[sflag:s12] =	ssyncset.done $0x0;
	(pc) =	sbr.rel @p0 .LBB2_1-.Ltmp1, $4  }
0xae: {  	[sflag:s12] =	ssyncadd.s32 $0xFFFFC000  }
0xaf: {  	[hbm4b:s29+s3] =	stream.linear.scatter [tilespmem:s8], [sflag:$0x3], $0x4000, $0x38;
	[tilespmem:$0x8500] =	vst v63  }
0xb0: {  	_ =	swait.ge [sflag:s4], $0x4000  }
0xb1: {  	[sflag:s4] =	ssyncset.done $0x0  }
.LBB2_2:
0xb2: {  	[sflag:s4] =	ssyncadd.s32 $0xFFFFC000  }
0xb3: {  	_ =	sfence.sel $0x180000  }
0xb4: {  	[bflag:$0x0] =	sbarrier.arrive $0xFFFF  }
0xb5: {  	p0 =	sne.s32 s0, $0x0;
	_ =	strace $0x90000056  }
0xb6: {  	s0 =	sadd.s32 @!p0 $0x100000, s1;
	[bflag:$0x2] =	sbarrier.arrive $0xFFFF  }
0xb7: {  	[sflag:s0] =	ssyncadd.tile.s32 @!p0 $0x1;
	_ =	shalt  }
.Lfunc_end2:
_tile_overlayer_lowered:
.L_overlay_start_2:
0xb8: {  	(tag) =	ssettag $0x2  }
0xb9: {  	s0 =	rddreg [dreg:$0x0];
	s2 =	stileid.u32  }
0xba: {  	s1 =	rddreg [dreg:$0x1];
	p0 =	sne.s32 s2, $0x0  }
0xbb: {  	s3 =	rddreg [dreg:$0x2];
	[bflag:$0x3] =	sbarrier.arrive $0xFFFF;
	s2 =	simm.s32 @!p0 $0x1C03  }
0xbc: {  	[timem:s3], [sflag:s2] =	dma.local @!p0 [hbm:s0], s1  }
0xbd: {  	s0 =	simm.s32 @!p0 $0x3  }
0xbe: {  	_ =	swait.ge @!p0 [sflag:s0], s1  }
0xbf: {  	s1 =	ssub.s32 @!p0 $0x0, s1;
	[sflag:s0] =	ssyncset.done @!p0 $0x0  }
0xc0: {  	[sflag:s0] =	ssyncadd.s32 @!p0 s1  }
0xc1: {  	[bflag:$0x3] =	sbarrier.arrive $0xFFFF  }
0xc2: {  	_ =	shalt  }

</sc_bundles>
